<compile_context>
chip_gen: v7x
topology: tpu7x:2x2x1
jax: 0.10.2.dev20260603
libtpu: 0.0.44.dev20260713+nightly
codegen_flags: <defaults>
</compile_context>

<pallas_src>
import functools

import jax
import jax.numpy as jnp
from jax import lax
from jax.experimental import pallas as pl
from jax.experimental.pallas import tpu as pltpu
from jax.experimental.pallas import tpu_sc as plsc

_VOCAB = 1000000
_D = 64
_B = 4096
_S = 200

_NC, _NS = 2, 16
_NW = _NC * _NS
_BW = _B // _NW
_TB = _B // 128
_TD = _D // 8
_OUT_R = _B * _S * _D // 128


def _pos_encoding():
    pos = jnp.arange(_S, dtype=jnp.float32)[:, None]
    i = jnp.arange(_D)[None, :]
    angle_rates = 1.0 / jnp.power(10000.0, (2.0 * (i // 2)) / jnp.float32(_D))
    angle_rads = pos * angle_rates
    return jnp.where(i % 2 == 0, jnp.sin(angle_rads), jnp.cos(angle_rads)).astype(
        jnp.float32
    )



_KT = 18
_NT_W = 3906


@functools.partial(
    pl.kernel,
    out_type=jax.ShapeDtypeStruct((_VOCAB // 2, 128), jnp.float32),
    mesh=plsc.VectorSubcoreMesh(core_axis_name="c", subcore_axis_name="s"),
    scratch_types=[
        pltpu.VMEM((_KT, 8, _D), jnp.float32),
        pltpu.VMEM((_KT, 8, _D), jnp.float32),
        pltpu.VMEM((_KT * 4, 128), jnp.float32),
        pltpu.VMEM((_KT * 4, 128), jnp.float32),
        pltpu.SemaphoreType.DMA,
        pltpu.SemaphoreType.DMA,
        pltpu.SemaphoreType.DMA,
        pltpu.SemaphoreType.DMA,
    ],
    compiler_params=pltpu.CompilerParams(
        use_tc_tiling_on_sc=True, needs_layout_passes=False
    ),
)
def _repack(t4_hbm, out_hbm, bi0, bi1, bp0, bp1, si0, si1, so0, so1):
    w = lax.axis_index("s") * _NC + lax.axis_index("c")
    base = w * _NT_W

    def start_in(g, bi, si):
        pltpu.async_copy(t4_hbm.at[pl.ds(base + g * _KT, _KT)], bi, si)

    def wait_in(bi, si):
        pltpu.make_async_copy(t4_hbm.at[pl.ds(0, _KT)], bi, si).wait()

    def start_o(g, bp, so):
        pltpu.async_copy(bp, out_hbm.at[pl.ds((base + g * _KT) * 4, _KT * 4)], so)

    def wait_o(bp, so):
        pltpu.make_async_copy(bp, out_hbm.at[pl.ds(0, _KT * 4)], so).wait()

    start_in(0, bi0, si0)
    start_in(1, bi1, si1)
    bufs = ((bi0, bp0, si0, so0), (bi1, bp1, si1, so1))

    def outer(i, carry):
        for b, (bi, bp, si, so) in enumerate(bufs):
            g = i * 2 + b
            wait_in(bi, si)

            @pl.when(g >= 2)
            def _():
                wait_o(bp, so)

            @plsc.parallel_loop(0, _KT * 8, step=1, unroll=4)
            def row_body(r):
                t = r // 8
                rr = r - t * 8
                half = (r & 1) * _D
                for c in range(_D // 16):
                    bp[r // 2, pl.ds(half + 16 * c, 16)] = bi[t, rr, pl.ds(16 * c, 16)]

            @pl.when(g + 2 < _NT_W // _KT)
            def _():
                start_in(g + 2, bi, si)

            start_o(g, bp, so)
        return carry

    lax.fori_loop(0, _NT_W // _KT // 2, outer, 0)

    last = _NT_W // _KT - 1
    wait_in(bi0, si0)
    wait_o(bp0, so0)

    @plsc.parallel_loop(0, _KT * 8, step=1, unroll=4)
    def last_body(r):
        t = r // 8
        rr = r - t * 8
        half = (r & 1) * _D
        for c in range(_D // 16):
            bp0[r // 2, pl.ds(half + 16 * c, 16)] = bi0[t, rr, pl.ds(16 * c, 16)]

    start_o(last, bp0, so0)
    wait_o(bp0, so0)
    wait_o(bp1, so1)

    @pl.when(w == 0)
    def _():
        pltpu.async_copy(t4_hbm.at[pl.ds(32 * _NT_W, 8)], bi0.at[pl.ds(0, 8)], si0)
        pltpu.make_async_copy(
            t4_hbm.at[pl.ds(0, 8)], bi0.at[pl.ds(0, 8)], si0
        ).wait()

        @plsc.parallel_loop(0, 64, step=1, unroll=4)
        def tail_body(r):
            t = r // 8
            rr = r - t * 8
            half = (r & 1) * _D
            for c in range(_D // 16):
                bp0[r // 2, pl.ds(half + 16 * c, 16)] = bi0[t, rr, pl.ds(16 * c, 16)]

        pltpu.async_copy(
            bp0.at[pl.ds(0, 32)], out_hbm.at[pl.ds(32 * _NT_W * 4, 32)], so0
        )
        pltpu.make_async_copy(
            bp0.at[pl.ds(0, 32)], out_hbm.at[pl.ds(0, 32)], so0
        ).wait()


@functools.partial(
    pl.kernel,
    out_type=jax.ShapeDtypeStruct((_OUT_R, 128), jnp.float32),
    mesh=plsc.VectorSubcoreMesh(core_axis_name="c", subcore_axis_name="s"),
    scratch_types=[
        pltpu.VMEM((_BW, _S), jnp.int32),
        pltpu.VMEM((_S, _BW), jnp.int32),
        pltpu.VMEM((_S, _D), jnp.float32),
        pltpu.VMEM((_BW, _D), jnp.float32),
        pltpu.VMEM((_BW, _D), jnp.float32),
        pltpu.VMEM((_D, 132), jnp.float32),
        pltpu.VMEM((_D, 132), jnp.float32),
        pltpu.SemaphoreType.DMA,
        pltpu.SemaphoreType.DMA,
        pltpu.SemaphoreType.DMA,
        pltpu.SemaphoreType.DMA,
    ],
    compiler_params=pltpu.CompilerParams(
        use_tc_tiling_on_sc=False, needs_layout_passes=False
    ),
)
def _embed(
    x_hbm, table_hbm, pe_hbm, out_hbm,
    idx_v, idxt_v, pe_v, bg0, bg1, bo0, bo1, sg0, sg1, so0, so1,
):
    w = lax.axis_index("s") * _NC + lax.axis_index("c")
    pltpu.sync_copy(x_hbm.at[pl.ds(w * _BW, _BW)], idx_v)
    pltpu.sync_copy(pe_hbm, pe_v)

    lane = lax.iota(jnp.int32, 16)
    biota = [lane + 16 * j for j in range(_BW // 16)]
    diota = [lane + 16 * c for c in range(_D // 16)]

    @plsc.parallel_loop(0, _S, step=1, unroll=4)
    def tr_idx(s):
        col = jnp.broadcast_to(s, (16,)).astype(jnp.int32)
        for j in range(_BW // 16):
            idxt_v[s, pl.ds(16 * j, 16)] = plsc.load_gather(idx_v, [biota[j], col])

    def start_gather(s, bg, sg):
        pltpu.async_copy(table_hbm.at[idxt_v.at[s]], bg, sg)

    def wait_gather(bg, sg):
        pltpu.make_async_copy(table_hbm.at[pl.ds(0, _BW)], bg, sg).wait()

    def start_out(s, bo, so):
        for td in range(_TD):
            pltpu.async_copy(
                bo.at[pl.ds(td * 8, 8), pl.ds(0, 128)],
                out_hbm.at[pl.ds(((s * _TD + td) * _TB + w) * 8, 8)],
                so,
            )

    def wait_out(bo, so):
        pltpu.make_async_copy(
            bo.at[pl.ds(0, _D), pl.ds(0, 128)], out_hbm.at[pl.ds(0, _D)], so
        ).wait()

    start_gather(0, bg0, sg0)
    start_gather(1, bg1, sg1)

    bufs = ((bg0, bo0, sg0, so0), (bg1, bo1, sg1, so1))

    def outer(i, carry):
        for b, (bg, bo, sg, so) in enumerate(bufs):
            s = i * 2 + b
            wait_gather(bg, sg)

            @pl.when(s >= 2)
            def _():
                wait_out(bo, so)

            pe_s = [pe_v[s, pl.ds(16 * c, 16)] for c in range(_D // 16)]

            @plsc.parallel_loop(0, _BW, step=1, unroll=4)
            def b_body(b):
                colb = jnp.broadcast_to(b, (16,)).astype(jnp.int32)
                for c in range(_D // 16):
                    v = bg[b, pl.ds(16 * c, 16)] + pe_s[c]
                    plsc.store_scatter(bo, [diota[c], colb], v)

            @pl.when(s + 2 < _S)
            def _():
                start_gather(s + 2, bg, sg)

            start_out(s, bo, so)
        return carry

    lax.fori_loop(0, _S // 2, outer, 0)
    wait_out(bo0, so0)
    wait_out(bo1, so1)


def kernel(x, table):
    pe = _pos_encoding()
    t64 = _repack(table.reshape(_VOCAB // 8, 8, _D)).reshape(_VOCAB, _D)
    out = _embed(x, t64, pe)
    return (
        out.reshape(_S, _TD, _TB, 8, 128)
        .transpose(2, 4, 0, 1, 3)
        .reshape(_B, _S, _D)
    )

# --- scband reference (transcript-rebuilt; emitter-appended) ---
"""Pipeline reference for scband-token-and-position-embedding-2465311228581 (READ-ONLY COPY).

The authoritative reference and input builder live on the scoring server;
editing this copy changes nothing except your own understanding.
"""

import jax, jax.numpy as jnp
import numpy as np

VOCAB_SIZE = 1000000
EMBED_DIM = 64
BATCH = 4096
SEQ_LEN = 200


def setup_inputs(seed: int = 0) -> dict:
    key = jax.random.key(seed)
    k1, k2 = jax.random.split(key)
    x = jax.random.randint(k1, (BATCH, SEQ_LEN), 0, VOCAB_SIZE, dtype=jnp.int64 if jax.config.jax_enable_x64 else jnp.int32)
    table = jax.random.normal(k2, (VOCAB_SIZE, EMBED_DIM), dtype=jnp.float32) * 0.02
    return {"x": x, "table": table}


def _positional_encoding(maxlen, d_model):
    pos = jnp.arange(maxlen, dtype=jnp.float32)[:, None]
    i = jnp.arange(d_model)[None, :]
    angle_rates = 1.0 / jnp.power(10000.0, (2.0 * (i // 2)) / jnp.float32(d_model))
    angle_rads = pos * angle_rates
    pe = jnp.where(i % 2 == 0, jnp.sin(angle_rads), jnp.cos(angle_rads))
    return pe[None, :, :].astype(jnp.float32)


def reference(x, table):
    maxlen = x.shape[-1]
    emb = jnp.take(table, x, axis=0)  # embedding lookup (gather)
    pos_encoding = _positional_encoding(maxlen, EMBED_DIM)
    return emb + pos_encoding

if __name__ == "__main__":
    import jax
    _d = setup_inputs()
    print(jax.jit(kernel)(*tuple(_d.values())))

</pallas_src>

<mosaic_0001>
#map = affine_map<(d0, d1) -> (0, 0)>
module attributes {stable_mosaic.version = 14 : i64} {
  func.func @_embed(%arg0: i32, %arg1: i32, %arg2: memref<4096x200xi32, #tpu.memory_space<hbm>>, %arg3: memref<1000000x64xf32, #tpu.memory_space<hbm>>, %arg4: memref<200x64xf32, #tpu.memory_space<hbm>>, %arg5: memref<409600x128xf32, #tpu.memory_space<hbm>>, %arg6: memref<128x200xi32, #tpu.memory_space<vmem>>, %arg7: memref<200x128xi32, #tpu.memory_space<vmem>>, %arg8: memref<200x64xf32, #tpu.memory_space<vmem>>, %arg9: memref<128x64xf32, #tpu.memory_space<vmem>>, %arg10: memref<128x64xf32, #tpu.memory_space<vmem>>, %arg11: memref<64x132xf32, #tpu.memory_space<vmem>>, %arg12: memref<64x132xf32, #tpu.memory_space<vmem>>, %arg13: memref<!tpu.dma_semaphore, #tpu.memory_space<semaphore_mem>>, %arg14: memref<!tpu.dma_semaphore, #tpu.memory_space<semaphore_mem>>, %arg15: memref<!tpu.dma_semaphore, #tpu.memory_space<semaphore_mem>>, %arg16: memref<!tpu.dma_semaphore, #tpu.memory_space<semaphore_mem>>) attributes {dimension_semantics = [#tpu.dimension_semantics<core_parallel>, #tpu.dimension_semantics<subcore_parallel>], iteration_bounds = array<i64: 2, 16>, scalar_prefetch = 0 : i64, scratch_operands = 11 : i64, tpu.core_type = #tpu.core_type<sc_vector_subcore>, window_params = [{transform_indices = #map}, {transform_indices = #map}, {transform_indices = #map}, {transform_indices = #map}]} {
    %mul3A = arith.constant 2 : i32
    %mul3A_0 = arith.muli %arg1, %mul3A : i32
    %add3A = arith.addi %mul3A_0, %arg0 : i32
    %mul3A_1 = arith.constant 128 : i32
    %mul3A_2 = arith.muli %add3A, %mul3A_1 : i32
    "tpu.region"() ({
      %run_scoped3A = tpu.sem_alloc : memref<!tpu.dma_semaphore, #tpu.memory_space<semaphore_mem>>
      %dma_start3A_82 = arith.constant 0 : i32
      %dma_start3A_83 = tpu.memref_slice %arg2[%mul3A_2, %dma_start3A_82] : memref<4096x200xi32, #tpu.memory_space<hbm>> -> memref<128x200xi32, #tpu.memory_space<hbm>>
      %dma_start3A_84 = arith.constant 0 : i32
      %dma_start3A_85 = tpu.memref_slice %arg2[%mul3A_2, %dma_start3A_84] : memref<4096x200xi32, #tpu.memory_space<hbm>> -> memref<128x200xi32, #tpu.memory_space<hbm>>
      tpu.enqueue_dma source(%dma_start3A_85 : memref<128x200xi32, #tpu.memory_space<hbm>>) target(%arg6 : memref<128x200xi32, #tpu.memory_space<vmem>>) target_semaphore(%run_scoped3A : memref<!tpu.dma_semaphore, #tpu.memory_space<semaphore_mem>>)
      %dma_wait3A_86 = arith.constant 0 : i32
      %dma_wait3A_87 = tpu.memref_slice %arg2[%mul3A_2, %dma_wait3A_86] : memref<4096x200xi32, #tpu.memory_space<hbm>> -> memref<128x200xi32, #tpu.memory_space<hbm>>
      %dma_wait3A_88 = arith.constant 0 : i32
      %dma_wait3A_89 = tpu.memref_slice %arg2[%mul3A_2, %dma_wait3A_88] : memref<4096x200xi32, #tpu.memory_space<hbm>> -> memref<128x200xi32, #tpu.memory_space<hbm>>
      tpu.wait_dma2 semaphore(%run_scoped3A : memref<!tpu.dma_semaphore, #tpu.memory_space<semaphore_mem>>) src(%dma_wait3A_89 : memref<128x200xi32, #tpu.memory_space<hbm>>) dst(%arg6 : memref<128x200xi32, #tpu.memory_space<vmem>>)
      tpu.yield
    }) : () -> ()
    "tpu.region"() ({
      %run_scoped3A = tpu.sem_alloc : memref<!tpu.dma_semaphore, #tpu.memory_space<semaphore_mem>>
      tpu.enqueue_dma source(%arg4 : memref<200x64xf32, #tpu.memory_space<hbm>>) target(%arg8 : memref<200x64xf32, #tpu.memory_space<vmem>>) target_semaphore(%run_scoped3A : memref<!tpu.dma_semaphore, #tpu.memory_space<semaphore_mem>>)
      tpu.wait_dma2 semaphore(%run_scoped3A : memref<!tpu.dma_semaphore, #tpu.memory_space<semaphore_mem>>) src(%arg4 : memref<200x64xf32, #tpu.memory_space<hbm>>) dst(%arg8 : memref<200x64xf32, #tpu.memory_space<vmem>>)
      tpu.yield
    }) : () -> ()
    %iota3A = tpu.iota {dimensions = array<i32: 0>} : vector<16xi32>
    %add3A_3 = arith.constant 0 : i32
    %add3A_4 = vector.broadcast %add3A_3 : i32 to vector<16xi32>
    %add3A_5 = arith.addi %iota3A, %add3A_4 : vector<16xi32>
    %add3A_6 = arith.constant 16 : i32
    %add3A_7 = vector.broadcast %add3A_6 : i32 to vector<16xi32>
    %add3A_8 = arith.addi %iota3A, %add3A_7 : vector<16xi32>
    %add3A_9 = arith.constant 32 : i32
    %add3A_10 = vector.broadcast %add3A_9 : i32 to vector<16xi32>
    %add3A_11 = arith.addi %iota3A, %add3A_10 : vector<16xi32>
    %add3A_12 = arith.constant 48 : i32
    %add3A_13 = vector.broadcast %add3A_12 : i32 to vector<16xi32>
    %add3A_14 = arith.addi %iota3A, %add3A_13 : vector<16xi32>
    %add3A_15 = arith.constant 64 : i32
    %add3A_16 = vector.broadcast %add3A_15 : i32 to vector<16xi32>
    %add3A_17 = arith.addi %iota3A, %add3A_16 : vector<16xi32>
    %add3A_18 = arith.constant 80 : i32
    %add3A_19 = vector.broadcast %add3A_18 : i32 to vector<16xi32>
    %add3A_20 = arith.addi %iota3A, %add3A_19 : vector<16xi32>
    %add3A_21 = arith.constant 96 : i32
    %add3A_22 = vector.broadcast %add3A_21 : i32 to vector<16xi32>
    %add3A_23 = arith.addi %iota3A, %add3A_22 : vector<16xi32>
    %add3A_24 = arith.constant 112 : i32
    %add3A_25 = vector.broadcast %add3A_24 : i32 to vector<16xi32>
    %add3A_26 = arith.addi %iota3A, %add3A_25 : vector<16xi32>
    %add3A_27 = arith.constant 0 : i32
    %add3A_28 = vector.broadcast %add3A_27 : i32 to vector<16xi32>
    %add3A_29 = arith.addi %iota3A, %add3A_28 : vector<16xi32>
    %add3A_30 = arith.constant 16 : i32
    %add3A_31 = vector.broadcast %add3A_30 : i32 to vector<16xi32>
    %add3A_32 = arith.addi %iota3A, %add3A_31 : vector<16xi32>
    %add3A_33 = arith.constant 32 : i32
    %add3A_34 = vector.broadcast %add3A_33 : i32 to vector<16xi32>
    %add3A_35 = arith.addi %iota3A, %add3A_34 : vector<16xi32>
    %add3A_36 = arith.constant 48 : i32
    %add3A_37 = vector.broadcast %add3A_36 : i32 to vector<16xi32>
    %add3A_38 = arith.addi %iota3A, %add3A_37 : vector<16xi32>
    %parallel_loop3A = arith.constant 0 : i32
    %parallel_loop3A_39 = arith.constant 200 : i32
    %parallel_loop3A_40 = arith.constant 1 : i32
    scf.for %parallel_loop3A_82 = %parallel_loop3A to %parallel_loop3A_39 step %parallel_loop3A_40  : i32 {
      %parallel_loop3A_83 = vector.broadcast %parallel_loop3A_82 : i32 to vector<16xi32>
      %parallel_loop3A_84 = tpu.vector_load_idx %arg6[%add3A_5, %parallel_loop3A_83] : memref<128x200xi32, #tpu.memory_space<vmem>>[vector<16xi32>, vector<16xi32>], vector<16xi32>,
      %parallel_loop3A_85 = arith.index_cast %parallel_loop3A_82 : i32 to index
      %parallel_loop3A_86 = arith.constant 0 : index
      %parallel_loop3A_87 = tpu.vector_load %arg7[%parallel_loop3A_85, %parallel_loop3A_86] {strides = array<i32>} : memref<200x128xi32, #tpu.memory_space<vmem>>, vector<16xi32>,
      tpu.vector_store %arg7[%parallel_loop3A_85, %parallel_loop3A_86], %parallel_loop3A_84 {strides = array<i32>} : memref<200x128xi32, #tpu.memory_space<vmem>>, vector<16xi32>,
      %parallel_loop3A_88 = tpu.vector_load_idx %arg6[%add3A_8, %parallel_loop3A_83] : memref<128x200xi32, #tpu.memory_space<vmem>>[vector<16xi32>, vector<16xi32>], vector<16xi32>,
      %parallel_loop3A_89 = arith.index_cast %parallel_loop3A_82 : i32 to index
      %parallel_loop3A_90 = arith.constant 16 : index
      %parallel_loop3A_91 = tpu.vector_load %arg7[%parallel_loop3A_89, %parallel_loop3A_90] {strides = array<i32>} : memref<200x128xi32, #tpu.memory_space<vmem>>, vector<16xi32>,
      tpu.vector_store %arg7[%parallel_loop3A_89, %parallel_loop3A_90], %parallel_loop3A_88 {strides = array<i32>} : memref<200x128xi32, #tpu.memory_space<vmem>>, vector<16xi32>,
      %parallel_loop3A_92 = tpu.vector_load_idx %arg6[%add3A_11, %parallel_loop3A_83] : memref<128x200xi32, #tpu.memory_space<vmem>>[vector<16xi32>, vector<16xi32>], vector<16xi32>,
      %parallel_loop3A_93 = arith.index_cast %parallel_loop3A_82 : i32 to index
      %parallel_loop3A_94 = arith.constant 32 : index
      %parallel_loop3A_95 = tpu.vector_load %arg7[%parallel_loop3A_93, %parallel_loop3A_94] {strides = array<i32>} : memref<200x128xi32, #tpu.memory_space<vmem>>, vector<16xi32>,
      tpu.vector_store %arg7[%parallel_loop3A_93, %parallel_loop3A_94], %parallel_loop3A_92 {strides = array<i32>} : memref<200x128xi32, #tpu.memory_space<vmem>>, vector<16xi32>,
      %parallel_loop3A_96 = tpu.vector_load_idx %arg6[%add3A_14, %parallel_loop3A_83] : memref<128x200xi32, #tpu.memory_space<vmem>>[vector<16xi32>, vector<16xi32>], vector<16xi32>,
      %parallel_loop3A_97 = arith.index_cast %parallel_loop3A_82 : i32 to index
      %parallel_loop3A_98 = arith.constant 48 : index
      %parallel_loop3A_99 = tpu.vector_load %arg7[%parallel_loop3A_97, %parallel_loop3A_98] {strides = array<i32>} : memref<200x128xi32, #tpu.memory_space<vmem>>, vector<16xi32>,
      tpu.vector_store %arg7[%parallel_loop3A_97, %parallel_loop3A_98], %parallel_loop3A_96 {strides = array<i32>} : memref<200x128xi32, #tpu.memory_space<vmem>>, vector<16xi32>,
      %parallel_loop3A_100 = tpu.vector_load_idx %arg6[%add3A_17, %parallel_loop3A_83] : memref<128x200xi32, #tpu.memory_space<vmem>>[vector<16xi32>, vector<16xi32>], vector<16xi32>,
      %parallel_loop3A_101 = arith.index_cast %parallel_loop3A_82 : i32 to index
      %parallel_loop3A_102 = arith.constant 64 : index
      %parallel_loop3A_103 = tpu.vector_load %arg7[%parallel_loop3A_101, %parallel_loop3A_102] {strides = array<i32>} : memref<200x128xi32, #tpu.memory_space<vmem>>, vector<16xi32>,
      tpu.vector_store %arg7[%parallel_loop3A_101, %parallel_loop3A_102], %parallel_loop3A_100 {strides = array<i32>} : memref<200x128xi32, #tpu.memory_space<vmem>>, vector<16xi32>,
      %parallel_loop3A_104 = tpu.vector_load_idx %arg6[%add3A_20, %parallel_loop3A_83] : memref<128x200xi32, #tpu.memory_space<vmem>>[vector<16xi32>, vector<16xi32>], vector<16xi32>,
      %parallel_loop3A_105 = arith.index_cast %parallel_loop3A_82 : i32 to index
      %parallel_loop3A_106 = arith.constant 80 : index
      %parallel_loop3A_107 = tpu.vector_load %arg7[%parallel_loop3A_105, %parallel_loop3A_106] {strides = array<i32>} : memref<200x128xi32, #tpu.memory_space<vmem>>, vector<16xi32>,
      tpu.vector_store %arg7[%parallel_loop3A_105, %parallel_loop3A_106], %parallel_loop3A_104 {strides = array<i32>} : memref<200x128xi32, #tpu.memory_space<vmem>>, vector<16xi32>,
      %parallel_loop3A_108 = tpu.vector_load_idx %arg6[%add3A_23, %parallel_loop3A_83] : memref<128x200xi32, #tpu.memory_space<vmem>>[vector<16xi32>, vector<16xi32>], vector<16xi32>,
      %parallel_loop3A_109 = arith.index_cast %parallel_loop3A_82 : i32 to index
      %parallel_loop3A_110 = arith.constant 96 : index
      %parallel_loop3A_111 = tpu.vector_load %arg7[%parallel_loop3A_109, %parallel_loop3A_110] {strides = array<i32>} : memref<200x128xi32, #tpu.memory_space<vmem>>, vector<16xi32>,
      tpu.vector_store %arg7[%parallel_loop3A_109, %parallel_loop3A_110], %parallel_loop3A_108 {strides = array<i32>} : memref<200x128xi32, #tpu.memory_space<vmem>>, vector<16xi32>,
      %parallel_loop3A_112 = tpu.vector_load_idx %arg6[%add3A_26, %parallel_loop3A_83] : memref<128x200xi32, #tpu.memory_space<vmem>>[vector<16xi32>, vector<16xi32>], vector<16xi32>,
      %parallel_loop3A_113 = arith.index_cast %parallel_loop3A_82 : i32 to index
      %parallel_loop3A_114 = arith.constant 112 : index
      %parallel_loop3A_115 = tpu.vector_load %arg7[%parallel_loop3A_113, %parallel_loop3A_114] {strides = array<i32>} : memref<200x128xi32, #tpu.memory_space<vmem>>, vector<16xi32>,
      tpu.vector_store %arg7[%parallel_loop3A_113, %parallel_loop3A_114], %parallel_loop3A_112 {strides = array<i32>} : memref<200x128xi32, #tpu.memory_space<vmem>>, vector<16xi32>,
    } {sc.loop_unroll_factor = 4 : i64, sc.parallel_access}
    %dma_start3A = arith.constant 0 : i32
    %dma_start3A_41 = arith.constant 0 : i32
    %dma_start3A_42 = tpu.memref_slice %arg7[%dma_start3A, %dma_start3A_41] : memref<200x128xi32, #tpu.memory_space<vmem>> -> memref<1x128xi32, #tpu.memory_space<vmem>>
    %dma_start3A_43 = tpu.memref_squeeze %dma_start3A_42 : memref<1x128xi32, #tpu.memory_space<vmem>> -> memref<128xi32, #tpu.memory_space<vmem>>
    %dma_start3A_44 = arith.constant 0 : i32
    %dma_start3A_45 = arith.constant 0 : i32
    %dma_start3A_46 = tpu.memref_slice %arg3[%dma_start3A_44, %dma_start3A_45] : memref<1000000x64xf32, #tpu.memory_space<hbm>> -> memref<1000000x64xf32, #tpu.memory_space<hbm>>
    tpu.enqueue_indirect_dma source(%dma_start3A_46 : memref<1000000x64xf32, #tpu.memory_space<hbm>>) target(%arg9 : memref<128x64xf32, #tpu.memory_space<vmem>>) offsets(%dma_start3A_43 : memref<128xi32, #tpu.memory_space<vmem>>) semaphore(%arg13 : memref<!tpu.dma_semaphore, #tpu.memory_space<semaphore_mem>>)
    %dma_start3A_47 = arith.constant 1 : i32
    %dma_start3A_48 = arith.constant 0 : i32
    %dma_start3A_49 = tpu.memref_slice %arg7[%dma_start3A_47, %dma_start3A_48] : memref<200x128xi32, #tpu.memory_space<vmem>> -> memref<1x128xi32, #tpu.memory_space<vmem>>
    %dma_start3A_50 = tpu.memref_squeeze %dma_start3A_49 : memref<1x128xi32, #tpu.memory_space<vmem>> -> memref<128xi32, #tpu.memory_space<vmem>>
    %dma_start3A_51 = arith.constant 0 : i32
    %dma_start3A_52 = arith.constant 0 : i32
    %dma_start3A_53 = tpu.memref_slice %arg3[%dma_start3A_51, %dma_start3A_52] : memref<1000000x64xf32, #tpu.memory_space<hbm>> -> memref<1000000x64xf32, #tpu.memory_space<hbm>>
    tpu.enqueue_indirect_dma source(%dma_start3A_53 : memref<1000000x64xf32, #tpu.memory_space<hbm>>) target(%arg10 : memref<128x64xf32, #tpu.memory_space<vmem>>) offsets(%dma_start3A_50 : memref<128xi32, #tpu.memory_space<vmem>>) semaphore(%arg14 : memref<!tpu.dma_semaphore, #tpu.memory_space<semaphore_mem>>)
    %scan3A = arith.constant 0 : i32
    %scan3A_54 = arith.constant 0 : i32
    %scan3A_55 = arith.constant 100 : i32
    %scan3A_56 = arith.addi %scan3A_54, %scan3A_55 : i32
    %scan3A_57 = arith.constant 1 : i32
    scf.for %scan3A_82 = %scan3A_54 to %scan3A_56 step %scan3A_57  : i32 {
      %mul3A_83 = arith.constant 2 : i32
      %mul3A_84 = arith.muli %scan3A_82, %mul3A_83 : i32
      %add3A_85 = arith.constant 0 : i32
      %add3A_86 = arith.addi %mul3A_84, %add3A_85 : i32
      %dma_wait3A_87 = arith.constant 0 : i32
      %dma_wait3A_88 = arith.constant 0 : i32
      %dma_wait3A_89 = tpu.memref_slice %arg3[%dma_wait3A_87, %dma_wait3A_88] : memref<1000000x64xf32, #tpu.memory_space<hbm>> -> memref<128x64xf32, #tpu.memory_space<hbm>>
      %dma_wait3A_90 = arith.constant 0 : i32
      %dma_wait3A_91 = arith.constant 0 : i32
      %dma_wait3A_92 = tpu.memref_slice %arg3[%dma_wait3A_90, %dma_wait3A_91] : memref<1000000x64xf32, #tpu.memory_space<hbm>> -> memref<128x64xf32, #tpu.memory_space<hbm>>
      tpu.wait_dma2 semaphore(%arg13 : memref<!tpu.dma_semaphore, #tpu.memory_space<semaphore_mem>>) src(%dma_wait3A_92 : memref<128x64xf32, #tpu.memory_space<hbm>>) dst(%arg9 : memref<128x64xf32, #tpu.memory_space<vmem>>)
      %ge3A = arith.constant 2 : i32
      %ge3A_93 = arith.cmpi sge, %add3A_86, %ge3A : i32
      %convert_element_type3A = arith.extui %ge3A_93 : i1 to i32
      %cond3A = arith.constant 0 : i32
      %cond3A_94 = arith.cmpi ne, %convert_element_type3A, %cond3A : i32
      scf.if %cond3A_94 {
        %dma_wait3A_456 = arith.constant 0 : i32
        %dma_wait3A_457 = arith.constant 0 : i32
        %dma_wait3A_458 = tpu.memref_slice %arg11[%dma_wait3A_456, %dma_wait3A_457] : memref<64x132xf32, #tpu.memory_space<vmem>> -> memref<64x128xf32, #tpu.memory_space<vmem>>
        %dma_wait3A_459 = arith.constant 0 : i32
        %dma_wait3A_460 = arith.constant 0 : i32
        %dma_wait3A_461 = tpu.memref_slice %arg5[%dma_wait3A_459, %dma_wait3A_460] : memref<409600x128xf32, #tpu.memory_space<hbm>> -> memref<64x128xf32, #tpu.memory_space<hbm>>
        %dma_wait3A_462 = arith.constant 0 : i32
        %dma_wait3A_463 = arith.constant 0 : i32
        %dma_wait3A_464 = tpu.memref_slice %arg5[%dma_wait3A_462, %dma_wait3A_463] : memref<409600x128xf32, #tpu.memory_space<hbm>> -> memref<64x128xf32, #tpu.memory_space<hbm>>
        %dma_wait3A_465 = arith.constant 0 : i32
        %dma_wait3A_466 = arith.constant 0 : i32
        %dma_wait3A_467 = tpu.memref_slice %arg11[%dma_wait3A_465, %dma_wait3A_466] : memref<64x132xf32, #tpu.memory_space<vmem>> -> memref<64x128xf32, #tpu.memory_space<vmem>>
        tpu.wait_dma2 semaphore(%arg15 : memref<!tpu.dma_semaphore, #tpu.memory_space<semaphore_mem>>) src(%dma_wait3A_467 : memref<64x128xf32, #tpu.memory_space<vmem>>) dst(%dma_wait3A_464 : memref<64x128xf32, #tpu.memory_space<hbm>>)
      } else {
      }
      %get3A = arith.index_cast %add3A_86 : i32 to index
      %get3A_95 = arith.constant 0 : index
      %get3A_96 = tpu.vector_load %arg8[%get3A, %get3A_95] {strides = array<i32>} : memref<200x64xf32, #tpu.memory_space<vmem>>, vector<16xf32>,
      %get3A_97 = arith.index_cast %add3A_86 : i32 to index
      %get3A_98 = arith.constant 16 : index
      %get3A_99 = tpu.vector_load %arg8[%get3A_97, %get3A_98] {strides = array<i32>} : memref<200x64xf32, #tpu.memory_space<vmem>>, vector<16xf32>,
      %get3A_100 = arith.index_cast %add3A_86 : i32 to index
      %get3A_101 = arith.constant 32 : index
      %get3A_102 = tpu.vector_load %arg8[%get3A_100, %get3A_101] {strides = array<i32>} : memref<200x64xf32, #tpu.memory_space<vmem>>, vector<16xf32>,
      %get3A_103 = arith.index_cast %add3A_86 : i32 to index
      %get3A_104 = arith.constant 48 : index
      %get3A_105 = tpu.vector_load %arg8[%get3A_103, %get3A_104] {strides = array<i32>} : memref<200x64xf32, #tpu.memory_space<vmem>>, vector<16xf32>,
      %parallel_loop3A_106 = arith.constant 0 : i32
      %parallel_loop3A_107 = arith.constant 128 : i32
      %parallel_loop3A_108 = arith.constant 1 : i32
      scf.for %parallel_loop3A_456 = %parallel_loop3A_106 to %parallel_loop3A_107 step %parallel_loop3A_108  : i32 {
        %parallel_loop3A_457 = vector.broadcast %parallel_loop3A_456 : i32 to vector<16xi32>
        %parallel_loop3A_458 = arith.index_cast %parallel_loop3A_456 : i32 to index
        %parallel_loop3A_459 = arith.constant 0 : index
        %parallel_loop3A_460 = tpu.vector_load %arg9[%parallel_loop3A_458, %parallel_loop3A_459] {strides = array<i32>} : memref<128x64xf32, #tpu.memory_space<vmem>>, vector<16xf32>,
        %parallel_loop3A_461 = arith.addf %parallel_loop3A_460, %get3A_96 : vector<16xf32>
        tpu.vector_store_idx %arg11[%add3A_29, %parallel_loop3A_457], %parallel_loop3A_461 : memref<64x132xf32, #tpu.memory_space<vmem>>[vector<16xi32>, vector<16xi32>], vector<16xf32>,
        %parallel_loop3A_462 = arith.index_cast %parallel_loop3A_456 : i32 to index
        %parallel_loop3A_463 = arith.constant 16 : index
        %parallel_loop3A_464 = tpu.vector_load %arg9[%parallel_loop3A_462, %parallel_loop3A_463] {strides = array<i32>} : memref<128x64xf32, #tpu.memory_space<vmem>>, vector<16xf32>,
        %parallel_loop3A_465 = arith.addf %parallel_loop3A_464, %get3A_99 : vector<16xf32>
        tpu.vector_store_idx %arg11[%add3A_32, %parallel_loop3A_457], %parallel_loop3A_465 : memref<64x132xf32, #tpu.memory_space<vmem>>[vector<16xi32>, vector<16xi32>], vector<16xf32>,
        %parallel_loop3A_466 = arith.index_cast %parallel_loop3A_456 : i32 to index
        %parallel_loop3A_467 = arith.constant 32 : index
        %parallel_loop3A_468 = tpu.vector_load %arg9[%parallel_loop3A_466, %parallel_loop3A_467] {strides = array<i32>} : memref<128x64xf32, #tpu.memory_space<vmem>>, vector<16xf32>,
        %parallel_loop3A_469 = arith.addf %parallel_loop3A_468, %get3A_102 : vector<16xf32>
        tpu.vector_store_idx %arg11[%add3A_35, %parallel_loop3A_457], %parallel_loop3A_469 : memref<64x132xf32, #tpu.memory_space<vmem>>[vector<16xi32>, vector<16xi32>], vector<16xf32>,
        %parallel_loop3A_470 = arith.index_cast %parallel_loop3A_456 : i32 to index
        %parallel_loop3A_471 = arith.constant 48 : index
        %parallel_loop3A_472 = tpu.vector_load %arg9[%parallel_loop3A_470, %parallel_loop3A_471] {strides = array<i32>} : memref<128x64xf32, #tpu.memory_space<vmem>>, vector<16xf32>,
        %parallel_loop3A_473 = arith.addf %parallel_loop3A_472, %get3A_105 : vector<16xf32>
        tpu.vector_store_idx %arg11[%add3A_38, %parallel_loop3A_457], %parallel_loop3A_473 : memref<64x132xf32, #tpu.memory_space<vmem>>[vector<16xi32>, vector<16xi32>], vector<16xf32>,
      } {sc.loop_unroll_factor = 4 : i64, sc.parallel_access}
      %add3A_109 = arith.constant 2 : i32
      %add3A_110 = arith.addi %add3A_86, %add3A_109 : i32
      %lt3A = arith.constant 200 : i32
      %lt3A_111 = arith.cmpi slt, %add3A_110, %lt3A : i32
      %convert_element_type3A_112 = arith.extui %lt3A_111 : i1 to i32
      %cond3A_113 = arith.constant 0 : i32
      %cond3A_114 = arith.cmpi ne, %convert_element_type3A_112, %cond3A_113 : i32
      scf.if %cond3A_114 {
        %add3A_456 = arith.constant 2 : i32
        %add3A_457 = arith.addi %add3A_86, %add3A_456 : i32
        %dma_start3A_458 = arith.constant 0 : i32
        %dma_start3A_459 = tpu.memref_slice %arg7[%add3A_457, %dma_start3A_458] : memref<200x128xi32, #tpu.memory_space<vmem>> -> memref<1x128xi32, #tpu.memory_space<vmem>>
        %dma_start3A_460 = tpu.memref_squeeze %dma_start3A_459 : memref<1x128xi32, #tpu.memory_space<vmem>> -> memref<128xi32, #tpu.memory_space<vmem>>
        %dma_start3A_461 = arith.constant 0 : i32
        %dma_start3A_462 = arith.constant 0 : i32
        %dma_start3A_463 = tpu.memref_slice %arg3[%dma_start3A_461, %dma_start3A_462] : memref<1000000x64xf32, #tpu.memory_space<hbm>> -> memref<1000000x64xf32, #tpu.memory_space<hbm>>
        tpu.enqueue_indirect_dma source(%dma_start3A_463 : memref<1000000x64xf32, #tpu.memory_space<hbm>>) target(%arg9 : memref<128x64xf32, #tpu.memory_space<vmem>>) offsets(%dma_start3A_460 : memref<128xi32, #tpu.memory_space<vmem>>) semaphore(%arg13 : memref<!tpu.dma_semaphore, #tpu.memory_space<semaphore_mem>>)
      } else {
      }
      %mul3A_115 = arith.constant 8 : i32
      %mul3A_116 = arith.muli %add3A_86, %mul3A_115 : i32
      %add3A_117 = arith.constant 0 : i32
      %add3A_118 = arith.addi %mul3A_116, %add3A_117 : i32
      %mul3A_119 = arith.constant 32 : i32
      %mul3A_120 = arith.muli %add3A_118, %mul3A_119 : i32
      %add3A_121 = arith.addi %mul3A_120, %add3A : i32
      %mul3A_122 = arith.constant 8 : i32
      %mul3A_123 = arith.muli %add3A_121, %mul3A_122 : i32
      %dma_start3A_124 = arith.constant 0 : i32
      %dma_start3A_125 = arith.constant 0 : i32
      %dma_start3A_126 = tpu.memref_slice %arg11[%dma_start3A_124, %dma_start3A_125] : memref<64x132xf32, #tpu.memory_space<vmem>> -> memref<8x128xf32, #tpu.memory_space<vmem>>
      %dma_start3A_127 = arith.constant 0 : i32
      %dma_start3A_128 = tpu.memref_slice %arg5[%mul3A_123, %dma_start3A_127] : memref<409600x128xf32, #tpu.memory_space<hbm>> -> memref<8x128xf32, #tpu.memory_space<hbm>>
      %dma_start3A_129 = arith.constant 0 : i32
      %dma_start3A_130 = tpu.memref_slice %arg5[%mul3A_123, %dma_start3A_129] : memref<409600x128xf32, #tpu.memory_space<hbm>> -> memref<8x128xf32, #tpu.memory_space<hbm>>
      %dma_start3A_131 = arith.constant 0 : i32
      %dma_start3A_132 = arith.constant 0 : i32
      %dma_start3A_133 = tpu.memref_slice %arg11[%dma_start3A_131, %dma_start3A_132] : memref<64x132xf32, #tpu.memory_space<vmem>> -> memref<8x128xf32, #tpu.memory_space<vmem>>
      tpu.enqueue_dma source(%dma_start3A_133 : memref<8x128xf32, #tpu.memory_space<vmem>>) target(%dma_start3A_130 : memref<8x128xf32, #tpu.memory_space<hbm>>) target_semaphore(%arg15 : memref<!tpu.dma_semaphore, #tpu.memory_space<semaphore_mem>>)
      %mul3A_134 = arith.constant 8 : i32
      %mul3A_135 = arith.muli %add3A_86, %mul3A_134 : i32
      %add3A_136 = arith.constant 1 : i32
      %add3A_137 = arith.addi %mul3A_135, %add3A_136 : i32
      %mul3A_138 = arith.constant 32 : i32
      %mul3A_139 = arith.muli %add3A_137, %mul3A_138 : i32
      %add3A_140 = arith.addi %mul3A_139, %add3A : i32
      %mul3A_141 = arith.constant 8 : i32
      %mul3A_142 = arith.muli %add3A_140, %mul3A_141 : i32
      %dma_start3A_143 = arith.constant 8 : i32
      %dma_start3A_144 = arith.constant 0 : i32
      %dma_start3A_145 = tpu.memref_slice %arg11[%dma_start3A_143, %dma_start3A_144] : memref<64x132xf32, #tpu.memory_space<vmem>> -> memref<8x128xf32, #tpu.memory_space<vmem>>
      %dma_start3A_146 = arith.constant 0 : i32
      %dma_start3A_147 = tpu.memref_slice %arg5[%mul3A_142, %dma_start3A_146] : memref<409600x128xf32, #tpu.memory_space<hbm>> -> memref<8x128xf32, #tpu.memory_space<hbm>>
      %dma_start3A_148 = arith.constant 0 : i32
      %dma_start3A_149 = tpu.memref_slice %arg5[%mul3A_142, %dma_start3A_148] : memref<409600x128xf32, #tpu.memory_space<hbm>> -> memref<8x128xf32, #tpu.memory_space<hbm>>
      %dma_start3A_150 = arith.constant 8 : i32
      %dma_start3A_151 = arith.constant 0 : i32
      %dma_start3A_152 = tpu.memref_slice %arg11[%dma_start3A_150, %dma_start3A_151] : memref<64x132xf32, #tpu.memory_space<vmem>> -> memref<8x128xf32, #tpu.memory_space<vmem>>
      tpu.enqueue_dma source(%dma_start3A_152 : memref<8x128xf32, #tpu.memory_space<vmem>>) target(%dma_start3A_149 : memref<8x128xf32, #tpu.memory_space<hbm>>) target_semaphore(%arg15 : memref<!tpu.dma_semaphore, #tpu.memory_space<semaphore_mem>>)
      %mul3A_153 = arith.constant 8 : i32
      %mul3A_154 = arith.muli %add3A_86, %mul3A_153 : i32
      %add3A_155 = arith.constant 2 : i32
      %add3A_156 = arith.addi %mul3A_154, %add3A_155 : i32
      %mul3A_157 = arith.constant 32 : i32
      %mul3A_158 = arith.muli %add3A_156, %mul3A_157 : i32
      %add3A_159 = arith.addi %mul3A_158, %add3A : i32
      %mul3A_160 = arith.constant 8 : i32
      %mul3A_161 = arith.muli %add3A_159, %mul3A_160 : i32
      %dma_start3A_162 = arith.constant 16 : i32
      %dma_start3A_163 = arith.constant 0 : i32
      %dma_start3A_164 = tpu.memref_slice %arg11[%dma_start3A_162, %dma_start3A_163] : memref<64x132xf32, #tpu.memory_space<vmem>> -> memref<8x128xf32, #tpu.memory_space<vmem>>
      %dma_start3A_165 = arith.constant 0 : i32
      %dma_start3A_166 = tpu.memref_slice %arg5[%mul3A_161, %dma_start3A_165] : memref<409600x128xf32, #tpu.memory_space<hbm>> -> memref<8x128xf32, #tpu.memory_space<hbm>>
      %dma_start3A_167 = arith.constant 0 : i32
      %dma_start3A_168 = tpu.memref_slice %arg5[%mul3A_161, %dma_start3A_167] : memref<409600x128xf32, #tpu.memory_space<hbm>> -> memref<8x128xf32, #tpu.memory_space<hbm>>
      %dma_start3A_169 = arith.constant 16 : i32
      %dma_start3A_170 = arith.constant 0 : i32
      %dma_start3A_171 = tpu.memref_slice %arg11[%dma_start3A_169, %dma_start3A_170] : memref<64x132xf32, #tpu.memory_space<vmem>> -> memref<8x128xf32, #tpu.memory_space<vmem>>
      tpu.enqueue_dma source(%dma_start3A_171 : memref<8x128xf32, #tpu.memory_space<vmem>>) target(%dma_start3A_168 : memref<8x128xf32, #tpu.memory_space<hbm>>) target_semaphore(%arg15 : memref<!tpu.dma_semaphore, #tpu.memory_space<semaphore_mem>>)
      %mul3A_172 = arith.constant 8 : i32
      %mul3A_173 = arith.muli %add3A_86, %mul3A_172 : i32
      %add3A_174 = arith.constant 3 : i32
      %add3A_175 = arith.addi %mul3A_173, %add3A_174 : i32
      %mul3A_176 = arith.constant 32 : i32
      %mul3A_177 = arith.muli %add3A_175, %mul3A_176 : i32
      %add3A_178 = arith.addi %mul3A_177, %add3A : i32
      %mul3A_179 = arith.constant 8 : i32
      %mul3A_180 = arith.muli %add3A_178, %mul3A_179 : i32
      %dma_start3A_181 = arith.constant 24 : i32
      %dma_start3A_182 = arith.constant 0 : i32
      %dma_start3A_183 = tpu.memref_slice %arg11[%dma_start3A_181, %dma_start3A_182] : memref<64x132xf32, #tpu.memory_space<vmem>> -> memref<8x128xf32, #tpu.memory_space<vmem>>
      %dma_start3A_184 = arith.constant 0 : i32
      %dma_start3A_185 = tpu.memref_slice %arg5[%mul3A_180, %dma_start3A_184] : memref<409600x128xf32, #tpu.memory_space<hbm>> -> memref<8x128xf32, #tpu.memory_space<hbm>>
      %dma_start3A_186 = arith.constant 0 : i32
      %dma_start3A_187 = tpu.memref_slice %arg5[%mul3A_180, %dma_start3A_186] : memref<409600x128xf32, #tpu.memory_space<hbm>> -> memref<8x128xf32, #tpu.memory_space<hbm>>
      %dma_start3A_188 = arith.constant 24 : i32
      %dma_start3A_189 = arith.constant 0 : i32
      %dma_start3A_190 = tpu.memref_slice %arg11[%dma_start3A_188, %dma_start3A_189] : memref<64x132xf32, #tpu.memory_space<vmem>> -> memref<8x128xf32, #tpu.memory_space<vmem>>
      tpu.enqueue_dma source(%dma_start3A_190 : memref<8x128xf32, #tpu.memory_space<vmem>>) target(%dma_start3A_187 : memref<8x128xf32, #tpu.memory_space<hbm>>) target_semaphore(%arg15 : memref<!tpu.dma_semaphore, #tpu.memory_space<semaphore_mem>>)
      %mul3A_191 = arith.constant 8 : i32
      %mul3A_192 = arith.muli %add3A_86, %mul3A_191 : i32
      %add3A_193 = arith.constant 4 : i32
      %add3A_194 = arith.addi %mul3A_192, %add3A_193 : i32
      %mul3A_195 = arith.constant 32 : i32
      %mul3A_196 = arith.muli %add3A_194, %mul3A_195 : i32
      %add3A_197 = arith.addi %mul3A_196, %add3A : i32
      %mul3A_198 = arith.constant 8 : i32
      %mul3A_199 = arith.muli %add3A_197, %mul3A_198 : i32
      %dma_start3A_200 = arith.constant 32 : i32
      %dma_start3A_201 = arith.constant 0 : i32
      %dma_start3A_202 = tpu.memref_slice %arg11[%dma_start3A_200, %dma_start3A_201] : memref<64x132xf32, #tpu.memory_space<vmem>> -> memref<8x128xf32, #tpu.memory_space<vmem>>
      %dma_start3A_203 = arith.constant 0 : i32
      %dma_start3A_204 = tpu.memref_slice %arg5[%mul3A_199, %dma_start3A_203] : memref<409600x128xf32, #tpu.memory_space<hbm>> -> memref<8x128xf32, #tpu.memory_space<hbm>>
      %dma_start3A_205 = arith.constant 0 : i32
      %dma_start3A_206 = tpu.memref_slice %arg5[%mul3A_199, %dma_start3A_205] : memref<409600x128xf32, #tpu.memory_space<hbm>> -> memref<8x128xf32, #tpu.memory_space<hbm>>
      %dma_start3A_207 = arith.constant 32 : i32
      %dma_start3A_208 = arith.constant 0 : i32
      %dma_start3A_209 = tpu.memref_slice %arg11[%dma_start3A_207, %dma_start3A_208] : memref<64x132xf32, #tpu.memory_space<vmem>> -> memref<8x128xf32, #tpu.memory_space<vmem>>
      tpu.enqueue_dma source(%dma_start3A_209 : memref<8x128xf32, #tpu.memory_space<vmem>>) target(%dma_start3A_206 : memref<8x128xf32, #tpu.memory_space<hbm>>) target_semaphore(%arg15 : memref<!tpu.dma_semaphore, #tpu.memory_space<semaphore_mem>>)
      %mul3A_210 = arith.constant 8 : i32
      %mul3A_211 = arith.muli %add3A_86, %mul3A_210 : i32
      %add3A_212 = arith.constant 5 : i32
      %add3A_213 = arith.addi %mul3A_211, %add3A_212 : i32
      %mul3A_214 = arith.constant 32 : i32
      %mul3A_215 = arith.muli %add3A_213, %mul3A_214 : i32
      %add3A_216 = arith.addi %mul3A_215, %add3A : i32
      %mul3A_217 = arith.constant 8 : i32
      %mul3A_218 = arith.muli %add3A_216, %mul3A_217 : i32
      %dma_start3A_219 = arith.constant 40 : i32
      %dma_start3A_220 = arith.constant 0 : i32
      %dma_start3A_221 = tpu.memref_slice %arg11[%dma_start3A_219, %dma_start3A_220] : memref<64x132xf32, #tpu.memory_space<vmem>> -> memref<8x128xf32, #tpu.memory_space<vmem>>
      %dma_start3A_222 = arith.constant 0 : i32
      %dma_start3A_223 = tpu.memref_slice %arg5[%mul3A_218, %dma_start3A_222] : memref<409600x128xf32, #tpu.memory_space<hbm>> -> memref<8x128xf32, #tpu.memory_space<hbm>>
      %dma_start3A_224 = arith.constant 0 : i32
      %dma_start3A_225 = tpu.memref_slice %arg5[%mul3A_218, %dma_start3A_224] : memref<409600x128xf32, #tpu.memory_space<hbm>> -> memref<8x128xf32, #tpu.memory_space<hbm>>
      %dma_start3A_226 = arith.constant 40 : i32
      %dma_start3A_227 = arith.constant 0 : i32
      %dma_start3A_228 = tpu.memref_slice %arg11[%dma_start3A_226, %dma_start3A_227] : memref<64x132xf32, #tpu.memory_space<vmem>> -> memref<8x128xf32, #tpu.memory_space<vmem>>
      tpu.enqueue_dma source(%dma_start3A_228 : memref<8x128xf32, #tpu.memory_space<vmem>>) target(%dma_start3A_225 : memref<8x128xf32, #tpu.memory_space<hbm>>) target_semaphore(%arg15 : memref<!tpu.dma_semaphore, #tpu.memory_space<semaphore_mem>>)
      %mul3A_229 = arith.constant 8 : i32
      %mul3A_230 = arith.muli %add3A_86, %mul3A_229 : i32
      %add3A_231 = arith.constant 6 : i32
      %add3A_232 = arith.addi %mul3A_230, %add3A_231 : i32
      %mul3A_233 = arith.constant 32 : i32
      %mul3A_234 = arith.muli %add3A_232, %mul3A_233 : i32
      %add3A_235 = arith.addi %mul3A_234, %add3A : i32
      %mul3A_236 = arith.constant 8 : i32
      %mul3A_237 = arith.muli %add3A_235, %mul3A_236 : i32
      %dma_start3A_238 = arith.constant 48 : i32
      %dma_start3A_239 = arith.constant 0 : i32
      %dma_start3A_240 = tpu.memref_slice %arg11[%dma_start3A_238, %dma_start3A_239] : memref<64x132xf32, #tpu.memory_space<vmem>> -> memref<8x128xf32, #tpu.memory_space<vmem>>
      %dma_start3A_241 = arith.constant 0 : i32
      %dma_start3A_242 = tpu.memref_slice %arg5[%mul3A_237, %dma_start3A_241] : memref<409600x128xf32, #tpu.memory_space<hbm>> -> memref<8x128xf32, #tpu.memory_space<hbm>>
      %dma_start3A_243 = arith.constant 0 : i32
      %dma_start3A_244 = tpu.memref_slice %arg5[%mul3A_237, %dma_start3A_243] : memref<409600x128xf32, #tpu.memory_space<hbm>> -> memref<8x128xf32, #tpu.memory_space<hbm>>
      %dma_start3A_245 = arith.constant 48 : i32
      %dma_start3A_246 = arith.constant 0 : i32
      %dma_start3A_247 = tpu.memref_slice %arg11[%dma_start3A_245, %dma_start3A_246] : memref<64x132xf32, #tpu.memory_space<vmem>> -> memref<8x128xf32, #tpu.memory_space<vmem>>
      tpu.enqueue_dma source(%dma_start3A_247 : memref<8x128xf32, #tpu.memory_space<vmem>>) target(%dma_start3A_244 : memref<8x128xf32, #tpu.memory_space<hbm>>) target_semaphore(%arg15 : memref<!tpu.dma_semaphore, #tpu.memory_space<semaphore_mem>>)
      %mul3A_248 = arith.constant 8 : i32
      %mul3A_249 = arith.muli %add3A_86, %mul3A_248 : i32
      %add3A_250 = arith.constant 7 : i32
      %add3A_251 = arith.addi %mul3A_249, %add3A_250 : i32
      %mul3A_252 = arith.constant 32 : i32
      %mul3A_253 = arith.muli %add3A_251, %mul3A_252 : i32
      %add3A_254 = arith.addi %mul3A_253, %add3A : i32
      %mul3A_255 = arith.constant 8 : i32
      %mul3A_256 = arith.muli %add3A_254, %mul3A_255 : i32
      %dma_start3A_257 = arith.constant 56 : i32
      %dma_start3A_258 = arith.constant 0 : i32
      %dma_start3A_259 = tpu.memref_slice %arg11[%dma_start3A_257, %dma_start3A_258] : memref<64x132xf32, #tpu.memory_space<vmem>> -> memref<8x128xf32, #tpu.memory_space<vmem>>
      %dma_start3A_260 = arith.constant 0 : i32
      %dma_start3A_261 = tpu.memref_slice %arg5[%mul3A_256, %dma_start3A_260] : memref<409600x128xf32, #tpu.memory_space<hbm>> -> memref<8x128xf32, #tpu.memory_space<hbm>>
      %dma_start3A_262 = arith.constant 0 : i32
      %dma_start3A_263 = tpu.memref_slice %arg5[%mul3A_256, %dma_start3A_262] : memref<409600x128xf32, #tpu.memory_space<hbm>> -> memref<8x128xf32, #tpu.memory_space<hbm>>
      %dma_start3A_264 = arith.constant 56 : i32
      %dma_start3A_265 = arith.constant 0 : i32
      %dma_start3A_266 = tpu.memref_slice %arg11[%dma_start3A_264, %dma_start3A_265] : memref<64x132xf32, #tpu.memory_space<vmem>> -> memref<8x128xf32, #tpu.memory_space<vmem>>
      tpu.enqueue_dma source(%dma_start3A_266 : memref<8x128xf32, #tpu.memory_space<vmem>>) target(%dma_start3A_263 : memref<8x128xf32, #tpu.memory_space<hbm>>) target_semaphore(%arg15 : memref<!tpu.dma_semaphore, #tpu.memory_space<semaphore_mem>>)
      %mul3A_267 = arith.constant 2 : i32
      %mul3A_268 = arith.muli %scan3A_82, %mul3A_267 : i32
      %add3A_269 = arith.constant 1 : i32
      %add3A_270 = arith.addi %mul3A_268, %add3A_269 : i32
      %dma_wait3A_271 = arith.constant 0 : i32
      %dma_wait3A_272 = arith.constant 0 : i32
      %dma_wait3A_273 = tpu.memref_slice %arg3[%dma_wait3A_271, %dma_wait3A_272] : memref<1000000x64xf32, #tpu.memory_space<hbm>> -> memref<128x64xf32, #tpu.memory_space<hbm>>
      %dma_wait3A_274 = arith.constant 0 : i32
      %dma_wait3A_275 = arith.constant 0 : i32
      %dma_wait3A_276 = tpu.memref_slice %arg3[%dma_wait3A_274, %dma_wait3A_275] : memref<1000000x64xf32, #tpu.memory_space<hbm>> -> memref<128x64xf32, #tpu.memory_space<hbm>>
      tpu.wait_dma2 semaphore(%arg14 : memref<!tpu.dma_semaphore, #tpu.memory_space<semaphore_mem>>) src(%dma_wait3A_276 : memref<128x64xf32, #tpu.memory_space<hbm>>) dst(%arg10 : memref<128x64xf32, #tpu.memory_space<vmem>>)
      %ge3A_277 = arith.constant 2 : i32
      %ge3A_278 = arith.cmpi sge, %add3A_270, %ge3A_277 : i32
      %convert_element_type3A_279 = arith.extui %ge3A_278 : i1 to i32
      %cond3A_280 = arith.constant 0 : i32
      %cond3A_281 = arith.cmpi ne, %convert_element_type3A_279, %cond3A_280 : i32
      scf.if %cond3A_281 {
        %dma_wait3A_456 = arith.constant 0 : i32
        %dma_wait3A_457 = arith.constant 0 : i32
        %dma_wait3A_458 = tpu.memref_slice %arg12[%dma_wait3A_456, %dma_wait3A_457] : memref<64x132xf32, #tpu.memory_space<vmem>> -> memref<64x128xf32, #tpu.memory_space<vmem>>
        %dma_wait3A_459 = arith.constant 0 : i32
        %dma_wait3A_460 = arith.constant 0 : i32
        %dma_wait3A_461 = tpu.memref_slice %arg5[%dma_wait3A_459, %dma_wait3A_460] : memref<409600x128xf32, #tpu.memory_space<hbm>> -> memref<64x128xf32, #tpu.memory_space<hbm>>
        %dma_wait3A_462 = arith.constant 0 : i32
        %dma_wait3A_463 = arith.constant 0 : i32
        %dma_wait3A_464 = tpu.memref_slice %arg5[%dma_wait3A_462, %dma_wait3A_463] : memref<409600x128xf32, #tpu.memory_space<hbm>> -> memref<64x128xf32, #tpu.memory_space<hbm>>
        %dma_wait3A_465 = arith.constant 0 : i32
        %dma_wait3A_466 = arith.constant 0 : i32
        %dma_wait3A_467 = tpu.memref_slice %arg12[%dma_wait3A_465, %dma_wait3A_466] : memref<64x132xf32, #tpu.memory_space<vmem>> -> memref<64x128xf32, #tpu.memory_space<vmem>>
        tpu.wait_dma2 semaphore(%arg16 : memref<!tpu.dma_semaphore, #tpu.memory_space<semaphore_mem>>) src(%dma_wait3A_467 : memref<64x128xf32, #tpu.memory_space<vmem>>) dst(%dma_wait3A_464 : memref<64x128xf32, #tpu.memory_space<hbm>>)
      } else {
      }
      %get3A_282 = arith.index_cast %add3A_270 : i32 to index
      %get3A_283 = arith.constant 0 : index
      %get3A_284 = tpu.vector_load %arg8[%get3A_282, %get3A_283] {strides = array<i32>} : memref<200x64xf32, #tpu.memory_space<vmem>>, vector<16xf32>,
      %get3A_285 = arith.index_cast %add3A_270 : i32 to index
      %get3A_286 = arith.constant 16 : index
      %get3A_287 = tpu.vector_load %arg8[%get3A_285, %get3A_286] {strides = array<i32>} : memref<200x64xf32, #tpu.memory_space<vmem>>, vector<16xf32>,
      %get3A_288 = arith.index_cast %add3A_270 : i32 to index
      %get3A_289 = arith.constant 32 : index
      %get3A_290 = tpu.vector_load %arg8[%get3A_288, %get3A_289] {strides = array<i32>} : memref<200x64xf32, #tpu.memory_space<vmem>>, vector<16xf32>,
      %get3A_291 = arith.index_cast %add3A_270 : i32 to index
      %get3A_292 = arith.constant 48 : index
      %get3A_293 = tpu.vector_load %arg8[%get3A_291, %get3A_292] {strides = array<i32>} : memref<200x64xf32, #tpu.memory_space<vmem>>, vector<16xf32>,
      %parallel_loop3A_294 = arith.constant 0 : i32
      %parallel_loop3A_295 = arith.constant 128 : i32
      %parallel_loop3A_296 = arith.constant 1 : i32
      scf.for %parallel_loop3A_456 = %parallel_loop3A_294 to %parallel_loop3A_295 step %parallel_loop3A_296  : i32 {
        %parallel_loop3A_457 = vector.broadcast %parallel_loop3A_456 : i32 to vector<16xi32>
        %parallel_loop3A_458 = arith.index_cast %parallel_loop3A_456 : i32 to index
        %parallel_loop3A_459 = arith.constant 0 : index
        %parallel_loop3A_460 = tpu.vector_load %arg10[%parallel_loop3A_458, %parallel_loop3A_459] {strides = array<i32>} : memref<128x64xf32, #tpu.memory_space<vmem>>, vector<16xf32>,
        %parallel_loop3A_461 = arith.addf %parallel_loop3A_460, %get3A_284 : vector<16xf32>
        tpu.vector_store_idx %arg12[%add3A_29, %parallel_loop3A_457], %parallel_loop3A_461 : memref<64x132xf32, #tpu.memory_space<vmem>>[vector<16xi32>, vector<16xi32>], vector<16xf32>,
        %parallel_loop3A_462 = arith.index_cast %parallel_loop3A_456 : i32 to index
        %parallel_loop3A_463 = arith.constant 16 : index
        %parallel_loop3A_464 = tpu.vector_load %arg10[%parallel_loop3A_462, %parallel_loop3A_463] {strides = array<i32>} : memref<128x64xf32, #tpu.memory_space<vmem>>, vector<16xf32>,
        %parallel_loop3A_465 = arith.addf %parallel_loop3A_464, %get3A_287 : vector<16xf32>
        tpu.vector_store_idx %arg12[%add3A_32, %parallel_loop3A_457], %parallel_loop3A_465 : memref<64x132xf32, #tpu.memory_space<vmem>>[vector<16xi32>, vector<16xi32>], vector<16xf32>,
        %parallel_loop3A_466 = arith.index_cast %parallel_loop3A_456 : i32 to index
        %parallel_loop3A_467 = arith.constant 32 : index
        %parallel_loop3A_468 = tpu.vector_load %arg10[%parallel_loop3A_466, %parallel_loop3A_467] {strides = array<i32>} : memref<128x64xf32, #tpu.memory_space<vmem>>, vector<16xf32>,
        %parallel_loop3A_469 = arith.addf %parallel_loop3A_468, %get3A_290 : vector<16xf32>
        tpu.vector_store_idx %arg12[%add3A_35, %parallel_loop3A_457], %parallel_loop3A_469 : memref<64x132xf32, #tpu.memory_space<vmem>>[vector<16xi32>, vector<16xi32>], vector<16xf32>,
        %parallel_loop3A_470 = arith.index_cast %parallel_loop3A_456 : i32 to index
        %parallel_loop3A_471 = arith.constant 48 : index
        %parallel_loop3A_472 = tpu.vector_load %arg10[%parallel_loop3A_470, %parallel_loop3A_471] {strides = array<i32>} : memref<128x64xf32, #tpu.memory_space<vmem>>, vector<16xf32>,
        %parallel_loop3A_473 = arith.addf %parallel_loop3A_472, %get3A_293 : vector<16xf32>
        tpu.vector_store_idx %arg12[%add3A_38, %parallel_loop3A_457], %parallel_loop3A_473 : memref<64x132xf32, #tpu.memory_space<vmem>>[vector<16xi32>, vector<16xi32>], vector<16xf32>,
      } {sc.loop_unroll_factor = 4 : i64, sc.parallel_access}
      %add3A_297 = arith.constant 2 : i32
      %add3A_298 = arith.addi %add3A_270, %add3A_297 : i32
      %lt3A_299 = arith.constant 200 : i32
      %lt3A_300 = arith.cmpi slt, %add3A_298, %lt3A_299 : i32
      %convert_element_type3A_301 = arith.extui %lt3A_300 : i1 to i32
      %cond3A_302 = arith.constant 0 : i32
      %cond3A_303 = arith.cmpi ne, %convert_element_type3A_301, %cond3A_302 : i32
      scf.if %cond3A_303 {
        %add3A_456 = arith.constant 2 : i32
        %add3A_457 = arith.addi %add3A_270, %add3A_456 : i32
        %dma_start3A_458 = arith.constant 0 : i32
        %dma_start3A_459 = tpu.memref_slice %arg7[%add3A_457, %dma_start3A_458] : memref<200x128xi32, #tpu.memory_space<vmem>> -> memref<1x128xi32, #tpu.memory_space<vmem>>
        %dma_start3A_460 = tpu.memref_squeeze %dma_start3A_459 : memref<1x128xi32, #tpu.memory_space<vmem>> -> memref<128xi32, #tpu.memory_space<vmem>>
        %dma_start3A_461 = arith.constant 0 : i32
        %dma_start3A_462 = arith.constant 0 : i32
        %dma_start3A_463 = tpu.memref_slice %arg3[%dma_start3A_461, %dma_start3A_462] : memref<1000000x64xf32, #tpu.memory_space<hbm>> -> memref<1000000x64xf32, #tpu.memory_space<hbm>>
        tpu.enqueue_indirect_dma source(%dma_start3A_463 : memref<1000000x64xf32, #tpu.memory_space<hbm>>) target(%arg10 : memref<128x64xf32, #tpu.memory_space<vmem>>) offsets(%dma_start3A_460 : memref<128xi32, #tpu.memory_space<vmem>>) semaphore(%arg14 : memref<!tpu.dma_semaphore, #tpu.memory_space<semaphore_mem>>)
      } else {
      }
      %mul3A_304 = arith.constant 8 : i32
      %mul3A_305 = arith.muli %add3A_270, %mul3A_304 : i32
      %add3A_306 = arith.constant 0 : i32
      %add3A_307 = arith.addi %mul3A_305, %add3A_306 : i32
      %mul3A_308 = arith.constant 32 : i32
      %mul3A_309 = arith.muli %add3A_307, %mul3A_308 : i32
      %add3A_310 = arith.addi %mul3A_309, %add3A : i32
      %mul3A_311 = arith.constant 8 : i32
      %mul3A_312 = arith.muli %add3A_310, %mul3A_311 : i32
      %dma_start3A_313 = arith.constant 0 : i32
      %dma_start3A_314 = arith.constant 0 : i32
      %dma_start3A_315 = tpu.memref_slice %arg12[%dma_start3A_313, %dma_start3A_314] : memref<64x132xf32, #tpu.memory_space<vmem>> -> memref<8x128xf32, #tpu.memory_space<vmem>>
      %dma_start3A_316 = arith.constant 0 : i32
      %dma_start3A_317 = tpu.memref_slice %arg5[%mul3A_312, %dma_start3A_316] : memref<409600x128xf32, #tpu.memory_space<hbm>> -> memref<8x128xf32, #tpu.memory_space<hbm>>
      %dma_start3A_318 = arith.constant 0 : i32
      %dma_start3A_319 = tpu.memref_slice %arg5[%mul3A_312, %dma_start3A_318] : memref<409600x128xf32, #tpu.memory_space<hbm>> -> memref<8x128xf32, #tpu.memory_space<hbm>>
      %dma_start3A_320 = arith.constant 0 : i32
      %dma_start3A_321 = arith.constant 0 : i32
      %dma_start3A_322 = tpu.memref_slice %arg12[%dma_start3A_320, %dma_start3A_321] : memref<64x132xf32, #tpu.memory_space<vmem>> -> memref<8x128xf32, #tpu.memory_space<vmem>>
      tpu.enqueue_dma source(%dma_start3A_322 : memref<8x128xf32, #tpu.memory_space<vmem>>) target(%dma_start3A_319 : memref<8x128xf32, #tpu.memory_space<hbm>>) target_semaphore(%arg16 : memref<!tpu.dma_semaphore, #tpu.memory_space<semaphore_mem>>)
      %mul3A_323 = arith.constant 8 : i32
      %mul3A_324 = arith.muli %add3A_270, %mul3A_323 : i32
      %add3A_325 = arith.constant 1 : i32
      %add3A_326 = arith.addi %mul3A_324, %add3A_325 : i32
      %mul3A_327 = arith.constant 32 : i32
      %mul3A_328 = arith.muli %add3A_326, %mul3A_327 : i32
      %add3A_329 = arith.addi %mul3A_328, %add3A : i32
      %mul3A_330 = arith.constant 8 : i32
      %mul3A_331 = arith.muli %add3A_329, %mul3A_330 : i32
      %dma_start3A_332 = arith.constant 8 : i32
      %dma_start3A_333 = arith.constant 0 : i32
      %dma_start3A_334 = tpu.memref_slice %arg12[%dma_start3A_332, %dma_start3A_333] : memref<64x132xf32, #tpu.memory_space<vmem>> -> memref<8x128xf32, #tpu.memory_space<vmem>>
      %dma_start3A_335 = arith.constant 0 : i32
      %dma_start3A_336 = tpu.memref_slice %arg5[%mul3A_331, %dma_start3A_335] : memref<409600x128xf32, #tpu.memory_space<hbm>> -> memref<8x128xf32, #tpu.memory_space<hbm>>
      %dma_start3A_337 = arith.constant 0 : i32
      %dma_start3A_338 = tpu.memref_slice %arg5[%mul3A_331, %dma_start3A_337] : memref<409600x128xf32, #tpu.memory_space<hbm>> -> memref<8x128xf32, #tpu.memory_space<hbm>>
      %dma_start3A_339 = arith.constant 8 : i32
      %dma_start3A_340 = arith.constant 0 : i32
      %dma_start3A_341 = tpu.memref_slice %arg12[%dma_start3A_339, %dma_start3A_340] : memref<64x132xf32, #tpu.memory_space<vmem>> -> memref<8x128xf32, #tpu.memory_space<vmem>>
      tpu.enqueue_dma source(%dma_start3A_341 : memref<8x128xf32, #tpu.memory_space<vmem>>) target(%dma_start3A_338 : memref<8x128xf32, #tpu.memory_space<hbm>>) target_semaphore(%arg16 : memref<!tpu.dma_semaphore, #tpu.memory_space<semaphore_mem>>)
      %mul3A_342 = arith.constant 8 : i32
      %mul3A_343 = arith.muli %add3A_270, %mul3A_342 : i32
      %add3A_344 = arith.constant 2 : i32
      %add3A_345 = arith.addi %mul3A_343, %add3A_344 : i32
      %mul3A_346 = arith.constant 32 : i32
      %mul3A_347 = arith.muli %add3A_345, %mul3A_346 : i32
      %add3A_348 = arith.addi %mul3A_347, %add3A : i32
      %mul3A_349 = arith.constant 8 : i32
      %mul3A_350 = arith.muli %add3A_348, %mul3A_349 : i32
      %dma_start3A_351 = arith.constant 16 : i32
      %dma_start3A_352 = arith.constant 0 : i32
      %dma_start3A_353 = tpu.memref_slice %arg12[%dma_start3A_351, %dma_start3A_352] : memref<64x132xf32, #tpu.memory_space<vmem>> -> memref<8x128xf32, #tpu.memory_space<vmem>>
      %dma_start3A_354 = arith.constant 0 : i32
      %dma_start3A_355 = tpu.memref_slice %arg5[%mul3A_350, %dma_start3A_354] : memref<409600x128xf32, #tpu.memory_space<hbm>> -> memref<8x128xf32, #tpu.memory_space<hbm>>
      %dma_start3A_356 = arith.constant 0 : i32
      %dma_start3A_357 = tpu.memref_slice %arg5[%mul3A_350, %dma_start3A_356] : memref<409600x128xf32, #tpu.memory_space<hbm>> -> memref<8x128xf32, #tpu.memory_space<hbm>>
      %dma_start3A_358 = arith.constant 16 : i32
      %dma_start3A_359 = arith.constant 0 : i32
      %dma_start3A_360 = tpu.memref_slice %arg12[%dma_start3A_358, %dma_start3A_359] : memref<64x132xf32, #tpu.memory_space<vmem>> -> memref<8x128xf32, #tpu.memory_space<vmem>>
      tpu.enqueue_dma source(%dma_start3A_360 : memref<8x128xf32, #tpu.memory_space<vmem>>) target(%dma_start3A_357 : memref<8x128xf32, #tpu.memory_space<hbm>>) target_semaphore(%arg16 : memref<!tpu.dma_semaphore, #tpu.memory_space<semaphore_mem>>)
      %mul3A_361 = arith.constant 8 : i32
      %mul3A_362 = arith.muli %add3A_270, %mul3A_361 : i32
      %add3A_363 = arith.constant 3 : i32
      %add3A_364 = arith.addi %mul3A_362, %add3A_363 : i32
      %mul3A_365 = arith.constant 32 : i32
      %mul3A_366 = arith.muli %add3A_364, %mul3A_365 : i32
      %add3A_367 = arith.addi %mul3A_366, %add3A : i32
      %mul3A_368 = arith.constant 8 : i32
      %mul3A_369 = arith.muli %add3A_367, %mul3A_368 : i32
      %dma_start3A_370 = arith.constant 24 : i32
      %dma_start3A_371 = arith.constant 0 : i32
      %dma_start3A_372 = tpu.memref_slice %arg12[%dma_start3A_370, %dma_start3A_371] : memref<64x132xf32, #tpu.memory_space<vmem>> -> memref<8x128xf32, #tpu.memory_space<vmem>>
      %dma_start3A_373 = arith.constant 0 : i32
      %dma_start3A_374 = tpu.memref_slice %arg5[%mul3A_369, %dma_start3A_373] : memref<409600x128xf32, #tpu.memory_space<hbm>> -> memref<8x128xf32, #tpu.memory_space<hbm>>
      %dma_start3A_375 = arith.constant 0 : i32
      %dma_start3A_376 = tpu.memref_slice %arg5[%mul3A_369, %dma_start3A_375] : memref<409600x128xf32, #tpu.memory_space<hbm>> -> memref<8x128xf32, #tpu.memory_space<hbm>>
      %dma_start3A_377 = arith.constant 24 : i32
      %dma_start3A_378 = arith.constant 0 : i32
      %dma_start3A_379 = tpu.memref_slice %arg12[%dma_start3A_377, %dma_start3A_378] : memref<64x132xf32, #tpu.memory_space<vmem>> -> memref<8x128xf32, #tpu.memory_space<vmem>>
      tpu.enqueue_dma source(%dma_start3A_379 : memref<8x128xf32, #tpu.memory_space<vmem>>) target(%dma_start3A_376 : memref<8x128xf32, #tpu.memory_space<hbm>>) target_semaphore(%arg16 : memref<!tpu.dma_semaphore, #tpu.memory_space<semaphore_mem>>)
      %mul3A_380 = arith.constant 8 : i32
      %mul3A_381 = arith.muli %add3A_270, %mul3A_380 : i32
      %add3A_382 = arith.constant 4 : i32
      %add3A_383 = arith.addi %mul3A_381, %add3A_382 : i32
      %mul3A_384 = arith.constant 32 : i32
      %mul3A_385 = arith.muli %add3A_383, %mul3A_384 : i32
      %add3A_386 = arith.addi %mul3A_385, %add3A : i32
      %mul3A_387 = arith.constant 8 : i32
      %mul3A_388 = arith.muli %add3A_386, %mul3A_387 : i32
      %dma_start3A_389 = arith.constant 32 : i32
      %dma_start3A_390 = arith.constant 0 : i32
      %dma_start3A_391 = tpu.memref_slice %arg12[%dma_start3A_389, %dma_start3A_390] : memref<64x132xf32, #tpu.memory_space<vmem>> -> memref<8x128xf32, #tpu.memory_space<vmem>>
      %dma_start3A_392 = arith.constant 0 : i32
      %dma_start3A_393 = tpu.memref_slice %arg5[%mul3A_388, %dma_start3A_392] : memref<409600x128xf32, #tpu.memory_space<hbm>> -> memref<8x128xf32, #tpu.memory_space<hbm>>
      %dma_start3A_394 = arith.constant 0 : i32
      %dma_start3A_395 = tpu.memref_slice %arg5[%mul3A_388, %dma_start3A_394] : memref<409600x128xf32, #tpu.memory_space<hbm>> -> memref<8x128xf32, #tpu.memory_space<hbm>>
      %dma_start3A_396 = arith.constant 32 : i32
      %dma_start3A_397 = arith.constant 0 : i32
      %dma_start3A_398 = tpu.memref_slice %arg12[%dma_start3A_396, %dma_start3A_397] : memref<64x132xf32, #tpu.memory_space<vmem>> -> memref<8x128xf32, #tpu.memory_space<vmem>>
      tpu.enqueue_dma source(%dma_start3A_398 : memref<8x128xf32, #tpu.memory_space<vmem>>) target(%dma_start3A_395 : memref<8x128xf32, #tpu.memory_space<hbm>>) target_semaphore(%arg16 : memref<!tpu.dma_semaphore, #tpu.memory_space<semaphore_mem>>)
      %mul3A_399 = arith.constant 8 : i32
      %mul3A_400 = arith.muli %add3A_270, %mul3A_399 : i32
      %add3A_401 = arith.constant 5 : i32
      %add3A_402 = arith.addi %mul3A_400, %add3A_401 : i32
      %mul3A_403 = arith.constant 32 : i32
      %mul3A_404 = arith.muli %add3A_402, %mul3A_403 : i32
      %add3A_405 = arith.addi %mul3A_404, %add3A : i32
      %mul3A_406 = arith.constant 8 : i32
      %mul3A_407 = arith.muli %add3A_405, %mul3A_406 : i32
      %dma_start3A_408 = arith.constant 40 : i32
      %dma_start3A_409 = arith.constant 0 : i32
      %dma_start3A_410 = tpu.memref_slice %arg12[%dma_start3A_408, %dma_start3A_409] : memref<64x132xf32, #tpu.memory_space<vmem>> -> memref<8x128xf32, #tpu.memory_space<vmem>>
      %dma_start3A_411 = arith.constant 0 : i32
      %dma_start3A_412 = tpu.memref_slice %arg5[%mul3A_407, %dma_start3A_411] : memref<409600x128xf32, #tpu.memory_space<hbm>> -> memref<8x128xf32, #tpu.memory_space<hbm>>
      %dma_start3A_413 = arith.constant 0 : i32
      %dma_start3A_414 = tpu.memref_slice %arg5[%mul3A_407, %dma_start3A_413] : memref<409600x128xf32, #tpu.memory_space<hbm>> -> memref<8x128xf32, #tpu.memory_space<hbm>>
      %dma_start3A_415 = arith.constant 40 : i32
      %dma_start3A_416 = arith.constant 0 : i32
      %dma_start3A_417 = tpu.memref_slice %arg12[%dma_start3A_415, %dma_start3A_416] : memref<64x132xf32, #tpu.memory_space<vmem>> -> memref<8x128xf32, #tpu.memory_space<vmem>>
      tpu.enqueue_dma source(%dma_start3A_417 : memref<8x128xf32, #tpu.memory_space<vmem>>) target(%dma_start3A_414 : memref<8x128xf32, #tpu.memory_space<hbm>>) target_semaphore(%arg16 : memref<!tpu.dma_semaphore, #tpu.memory_space<semaphore_mem>>)
      %mul3A_418 = arith.constant 8 : i32
      %mul3A_419 = arith.muli %add3A_270, %mul3A_418 : i32
      %add3A_420 = arith.constant 6 : i32
      %add3A_421 = arith.addi %mul3A_419, %add3A_420 : i32
      %mul3A_422 = arith.constant 32 : i32
      %mul3A_423 = arith.muli %add3A_421, %mul3A_422 : i32
      %add3A_424 = arith.addi %mul3A_423, %add3A : i32
      %mul3A_425 = arith.constant 8 : i32
      %mul3A_426 = arith.muli %add3A_424, %mul3A_425 : i32
      %dma_start3A_427 = arith.constant 48 : i32
      %dma_start3A_428 = arith.constant 0 : i32
      %dma_start3A_429 = tpu.memref_slice %arg12[%dma_start3A_427, %dma_start3A_428] : memref<64x132xf32, #tpu.memory_space<vmem>> -> memref<8x128xf32, #tpu.memory_space<vmem>>
      %dma_start3A_430 = arith.constant 0 : i32
      %dma_start3A_431 = tpu.memref_slice %arg5[%mul3A_426, %dma_start3A_430] : memref<409600x128xf32, #tpu.memory_space<hbm>> -> memref<8x128xf32, #tpu.memory_space<hbm>>
      %dma_start3A_432 = arith.constant 0 : i32
      %dma_start3A_433 = tpu.memref_slice %arg5[%mul3A_426, %dma_start3A_432] : memref<409600x128xf32, #tpu.memory_space<hbm>> -> memref<8x128xf32, #tpu.memory_space<hbm>>
      %dma_start3A_434 = arith.constant 48 : i32
      %dma_start3A_435 = arith.constant 0 : i32
      %dma_start3A_436 = tpu.memref_slice %arg12[%dma_start3A_434, %dma_start3A_435] : memref<64x132xf32, #tpu.memory_space<vmem>> -> memref<8x128xf32, #tpu.memory_space<vmem>>
      tpu.enqueue_dma source(%dma_start3A_436 : memref<8x128xf32, #tpu.memory_space<vmem>>) target(%dma_start3A_433 : memref<8x128xf32, #tpu.memory_space<hbm>>) target_semaphore(%arg16 : memref<!tpu.dma_semaphore, #tpu.memory_space<semaphore_mem>>)
      %mul3A_437 = arith.constant 8 : i32
      %mul3A_438 = arith.muli %add3A_270, %mul3A_437 : i32
      %add3A_439 = arith.constant 7 : i32
      %add3A_440 = arith.addi %mul3A_438, %add3A_439 : i32
      %mul3A_441 = arith.constant 32 : i32
      %mul3A_442 = arith.muli %add3A_440, %mul3A_441 : i32
      %add3A_443 = arith.addi %mul3A_442, %add3A : i32
      %mul3A_444 = arith.constant 8 : i32
      %mul3A_445 = arith.muli %add3A_443, %mul3A_444 : i32
      %dma_start3A_446 = arith.constant 56 : i32
      %dma_start3A_447 = arith.constant 0 : i32
      %dma_start3A_448 = tpu.memref_slice %arg12[%dma_start3A_446, %dma_start3A_447] : memref<64x132xf32, #tpu.memory_space<vmem>> -> memref<8x128xf32, #tpu.memory_space<vmem>>
      %dma_start3A_449 = arith.constant 0 : i32
      %dma_start3A_450 = tpu.memref_slice %arg5[%mul3A_445, %dma_start3A_449] : memref<409600x128xf32, #tpu.memory_space<hbm>> -> memref<8x128xf32, #tpu.memory_space<hbm>>
      %dma_start3A_451 = arith.constant 0 : i32
      %dma_start3A_452 = tpu.memref_slice %arg5[%mul3A_445, %dma_start3A_451] : memref<409600x128xf32, #tpu.memory_space<hbm>> -> memref<8x128xf32, #tpu.memory_space<hbm>>
      %dma_start3A_453 = arith.constant 56 : i32
      %dma_start3A_454 = arith.constant 0 : i32
      %dma_start3A_455 = tpu.memref_slice %arg12[%dma_start3A_453, %dma_start3A_454] : memref<64x132xf32, #tpu.memory_space<vmem>> -> memref<8x128xf32, #tpu.memory_space<vmem>>
      tpu.enqueue_dma source(%dma_start3A_455 : memref<8x128xf32, #tpu.memory_space<vmem>>) target(%dma_start3A_452 : memref<8x128xf32, #tpu.memory_space<hbm>>) target_semaphore(%arg16 : memref<!tpu.dma_semaphore, #tpu.memory_space<semaphore_mem>>)
    }
    %scan3A_58 = arith.constant 100 : i32
    %dma_wait3A = arith.constant 0 : i32
    %dma_wait3A_59 = arith.constant 0 : i32
    %dma_wait3A_60 = tpu.memref_slice %arg11[%dma_wait3A, %dma_wait3A_59] : memref<64x132xf32, #tpu.memory_space<vmem>> -> memref<64x128xf32, #tpu.memory_space<vmem>>
    %dma_wait3A_61 = arith.constant 0 : i32
    %dma_wait3A_62 = arith.constant 0 : i32
    %dma_wait3A_63 = tpu.memref_slice %arg5[%dma_wait3A_61, %dma_wait3A_62] : memref<409600x128xf32, #tpu.memory_space<hbm>> -> memref<64x128xf32, #tpu.memory_space<hbm>>
    %dma_wait3A_64 = arith.constant 0 : i32
    %dma_wait3A_65 = arith.constant 0 : i32
    %dma_wait3A_66 = tpu.memref_slice %arg5[%dma_wait3A_64, %dma_wait3A_65] : memref<409600x128xf32, #tpu.memory_space<hbm>> -> memref<64x128xf32, #tpu.memory_space<hbm>>
    %dma_wait3A_67 = arith.constant 0 : i32
    %dma_wait3A_68 = arith.constant 0 : i32
    %dma_wait3A_69 = tpu.memref_slice %arg11[%dma_wait3A_67, %dma_wait3A_68] : memref<64x132xf32, #tpu.memory_space<vmem>> -> memref<64x128xf32, #tpu.memory_space<vmem>>
    tpu.wait_dma2 semaphore(%arg15 : memref<!tpu.dma_semaphore, #tpu.memory_space<semaphore_mem>>) src(%dma_wait3A_69 : memref<64x128xf32, #tpu.memory_space<vmem>>) dst(%dma_wait3A_66 : memref<64x128xf32, #tpu.memory_space<hbm>>)
    %dma_wait3A_70 = arith.constant 0 : i32
    %dma_wait3A_71 = arith.constant 0 : i32
    %dma_wait3A_72 = tpu.memref_slice %arg12[%dma_wait3A_70, %dma_wait3A_71] : memref<64x132xf32, #tpu.memory_space<vmem>> -> memref<64x128xf32, #tpu.memory_space<vmem>>
    %dma_wait3A_73 = arith.constant 0 : i32
    %dma_wait3A_74 = arith.constant 0 : i32
    %dma_wait3A_75 = tpu.memref_slice %arg5[%dma_wait3A_73, %dma_wait3A_74] : memref<409600x128xf32, #tpu.memory_space<hbm>> -> memref<64x128xf32, #tpu.memory_space<hbm>>
    %dma_wait3A_76 = arith.constant 0 : i32
    %dma_wait3A_77 = arith.constant 0 : i32
    %dma_wait3A_78 = tpu.memref_slice %arg5[%dma_wait3A_76, %dma_wait3A_77] : memref<409600x128xf32, #tpu.memory_space<hbm>> -> memref<64x128xf32, #tpu.memory_space<hbm>>
    %dma_wait3A_79 = arith.constant 0 : i32
    %dma_wait3A_80 = arith.constant 0 : i32
    %dma_wait3A_81 = tpu.memref_slice %arg12[%dma_wait3A_79, %dma_wait3A_80] : memref<64x132xf32, #tpu.memory_space<vmem>> -> memref<64x128xf32, #tpu.memory_space<vmem>>
    tpu.wait_dma2 semaphore(%arg16 : memref<!tpu.dma_semaphore, #tpu.memory_space<semaphore_mem>>) src(%dma_wait3A_81 : memref<64x128xf32, #tpu.memory_space<vmem>>) dst(%dma_wait3A_78 : memref<64x128xf32, #tpu.memory_space<hbm>>)
    return
  }
}

#map = affine_map<(d0, d1) -> (0, 0, 0)>
#map1 = affine_map<(d0, d1) -> (0, 0)>
module attributes {stable_mosaic.version = 14 : i64} {
  func.func @_repack(%arg0: i32, %arg1: i32, %arg2: memref<125000x8x64xf32, #tpu.memory_space<hbm>>, %arg3: memref<500000x128xf32, #tpu.memory_space<hbm>>, %arg4: memref<18x8x64xf32, #tpu.memory_space<vmem>>, %arg5: memref<18x8x64xf32, #tpu.memory_space<vmem>>, %arg6: memref<72x128xf32, #tpu.memory_space<vmem>>, %arg7: memref<72x128xf32, #tpu.memory_space<vmem>>, %arg8: memref<!tpu.dma_semaphore, #tpu.memory_space<semaphore_mem>>, %arg9: memref<!tpu.dma_semaphore, #tpu.memory_space<semaphore_mem>>, %arg10: memref<!tpu.dma_semaphore, #tpu.memory_space<semaphore_mem>>, %arg11: memref<!tpu.dma_semaphore, #tpu.memory_space<semaphore_mem>>) attributes {dimension_semantics = [#tpu.dimension_semantics<core_parallel>, #tpu.dimension_semantics<subcore_parallel>], iteration_bounds = array<i64: 2, 16>, scalar_prefetch = 0 : i64, scratch_operands = 8 : i64, tpu.core_type = #tpu.core_type<sc_vector_subcore>, window_params = [{transform_indices = #map}, {transform_indices = #map1}]} {
    %mul3A = arith.constant 2 : i32
    %mul3A_0 = arith.muli %arg1, %mul3A : i32
    %add3A = arith.addi %mul3A_0, %arg0 : i32
    %mul3A_1 = arith.constant 3906 : i32
    %mul3A_2 = arith.muli %add3A, %mul3A_1 : i32
    %add3A_3 = arith.constant 0 : i32
    %add3A_4 = arith.addi %mul3A_2, %add3A_3 : i32
    %dma_start3A = arith.constant 0 : i32
    %dma_start3A_5 = arith.constant 0 : i32
    %dma_start3A_6 = tpu.memref_slice %arg2[%add3A_4, %dma_start3A, %dma_start3A_5] : memref<125000x8x64xf32, #tpu.memory_space<hbm>> -> memref<18x8x64xf32, #tpu.memory_space<hbm>>
    %dma_start3A_7 = arith.constant 0 : i32
    %dma_start3A_8 = arith.constant 0 : i32
    %dma_start3A_9 = tpu.memref_slice %arg2[%add3A_4, %dma_start3A_7, %dma_start3A_8] : memref<125000x8x64xf32, #tpu.memory_space<hbm>> -> memref<18x8x64xf32, #tpu.memory_space<hbm>>
    tpu.enqueue_dma source(%dma_start3A_9 : memref<18x8x64xf32, #tpu.memory_space<hbm>>) target(%arg4 : memref<18x8x64xf32, #tpu.memory_space<vmem>>) target_semaphore(%arg8 : memref<!tpu.dma_semaphore, #tpu.memory_space<semaphore_mem>>)
    %add3A_10 = arith.constant 18 : i32
    %add3A_11 = arith.addi %mul3A_2, %add3A_10 : i32
    %dma_start3A_12 = arith.constant 0 : i32
    %dma_start3A_13 = arith.constant 0 : i32
    %dma_start3A_14 = tpu.memref_slice %arg2[%add3A_11, %dma_start3A_12, %dma_start3A_13] : memref<125000x8x64xf32, #tpu.memory_space<hbm>> -> memref<18x8x64xf32, #tpu.memory_space<hbm>>
    %dma_start3A_15 = arith.constant 0 : i32
    %dma_start3A_16 = arith.constant 0 : i32
    %dma_start3A_17 = tpu.memref_slice %arg2[%add3A_11, %dma_start3A_15, %dma_start3A_16] : memref<125000x8x64xf32, #tpu.memory_space<hbm>> -> memref<18x8x64xf32, #tpu.memory_space<hbm>>
    tpu.enqueue_dma source(%dma_start3A_17 : memref<18x8x64xf32, #tpu.memory_space<hbm>>) target(%arg5 : memref<18x8x64xf32, #tpu.memory_space<vmem>>) target_semaphore(%arg9 : memref<!tpu.dma_semaphore, #tpu.memory_space<semaphore_mem>>)
    %scan3A = arith.constant 0 : i32
    %scan3A_18 = arith.constant 0 : i32
    %scan3A_19 = arith.constant 108 : i32
    %scan3A_20 = arith.addi %scan3A_18, %scan3A_19 : i32
    %scan3A_21 = arith.constant 1 : i32
    scf.for %scan3A_60 = %scan3A_18 to %scan3A_20 step %scan3A_21  : i32 {
      %mul3A_61 = arith.constant 2 : i32
      %mul3A_62 = arith.muli %scan3A_60, %mul3A_61 : i32
      %add3A_63 = arith.constant 0 : i32
      %add3A_64 = arith.addi %mul3A_62, %add3A_63 : i32
      %dma_wait3A_65 = arith.constant 0 : i32
      %dma_wait3A_66 = arith.constant 0 : i32
      %dma_wait3A_67 = arith.constant 0 : i32
      %dma_wait3A_68 = tpu.memref_slice %arg2[%dma_wait3A_65, %dma_wait3A_66, %dma_wait3A_67] : memref<125000x8x64xf32, #tpu.memory_space<hbm>> -> memref<18x8x64xf32, #tpu.memory_space<hbm>>
      %dma_wait3A_69 = arith.constant 0 : i32
      %dma_wait3A_70 = arith.constant 0 : i32
      %dma_wait3A_71 = arith.constant 0 : i32
      %dma_wait3A_72 = tpu.memref_slice %arg2[%dma_wait3A_69, %dma_wait3A_70, %dma_wait3A_71] : memref<125000x8x64xf32, #tpu.memory_space<hbm>> -> memref<18x8x64xf32, #tpu.memory_space<hbm>>
      tpu.wait_dma2 semaphore(%arg8 : memref<!tpu.dma_semaphore, #tpu.memory_space<semaphore_mem>>) src(%dma_wait3A_72 : memref<18x8x64xf32, #tpu.memory_space<hbm>>) dst(%arg4 : memref<18x8x64xf32, #tpu.memory_space<vmem>>)
      %ge3A = arith.constant 2 : i32
      %ge3A_73 = arith.cmpi sge, %add3A_64, %ge3A : i32
      %convert_element_type3A_74 = arith.extui %ge3A_73 : i1 to i32
      %cond3A_75 = arith.constant 0 : i32
      %cond3A_76 = arith.cmpi ne, %convert_element_type3A_74, %cond3A_75 : i32
      scf.if %cond3A_76 {
        %dma_wait3A_131 = arith.constant 0 : i32
        %dma_wait3A_132 = arith.constant 0 : i32
        %dma_wait3A_133 = tpu.memref_slice %arg3[%dma_wait3A_131, %dma_wait3A_132] : memref<500000x128xf32, #tpu.memory_space<hbm>> -> memref<72x128xf32, #tpu.memory_space<hbm>>
        %dma_wait3A_134 = arith.constant 0 : i32
        %dma_wait3A_135 = arith.constant 0 : i32
        %dma_wait3A_136 = tpu.memref_slice %arg3[%dma_wait3A_134, %dma_wait3A_135] : memref<500000x128xf32, #tpu.memory_space<hbm>> -> memref<72x128xf32, #tpu.memory_space<hbm>>
        tpu.wait_dma2 semaphore(%arg10 : memref<!tpu.dma_semaphore, #tpu.memory_space<semaphore_mem>>) src(%arg6 : memref<72x128xf32, #tpu.memory_space<vmem>>) dst(%dma_wait3A_136 : memref<72x128xf32, #tpu.memory_space<hbm>>)
      } else {
      }
      %parallel_loop3A_77 = arith.constant 0 : i32
      %parallel_loop3A_78 = arith.constant 144 : i32
      %parallel_loop3A_79 = arith.constant 1 : i32
      scf.for %parallel_loop3A_131 = %parallel_loop3A_77 to %parallel_loop3A_78 step %parallel_loop3A_79  : i32 {
        %parallel_loop3A_132 = arith.constant 8 : i32
        %parallel_loop3A_133 = arith.divsi %parallel_loop3A_131, %parallel_loop3A_132 : i32
        %parallel_loop3A_134 = arith.constant 0 : i32
        %parallel_loop3A_135 = arith.cmpi sgt, %parallel_loop3A_131, %parallel_loop3A_134 : i32
        %parallel_loop3A_136 = arith.extui %parallel_loop3A_135 : i1 to i32
        %parallel_loop3A_137 = arith.constant 0 : i32
        %parallel_loop3A_138 = arith.cmpi slt, %parallel_loop3A_131, %parallel_loop3A_137 : i32
        %parallel_loop3A_139 = arith.extui %parallel_loop3A_138 : i1 to i32
        %parallel_loop3A_140 = arith.subi %parallel_loop3A_136, %parallel_loop3A_139 : i32
        %parallel_loop3A_141 = arith.constant 0 : i32
        %parallel_loop3A_142 = arith.cmpi sgt, %parallel_loop3A_132, %parallel_loop3A_141 : i32
        %parallel_loop3A_143 = arith.extui %parallel_loop3A_142 : i1 to i32
        %parallel_loop3A_144 = arith.constant 0 : i32
        %parallel_loop3A_145 = arith.cmpi slt, %parallel_loop3A_132, %parallel_loop3A_144 : i32
        %parallel_loop3A_146 = arith.extui %parallel_loop3A_145 : i1 to i32
        %parallel_loop3A_147 = arith.subi %parallel_loop3A_143, %parallel_loop3A_146 : i32
        %parallel_loop3A_148 = arith.cmpi ne, %parallel_loop3A_140, %parallel_loop3A_147 : i32
        %parallel_loop3A_149 = arith.remsi %parallel_loop3A_131, %parallel_loop3A_132 : i32
        %parallel_loop3A_150 = arith.constant 0 : i32
        %parallel_loop3A_151 = arith.cmpi ne, %parallel_loop3A_149, %parallel_loop3A_150 : i32
        %parallel_loop3A_152 = arith.andi %parallel_loop3A_148, %parallel_loop3A_151 : i1
        %parallel_loop3A_153 = arith.constant 1 : i32
        %parallel_loop3A_154 = arith.subi %parallel_loop3A_133, %parallel_loop3A_153 : i32
        %parallel_loop3A_155 = arith.select %parallel_loop3A_152, %parallel_loop3A_154, %parallel_loop3A_133 : i32
        %parallel_loop3A_156 = arith.constant 8 : i32
        %parallel_loop3A_157 = arith.muli %parallel_loop3A_155, %parallel_loop3A_156 : i32
        %parallel_loop3A_158 = arith.subi %parallel_loop3A_131, %parallel_loop3A_157 : i32
        %parallel_loop3A_159 = arith.constant 1 : i32
        %parallel_loop3A_160 = arith.andi %parallel_loop3A_131, %parallel_loop3A_159 : i32
        %parallel_loop3A_161 = arith.constant 64 : i32
        %parallel_loop3A_162 = arith.muli %parallel_loop3A_160, %parallel_loop3A_161 : i32
        %parallel_loop3A_163 = arith.index_cast %parallel_loop3A_155 : i32 to index
        %parallel_loop3A_164 = arith.index_cast %parallel_loop3A_158 : i32 to index
        %parallel_loop3A_165 = arith.constant 0 : index
        %parallel_loop3A_166 = tpu.vector_load %arg4[%parallel_loop3A_163, %parallel_loop3A_164, %parallel_loop3A_165] {strides = array<i32>} : memref<18x8x64xf32, #tpu.memory_space<vmem>>, vector<16xf32>,
        %parallel_loop3A_167 = arith.constant 2 : i32
        %parallel_loop3A_168 = arith.divsi %parallel_loop3A_131, %parallel_loop3A_167 : i32
        %parallel_loop3A_169 = arith.constant 0 : i32
        %parallel_loop3A_170 = arith.cmpi sgt, %parallel_loop3A_131, %parallel_loop3A_169 : i32
        %parallel_loop3A_171 = arith.extui %parallel_loop3A_170 : i1 to i32
        %parallel_loop3A_172 = arith.constant 0 : i32
        %parallel_loop3A_173 = arith.cmpi slt, %parallel_loop3A_131, %parallel_loop3A_172 : i32
        %parallel_loop3A_174 = arith.extui %parallel_loop3A_173 : i1 to i32
        %parallel_loop3A_175 = arith.subi %parallel_loop3A_171, %parallel_loop3A_174 : i32
        %parallel_loop3A_176 = arith.constant 0 : i32
        %parallel_loop3A_177 = arith.cmpi sgt, %parallel_loop3A_167, %parallel_loop3A_176 : i32
        %parallel_loop3A_178 = arith.extui %parallel_loop3A_177 : i1 to i32
        %parallel_loop3A_179 = arith.constant 0 : i32
        %parallel_loop3A_180 = arith.cmpi slt, %parallel_loop3A_167, %parallel_loop3A_179 : i32
        %parallel_loop3A_181 = arith.extui %parallel_loop3A_180 : i1 to i32
        %parallel_loop3A_182 = arith.subi %parallel_loop3A_178, %parallel_loop3A_181 : i32
        %parallel_loop3A_183 = arith.cmpi ne, %parallel_loop3A_175, %parallel_loop3A_182 : i32
        %parallel_loop3A_184 = arith.remsi %parallel_loop3A_131, %parallel_loop3A_167 : i32
        %parallel_loop3A_185 = arith.constant 0 : i32
        %parallel_loop3A_186 = arith.cmpi ne, %parallel_loop3A_184, %parallel_loop3A_185 : i32
        %parallel_loop3A_187 = arith.andi %parallel_loop3A_183, %parallel_loop3A_186 : i1
        %parallel_loop3A_188 = arith.constant 1 : i32
        %parallel_loop3A_189 = arith.subi %parallel_loop3A_168, %parallel_loop3A_188 : i32
        %parallel_loop3A_190 = arith.select %parallel_loop3A_187, %parallel_loop3A_189, %parallel_loop3A_168 : i32
        %parallel_loop3A_191 = arith.constant 0 : i32
        %parallel_loop3A_192 = arith.addi %parallel_loop3A_162, %parallel_loop3A_191 : i32
        %parallel_loop3A_193 = arith.index_cast %parallel_loop3A_190 : i32 to index
        %parallel_loop3A_194 = arith.index_cast %parallel_loop3A_192 : i32 to index
        %parallel_loop3A_195 = tpu.vector_load %arg6[%parallel_loop3A_193, %parallel_loop3A_194] {strides = array<i32>} : memref<72x128xf32, #tpu.memory_space<vmem>>, vector<16xf32>,
        tpu.vector_store %arg6[%parallel_loop3A_193, %parallel_loop3A_194], %parallel_loop3A_166 {strides = array<i32>} : memref<72x128xf32, #tpu.memory_space<vmem>>, vector<16xf32>,
        %parallel_loop3A_196 = arith.index_cast %parallel_loop3A_155 : i32 to index
        %parallel_loop3A_197 = arith.index_cast %parallel_loop3A_158 : i32 to index
        %parallel_loop3A_198 = arith.constant 16 : index
        %parallel_loop3A_199 = tpu.vector_load %arg4[%parallel_loop3A_196, %parallel_loop3A_197, %parallel_loop3A_198] {strides = array<i32>} : memref<18x8x64xf32, #tpu.memory_space<vmem>>, vector<16xf32>,
        %parallel_loop3A_200 = arith.constant 2 : i32
        %parallel_loop3A_201 = arith.divsi %parallel_loop3A_131, %parallel_loop3A_200 : i32
        %parallel_loop3A_202 = arith.constant 0 : i32
        %parallel_loop3A_203 = arith.cmpi sgt, %parallel_loop3A_131, %parallel_loop3A_202 : i32
        %parallel_loop3A_204 = arith.extui %parallel_loop3A_203 : i1 to i32
        %parallel_loop3A_205 = arith.constant 0 : i32
        %parallel_loop3A_206 = arith.cmpi slt, %parallel_loop3A_131, %parallel_loop3A_205 : i32
        %parallel_loop3A_207 = arith.extui %parallel_loop3A_206 : i1 to i32
        %parallel_loop3A_208 = arith.subi %parallel_loop3A_204, %parallel_loop3A_207 : i32
        %parallel_loop3A_209 = arith.constant 0 : i32
        %parallel_loop3A_210 = arith.cmpi sgt, %parallel_loop3A_200, %parallel_loop3A_209 : i32
        %parallel_loop3A_211 = arith.extui %parallel_loop3A_210 : i1 to i32
        %parallel_loop3A_212 = arith.constant 0 : i32
        %parallel_loop3A_213 = arith.cmpi slt, %parallel_loop3A_200, %parallel_loop3A_212 : i32
        %parallel_loop3A_214 = arith.extui %parallel_loop3A_213 : i1 to i32
        %parallel_loop3A_215 = arith.subi %parallel_loop3A_211, %parallel_loop3A_214 : i32
        %parallel_loop3A_216 = arith.cmpi ne, %parallel_loop3A_208, %parallel_loop3A_215 : i32
        %parallel_loop3A_217 = arith.remsi %parallel_loop3A_131, %parallel_loop3A_200 : i32
        %parallel_loop3A_218 = arith.constant 0 : i32
        %parallel_loop3A_219 = arith.cmpi ne, %parallel_loop3A_217, %parallel_loop3A_218 : i32
        %parallel_loop3A_220 = arith.andi %parallel_loop3A_216, %parallel_loop3A_219 : i1
        %parallel_loop3A_221 = arith.constant 1 : i32
        %parallel_loop3A_222 = arith.subi %parallel_loop3A_201, %parallel_loop3A_221 : i32
        %parallel_loop3A_223 = arith.select %parallel_loop3A_220, %parallel_loop3A_222, %parallel_loop3A_201 : i32
        %parallel_loop3A_224 = arith.constant 16 : i32
        %parallel_loop3A_225 = arith.addi %parallel_loop3A_162, %parallel_loop3A_224 : i32
        %parallel_loop3A_226 = arith.index_cast %parallel_loop3A_223 : i32 to index
        %parallel_loop3A_227 = arith.index_cast %parallel_loop3A_225 : i32 to index
        %parallel_loop3A_228 = tpu.vector_load %arg6[%parallel_loop3A_226, %parallel_loop3A_227] {strides = array<i32>} : memref<72x128xf32, #tpu.memory_space<vmem>>, vector<16xf32>,
        tpu.vector_store %arg6[%parallel_loop3A_226, %parallel_loop3A_227], %parallel_loop3A_199 {strides = array<i32>} : memref<72x128xf32, #tpu.memory_space<vmem>>, vector<16xf32>,
        %parallel_loop3A_229 = arith.index_cast %parallel_loop3A_155 : i32 to index
        %parallel_loop3A_230 = arith.index_cast %parallel_loop3A_158 : i32 to index
        %parallel_loop3A_231 = arith.constant 32 : index
        %parallel_loop3A_232 = tpu.vector_load %arg4[%parallel_loop3A_229, %parallel_loop3A_230, %parallel_loop3A_231] {strides = array<i32>} : memref<18x8x64xf32, #tpu.memory_space<vmem>>, vector<16xf32>,
        %parallel_loop3A_233 = arith.constant 2 : i32
        %parallel_loop3A_234 = arith.divsi %parallel_loop3A_131, %parallel_loop3A_233 : i32
        %parallel_loop3A_235 = arith.constant 0 : i32
        %parallel_loop3A_236 = arith.cmpi sgt, %parallel_loop3A_131, %parallel_loop3A_235 : i32
        %parallel_loop3A_237 = arith.extui %parallel_loop3A_236 : i1 to i32
        %parallel_loop3A_238 = arith.constant 0 : i32
        %parallel_loop3A_239 = arith.cmpi slt, %parallel_loop3A_131, %parallel_loop3A_238 : i32
        %parallel_loop3A_240 = arith.extui %parallel_loop3A_239 : i1 to i32
        %parallel_loop3A_241 = arith.subi %parallel_loop3A_237, %parallel_loop3A_240 : i32
        %parallel_loop3A_242 = arith.constant 0 : i32
        %parallel_loop3A_243 = arith.cmpi sgt, %parallel_loop3A_233, %parallel_loop3A_242 : i32
        %parallel_loop3A_244 = arith.extui %parallel_loop3A_243 : i1 to i32
        %parallel_loop3A_245 = arith.constant 0 : i32
        %parallel_loop3A_246 = arith.cmpi slt, %parallel_loop3A_233, %parallel_loop3A_245 : i32
        %parallel_loop3A_247 = arith.extui %parallel_loop3A_246 : i1 to i32
        %parallel_loop3A_248 = arith.subi %parallel_loop3A_244, %parallel_loop3A_247 : i32
        %parallel_loop3A_249 = arith.cmpi ne, %parallel_loop3A_241, %parallel_loop3A_248 : i32
        %parallel_loop3A_250 = arith.remsi %parallel_loop3A_131, %parallel_loop3A_233 : i32
        %parallel_loop3A_251 = arith.constant 0 : i32
        %parallel_loop3A_252 = arith.cmpi ne, %parallel_loop3A_250, %parallel_loop3A_251 : i32
        %parallel_loop3A_253 = arith.andi %parallel_loop3A_249, %parallel_loop3A_252 : i1
        %parallel_loop3A_254 = arith.constant 1 : i32
        %parallel_loop3A_255 = arith.subi %parallel_loop3A_234, %parallel_loop3A_254 : i32
        %parallel_loop3A_256 = arith.select %parallel_loop3A_253, %parallel_loop3A_255, %parallel_loop3A_234 : i32
        %parallel_loop3A_257 = arith.constant 32 : i32
        %parallel_loop3A_258 = arith.addi %parallel_loop3A_162, %parallel_loop3A_257 : i32
        %parallel_loop3A_259 = arith.index_cast %parallel_loop3A_256 : i32 to index
        %parallel_loop3A_260 = arith.index_cast %parallel_loop3A_258 : i32 to index
        %parallel_loop3A_261 = tpu.vector_load %arg6[%parallel_loop3A_259, %parallel_loop3A_260] {strides = array<i32>} : memref<72x128xf32, #tpu.memory_space<vmem>>, vector<16xf32>,
        tpu.vector_store %arg6[%parallel_loop3A_259, %parallel_loop3A_260], %parallel_loop3A_232 {strides = array<i32>} : memref<72x128xf32, #tpu.memory_space<vmem>>, vector<16xf32>,
        %parallel_loop3A_262 = arith.index_cast %parallel_loop3A_155 : i32 to index
        %parallel_loop3A_263 = arith.index_cast %parallel_loop3A_158 : i32 to index
        %parallel_loop3A_264 = arith.constant 48 : index
        %parallel_loop3A_265 = tpu.vector_load %arg4[%parallel_loop3A_262, %parallel_loop3A_263, %parallel_loop3A_264] {strides = array<i32>} : memref<18x8x64xf32, #tpu.memory_space<vmem>>, vector<16xf32>,
        %parallel_loop3A_266 = arith.constant 2 : i32
        %parallel_loop3A_267 = arith.divsi %parallel_loop3A_131, %parallel_loop3A_266 : i32
        %parallel_loop3A_268 = arith.constant 0 : i32
        %parallel_loop3A_269 = arith.cmpi sgt, %parallel_loop3A_131, %parallel_loop3A_268 : i32
        %parallel_loop3A_270 = arith.extui %parallel_loop3A_269 : i1 to i32
        %parallel_loop3A_271 = arith.constant 0 : i32
        %parallel_loop3A_272 = arith.cmpi slt, %parallel_loop3A_131, %parallel_loop3A_271 : i32
        %parallel_loop3A_273 = arith.extui %parallel_loop3A_272 : i1 to i32
        %parallel_loop3A_274 = arith.subi %parallel_loop3A_270, %parallel_loop3A_273 : i32
        %parallel_loop3A_275 = arith.constant 0 : i32
        %parallel_loop3A_276 = arith.cmpi sgt, %parallel_loop3A_266, %parallel_loop3A_275 : i32
        %parallel_loop3A_277 = arith.extui %parallel_loop3A_276 : i1 to i32
        %parallel_loop3A_278 = arith.constant 0 : i32
        %parallel_loop3A_279 = arith.cmpi slt, %parallel_loop3A_266, %parallel_loop3A_278 : i32
        %parallel_loop3A_280 = arith.extui %parallel_loop3A_279 : i1 to i32
        %parallel_loop3A_281 = arith.subi %parallel_loop3A_277, %parallel_loop3A_280 : i32
        %parallel_loop3A_282 = arith.cmpi ne, %parallel_loop3A_274, %parallel_loop3A_281 : i32
        %parallel_loop3A_283 = arith.remsi %parallel_loop3A_131, %parallel_loop3A_266 : i32
        %parallel_loop3A_284 = arith.constant 0 : i32
        %parallel_loop3A_285 = arith.cmpi ne, %parallel_loop3A_283, %parallel_loop3A_284 : i32
        %parallel_loop3A_286 = arith.andi %parallel_loop3A_282, %parallel_loop3A_285 : i1
        %parallel_loop3A_287 = arith.constant 1 : i32
        %parallel_loop3A_288 = arith.subi %parallel_loop3A_267, %parallel_loop3A_287 : i32
        %parallel_loop3A_289 = arith.select %parallel_loop3A_286, %parallel_loop3A_288, %parallel_loop3A_267 : i32
        %parallel_loop3A_290 = arith.constant 48 : i32
        %parallel_loop3A_291 = arith.addi %parallel_loop3A_162, %parallel_loop3A_290 : i32
        %parallel_loop3A_292 = arith.index_cast %parallel_loop3A_289 : i32 to index
        %parallel_loop3A_293 = arith.index_cast %parallel_loop3A_291 : i32 to index
        %parallel_loop3A_294 = tpu.vector_load %arg6[%parallel_loop3A_292, %parallel_loop3A_293] {strides = array<i32>} : memref<72x128xf32, #tpu.memory_space<vmem>>, vector<16xf32>,
        tpu.vector_store %arg6[%parallel_loop3A_292, %parallel_loop3A_293], %parallel_loop3A_265 {strides = array<i32>} : memref<72x128xf32, #tpu.memory_space<vmem>>, vector<16xf32>,
      } {sc.loop_unroll_factor = 4 : i64, sc.parallel_access}
      %add3A_80 = arith.constant 2 : i32
      %add3A_81 = arith.addi %add3A_64, %add3A_80 : i32
      %lt3A = arith.constant 217 : i32
      %lt3A_82 = arith.cmpi slt, %add3A_81, %lt3A : i32
      %convert_element_type3A_83 = arith.extui %lt3A_82 : i1 to i32
      %cond3A_84 = arith.constant 0 : i32
      %cond3A_85 = arith.cmpi ne, %convert_element_type3A_83, %cond3A_84 : i32
      scf.if %cond3A_85 {
        %add3A_131 = arith.constant 2 : i32
        %add3A_132 = arith.addi %add3A_64, %add3A_131 : i32
        %mul3A_133 = arith.constant 18 : i32
        %mul3A_134 = arith.muli %add3A_132, %mul3A_133 : i32
        %add3A_135 = arith.addi %mul3A_2, %mul3A_134 : i32
        %dma_start3A_136 = arith.constant 0 : i32
        %dma_start3A_137 = arith.constant 0 : i32
        %dma_start3A_138 = tpu.memref_slice %arg2[%add3A_135, %dma_start3A_136, %dma_start3A_137] : memref<125000x8x64xf32, #tpu.memory_space<hbm>> -> memref<18x8x64xf32, #tpu.memory_space<hbm>>
        %dma_start3A_139 = arith.constant 0 : i32
        %dma_start3A_140 = arith.constant 0 : i32
        %dma_start3A_141 = tpu.memref_slice %arg2[%add3A_135, %dma_start3A_139, %dma_start3A_140] : memref<125000x8x64xf32, #tpu.memory_space<hbm>> -> memref<18x8x64xf32, #tpu.memory_space<hbm>>
        tpu.enqueue_dma source(%dma_start3A_141 : memref<18x8x64xf32, #tpu.memory_space<hbm>>) target(%arg4 : memref<18x8x64xf32, #tpu.memory_space<vmem>>) target_semaphore(%arg8 : memref<!tpu.dma_semaphore, #tpu.memory_space<semaphore_mem>>)
      } else {
      }
      %mul3A_86 = arith.constant 18 : i32
      %mul3A_87 = arith.muli %add3A_64, %mul3A_86 : i32
      %add3A_88 = arith.addi %mul3A_2, %mul3A_87 : i32
      %mul3A_89 = arith.constant 4 : i32
      %mul3A_90 = arith.muli %add3A_88, %mul3A_89 : i32
      %dma_start3A_91 = arith.constant 0 : i32
      %dma_start3A_92 = tpu.memref_slice %arg3[%mul3A_90, %dma_start3A_91] : memref<500000x128xf32, #tpu.memory_space<hbm>> -> memref<72x128xf32, #tpu.memory_space<hbm>>
      %dma_start3A_93 = arith.constant 0 : i32
      %dma_start3A_94 = tpu.memref_slice %arg3[%mul3A_90, %dma_start3A_93] : memref<500000x128xf32, #tpu.memory_space<hbm>> -> memref<72x128xf32, #tpu.memory_space<hbm>>
      tpu.enqueue_dma source(%arg6 : memref<72x128xf32, #tpu.memory_space<vmem>>) target(%dma_start3A_94 : memref<72x128xf32, #tpu.memory_space<hbm>>) target_semaphore(%arg10 : memref<!tpu.dma_semaphore, #tpu.memory_space<semaphore_mem>>)
      %mul3A_95 = arith.constant 2 : i32
      %mul3A_96 = arith.muli %scan3A_60, %mul3A_95 : i32
      %add3A_97 = arith.constant 1 : i32
      %add3A_98 = arith.addi %mul3A_96, %add3A_97 : i32
      %dma_wait3A_99 = arith.constant 0 : i32
      %dma_wait3A_100 = arith.constant 0 : i32
      %dma_wait3A_101 = arith.constant 0 : i32
      %dma_wait3A_102 = tpu.memref_slice %arg2[%dma_wait3A_99, %dma_wait3A_100, %dma_wait3A_101] : memref<125000x8x64xf32, #tpu.memory_space<hbm>> -> memref<18x8x64xf32, #tpu.memory_space<hbm>>
      %dma_wait3A_103 = arith.constant 0 : i32
      %dma_wait3A_104 = arith.constant 0 : i32
      %dma_wait3A_105 = arith.constant 0 : i32
      %dma_wait3A_106 = tpu.memref_slice %arg2[%dma_wait3A_103, %dma_wait3A_104, %dma_wait3A_105] : memref<125000x8x64xf32, #tpu.memory_space<hbm>> -> memref<18x8x64xf32, #tpu.memory_space<hbm>>
      tpu.wait_dma2 semaphore(%arg9 : memref<!tpu.dma_semaphore, #tpu.memory_space<semaphore_mem>>) src(%dma_wait3A_106 : memref<18x8x64xf32, #tpu.memory_space<hbm>>) dst(%arg5 : memref<18x8x64xf32, #tpu.memory_space<vmem>>)
      %ge3A_107 = arith.constant 2 : i32
      %ge3A_108 = arith.cmpi sge, %add3A_98, %ge3A_107 : i32
      %convert_element_type3A_109 = arith.extui %ge3A_108 : i1 to i32
      %cond3A_110 = arith.constant 0 : i32
      %cond3A_111 = arith.cmpi ne, %convert_element_type3A_109, %cond3A_110 : i32
      scf.if %cond3A_111 {
        %dma_wait3A_131 = arith.constant 0 : i32
        %dma_wait3A_132 = arith.constant 0 : i32
        %dma_wait3A_133 = tpu.memref_slice %arg3[%dma_wait3A_131, %dma_wait3A_132] : memref<500000x128xf32, #tpu.memory_space<hbm>> -> memref<72x128xf32, #tpu.memory_space<hbm>>
        %dma_wait3A_134 = arith.constant 0 : i32
        %dma_wait3A_135 = arith.constant 0 : i32
        %dma_wait3A_136 = tpu.memref_slice %arg3[%dma_wait3A_134, %dma_wait3A_135] : memref<500000x128xf32, #tpu.memory_space<hbm>> -> memref<72x128xf32, #tpu.memory_space<hbm>>
        tpu.wait_dma2 semaphore(%arg11 : memref<!tpu.dma_semaphore, #tpu.memory_space<semaphore_mem>>) src(%arg7 : memref<72x128xf32, #tpu.memory_space<vmem>>) dst(%dma_wait3A_136 : memref<72x128xf32, #tpu.memory_space<hbm>>)
      } else {
      }
      %parallel_loop3A_112 = arith.constant 0 : i32
      %parallel_loop3A_113 = arith.constant 144 : i32
      %parallel_loop3A_114 = arith.constant 1 : i32
      scf.for %parallel_loop3A_131 = %parallel_loop3A_112 to %parallel_loop3A_113 step %parallel_loop3A_114  : i32 {
        %parallel_loop3A_132 = arith.constant 8 : i32
        %parallel_loop3A_133 = arith.divsi %parallel_loop3A_131, %parallel_loop3A_132 : i32
        %parallel_loop3A_134 = arith.constant 0 : i32
        %parallel_loop3A_135 = arith.cmpi sgt, %parallel_loop3A_131, %parallel_loop3A_134 : i32
        %parallel_loop3A_136 = arith.extui %parallel_loop3A_135 : i1 to i32
        %parallel_loop3A_137 = arith.constant 0 : i32
        %parallel_loop3A_138 = arith.cmpi slt, %parallel_loop3A_131, %parallel_loop3A_137 : i32
        %parallel_loop3A_139 = arith.extui %parallel_loop3A_138 : i1 to i32
        %parallel_loop3A_140 = arith.subi %parallel_loop3A_136, %parallel_loop3A_139 : i32
        %parallel_loop3A_141 = arith.constant 0 : i32
        %parallel_loop3A_142 = arith.cmpi sgt, %parallel_loop3A_132, %parallel_loop3A_141 : i32
        %parallel_loop3A_143 = arith.extui %parallel_loop3A_142 : i1 to i32
        %parallel_loop3A_144 = arith.constant 0 : i32
        %parallel_loop3A_145 = arith.cmpi slt, %parallel_loop3A_132, %parallel_loop3A_144 : i32
        %parallel_loop3A_146 = arith.extui %parallel_loop3A_145 : i1 to i32
        %parallel_loop3A_147 = arith.subi %parallel_loop3A_143, %parallel_loop3A_146 : i32
        %parallel_loop3A_148 = arith.cmpi ne, %parallel_loop3A_140, %parallel_loop3A_147 : i32
        %parallel_loop3A_149 = arith.remsi %parallel_loop3A_131, %parallel_loop3A_132 : i32
        %parallel_loop3A_150 = arith.constant 0 : i32
        %parallel_loop3A_151 = arith.cmpi ne, %parallel_loop3A_149, %parallel_loop3A_150 : i32
        %parallel_loop3A_152 = arith.andi %parallel_loop3A_148, %parallel_loop3A_151 : i1
        %parallel_loop3A_153 = arith.constant 1 : i32
        %parallel_loop3A_154 = arith.subi %parallel_loop3A_133, %parallel_loop3A_153 : i32
        %parallel_loop3A_155 = arith.select %parallel_loop3A_152, %parallel_loop3A_154, %parallel_loop3A_133 : i32
        %parallel_loop3A_156 = arith.constant 8 : i32
        %parallel_loop3A_157 = arith.muli %parallel_loop3A_155, %parallel_loop3A_156 : i32
        %parallel_loop3A_158 = arith.subi %parallel_loop3A_131, %parallel_loop3A_157 : i32
        %parallel_loop3A_159 = arith.constant 1 : i32
        %parallel_loop3A_160 = arith.andi %parallel_loop3A_131, %parallel_loop3A_159 : i32
        %parallel_loop3A_161 = arith.constant 64 : i32
        %parallel_loop3A_162 = arith.muli %parallel_loop3A_160, %parallel_loop3A_161 : i32
        %parallel_loop3A_163 = arith.index_cast %parallel_loop3A_155 : i32 to index
        %parallel_loop3A_164 = arith.index_cast %parallel_loop3A_158 : i32 to index
        %parallel_loop3A_165 = arith.constant 0 : index
        %parallel_loop3A_166 = tpu.vector_load %arg5[%parallel_loop3A_163, %parallel_loop3A_164, %parallel_loop3A_165] {strides = array<i32>} : memref<18x8x64xf32, #tpu.memory_space<vmem>>, vector<16xf32>,
        %parallel_loop3A_167 = arith.constant 2 : i32
        %parallel_loop3A_168 = arith.divsi %parallel_loop3A_131, %parallel_loop3A_167 : i32
        %parallel_loop3A_169 = arith.constant 0 : i32
        %parallel_loop3A_170 = arith.cmpi sgt, %parallel_loop3A_131, %parallel_loop3A_169 : i32
        %parallel_loop3A_171 = arith.extui %parallel_loop3A_170 : i1 to i32
        %parallel_loop3A_172 = arith.constant 0 : i32
        %parallel_loop3A_173 = arith.cmpi slt, %parallel_loop3A_131, %parallel_loop3A_172 : i32
        %parallel_loop3A_174 = arith.extui %parallel_loop3A_173 : i1 to i32
        %parallel_loop3A_175 = arith.subi %parallel_loop3A_171, %parallel_loop3A_174 : i32
        %parallel_loop3A_176 = arith.constant 0 : i32
        %parallel_loop3A_177 = arith.cmpi sgt, %parallel_loop3A_167, %parallel_loop3A_176 : i32
        %parallel_loop3A_178 = arith.extui %parallel_loop3A_177 : i1 to i32
        %parallel_loop3A_179 = arith.constant 0 : i32
        %parallel_loop3A_180 = arith.cmpi slt, %parallel_loop3A_167, %parallel_loop3A_179 : i32
        %parallel_loop3A_181 = arith.extui %parallel_loop3A_180 : i1 to i32
        %parallel_loop3A_182 = arith.subi %parallel_loop3A_178, %parallel_loop3A_181 : i32
        %parallel_loop3A_183 = arith.cmpi ne, %parallel_loop3A_175, %parallel_loop3A_182 : i32
        %parallel_loop3A_184 = arith.remsi %parallel_loop3A_131, %parallel_loop3A_167 : i32
        %parallel_loop3A_185 = arith.constant 0 : i32
        %parallel_loop3A_186 = arith.cmpi ne, %parallel_loop3A_184, %parallel_loop3A_185 : i32
        %parallel_loop3A_187 = arith.andi %parallel_loop3A_183, %parallel_loop3A_186 : i1
        %parallel_loop3A_188 = arith.constant 1 : i32
        %parallel_loop3A_189 = arith.subi %parallel_loop3A_168, %parallel_loop3A_188 : i32
        %parallel_loop3A_190 = arith.select %parallel_loop3A_187, %parallel_loop3A_189, %parallel_loop3A_168 : i32
        %parallel_loop3A_191 = arith.constant 0 : i32
        %parallel_loop3A_192 = arith.addi %parallel_loop3A_162, %parallel_loop3A_191 : i32
        %parallel_loop3A_193 = arith.index_cast %parallel_loop3A_190 : i32 to index
        %parallel_loop3A_194 = arith.index_cast %parallel_loop3A_192 : i32 to index
        %parallel_loop3A_195 = tpu.vector_load %arg7[%parallel_loop3A_193, %parallel_loop3A_194] {strides = array<i32>} : memref<72x128xf32, #tpu.memory_space<vmem>>, vector<16xf32>,
        tpu.vector_store %arg7[%parallel_loop3A_193, %parallel_loop3A_194], %parallel_loop3A_166 {strides = array<i32>} : memref<72x128xf32, #tpu.memory_space<vmem>>, vector<16xf32>,
        %parallel_loop3A_196 = arith.index_cast %parallel_loop3A_155 : i32 to index
        %parallel_loop3A_197 = arith.index_cast %parallel_loop3A_158 : i32 to index
        %parallel_loop3A_198 = arith.constant 16 : index
        %parallel_loop3A_199 = tpu.vector_load %arg5[%parallel_loop3A_196, %parallel_loop3A_197, %parallel_loop3A_198] {strides = array<i32>} : memref<18x8x64xf32, #tpu.memory_space<vmem>>, vector<16xf32>,
        %parallel_loop3A_200 = arith.constant 2 : i32
        %parallel_loop3A_201 = arith.divsi %parallel_loop3A_131, %parallel_loop3A_200 : i32
        %parallel_loop3A_202 = arith.constant 0 : i32
        %parallel_loop3A_203 = arith.cmpi sgt, %parallel_loop3A_131, %parallel_loop3A_202 : i32
        %parallel_loop3A_204 = arith.extui %parallel_loop3A_203 : i1 to i32
        %parallel_loop3A_205 = arith.constant 0 : i32
        %parallel_loop3A_206 = arith.cmpi slt, %parallel_loop3A_131, %parallel_loop3A_205 : i32
        %parallel_loop3A_207 = arith.extui %parallel_loop3A_206 : i1 to i32
        %parallel_loop3A_208 = arith.subi %parallel_loop3A_204, %parallel_loop3A_207 : i32
        %parallel_loop3A_209 = arith.constant 0 : i32
        %parallel_loop3A_210 = arith.cmpi sgt, %parallel_loop3A_200, %parallel_loop3A_209 : i32
        %parallel_loop3A_211 = arith.extui %parallel_loop3A_210 : i1 to i32
        %parallel_loop3A_212 = arith.constant 0 : i32
        %parallel_loop3A_213 = arith.cmpi slt, %parallel_loop3A_200, %parallel_loop3A_212 : i32
        %parallel_loop3A_214 = arith.extui %parallel_loop3A_213 : i1 to i32
        %parallel_loop3A_215 = arith.subi %parallel_loop3A_211, %parallel_loop3A_214 : i32
        %parallel_loop3A_216 = arith.cmpi ne, %parallel_loop3A_208, %parallel_loop3A_215 : i32
        %parallel_loop3A_217 = arith.remsi %parallel_loop3A_131, %parallel_loop3A_200 : i32
        %parallel_loop3A_218 = arith.constant 0 : i32
        %parallel_loop3A_219 = arith.cmpi ne, %parallel_loop3A_217, %parallel_loop3A_218 : i32
        %parallel_loop3A_220 = arith.andi %parallel_loop3A_216, %parallel_loop3A_219 : i1
        %parallel_loop3A_221 = arith.constant 1 : i32
        %parallel_loop3A_222 = arith.subi %parallel_loop3A_201, %parallel_loop3A_221 : i32
        %parallel_loop3A_223 = arith.select %parallel_loop3A_220, %parallel_loop3A_222, %parallel_loop3A_201 : i32
        %parallel_loop3A_224 = arith.constant 16 : i32
        %parallel_loop3A_225 = arith.addi %parallel_loop3A_162, %parallel_loop3A_224 : i32
        %parallel_loop3A_226 = arith.index_cast %parallel_loop3A_223 : i32 to index
        %parallel_loop3A_227 = arith.index_cast %parallel_loop3A_225 : i32 to index
        %parallel_loop3A_228 = tpu.vector_load %arg7[%parallel_loop3A_226, %parallel_loop3A_227] {strides = array<i32>} : memref<72x128xf32, #tpu.memory_space<vmem>>, vector<16xf32>,
        tpu.vector_store %arg7[%parallel_loop3A_226, %parallel_loop3A_227], %parallel_loop3A_199 {strides = array<i32>} : memref<72x128xf32, #tpu.memory_space<vmem>>, vector<16xf32>,
        %parallel_loop3A_229 = arith.index_cast %parallel_loop3A_155 : i32 to index
        %parallel_loop3A_230 = arith.index_cast %parallel_loop3A_158 : i32 to index
        %parallel_loop3A_231 = arith.constant 32 : index
        %parallel_loop3A_232 = tpu.vector_load %arg5[%parallel_loop3A_229, %parallel_loop3A_230, %parallel_loop3A_231] {strides = array<i32>} : memref<18x8x64xf32, #tpu.memory_space<vmem>>, vector<16xf32>,
        %parallel_loop3A_233 = arith.constant 2 : i32
        %parallel_loop3A_234 = arith.divsi %parallel_loop3A_131, %parallel_loop3A_233 : i32
        %parallel_loop3A_235 = arith.constant 0 : i32
        %parallel_loop3A_236 = arith.cmpi sgt, %parallel_loop3A_131, %parallel_loop3A_235 : i32
        %parallel_loop3A_237 = arith.extui %parallel_loop3A_236 : i1 to i32
        %parallel_loop3A_238 = arith.constant 0 : i32
        %parallel_loop3A_239 = arith.cmpi slt, %parallel_loop3A_131, %parallel_loop3A_238 : i32
        %parallel_loop3A_240 = arith.extui %parallel_loop3A_239 : i1 to i32
        %parallel_loop3A_241 = arith.subi %parallel_loop3A_237, %parallel_loop3A_240 : i32
        %parallel_loop3A_242 = arith.constant 0 : i32
        %parallel_loop3A_243 = arith.cmpi sgt, %parallel_loop3A_233, %parallel_loop3A_242 : i32
        %parallel_loop3A_244 = arith.extui %parallel_loop3A_243 : i1 to i32
        %parallel_loop3A_245 = arith.constant 0 : i32
        %parallel_loop3A_246 = arith.cmpi slt, %parallel_loop3A_233, %parallel_loop3A_245 : i32
        %parallel_loop3A_247 = arith.extui %parallel_loop3A_246 : i1 to i32
        %parallel_loop3A_248 = arith.subi %parallel_loop3A_244, %parallel_loop3A_247 : i32
        %parallel_loop3A_249 = arith.cmpi ne, %parallel_loop3A_241, %parallel_loop3A_248 : i32
        %parallel_loop3A_250 = arith.remsi %parallel_loop3A_131, %parallel_loop3A_233 : i32
        %parallel_loop3A_251 = arith.constant 0 : i32
        %parallel_loop3A_252 = arith.cmpi ne, %parallel_loop3A_250, %parallel_loop3A_251 : i32
        %parallel_loop3A_253 = arith.andi %parallel_loop3A_249, %parallel_loop3A_252 : i1
        %parallel_loop3A_254 = arith.constant 1 : i32
        %parallel_loop3A_255 = arith.subi %parallel_loop3A_234, %parallel_loop3A_254 : i32
        %parallel_loop3A_256 = arith.select %parallel_loop3A_253, %parallel_loop3A_255, %parallel_loop3A_234 : i32
        %parallel_loop3A_257 = arith.constant 32 : i32
        %parallel_loop3A_258 = arith.addi %parallel_loop3A_162, %parallel_loop3A_257 : i32
        %parallel_loop3A_259 = arith.index_cast %parallel_loop3A_256 : i32 to index
        %parallel_loop3A_260 = arith.index_cast %parallel_loop3A_258 : i32 to index
        %parallel_loop3A_261 = tpu.vector_load %arg7[%parallel_loop3A_259, %parallel_loop3A_260] {strides = array<i32>} : memref<72x128xf32, #tpu.memory_space<vmem>>, vector<16xf32>,
        tpu.vector_store %arg7[%parallel_loop3A_259, %parallel_loop3A_260], %parallel_loop3A_232 {strides = array<i32>} : memref<72x128xf32, #tpu.memory_space<vmem>>, vector<16xf32>,
        %parallel_loop3A_262 = arith.index_cast %parallel_loop3A_155 : i32 to index
        %parallel_loop3A_263 = arith.index_cast %parallel_loop3A_158 : i32 to index
        %parallel_loop3A_264 = arith.constant 48 : index
        %parallel_loop3A_265 = tpu.vector_load %arg5[%parallel_loop3A_262, %parallel_loop3A_263, %parallel_loop3A_264] {strides = array<i32>} : memref<18x8x64xf32, #tpu.memory_space<vmem>>, vector<16xf32>,
        %parallel_loop3A_266 = arith.constant 2 : i32
        %parallel_loop3A_267 = arith.divsi %parallel_loop3A_131, %parallel_loop3A_266 : i32
        %parallel_loop3A_268 = arith.constant 0 : i32
        %parallel_loop3A_269 = arith.cmpi sgt, %parallel_loop3A_131, %parallel_loop3A_268 : i32
        %parallel_loop3A_270 = arith.extui %parallel_loop3A_269 : i1 to i32
        %parallel_loop3A_271 = arith.constant 0 : i32
        %parallel_loop3A_272 = arith.cmpi slt, %parallel_loop3A_131, %parallel_loop3A_271 : i32
        %parallel_loop3A_273 = arith.extui %parallel_loop3A_272 : i1 to i32
        %parallel_loop3A_274 = arith.subi %parallel_loop3A_270, %parallel_loop3A_273 : i32
        %parallel_loop3A_275 = arith.constant 0 : i32
        %parallel_loop3A_276 = arith.cmpi sgt, %parallel_loop3A_266, %parallel_loop3A_275 : i32
        %parallel_loop3A_277 = arith.extui %parallel_loop3A_276 : i1 to i32
        %parallel_loop3A_278 = arith.constant 0 : i32
        %parallel_loop3A_279 = arith.cmpi slt, %parallel_loop3A_266, %parallel_loop3A_278 : i32
        %parallel_loop3A_280 = arith.extui %parallel_loop3A_279 : i1 to i32
        %parallel_loop3A_281 = arith.subi %parallel_loop3A_277, %parallel_loop3A_280 : i32
        %parallel_loop3A_282 = arith.cmpi ne, %parallel_loop3A_274, %parallel_loop3A_281 : i32
        %parallel_loop3A_283 = arith.remsi %parallel_loop3A_131, %parallel_loop3A_266 : i32
        %parallel_loop3A_284 = arith.constant 0 : i32
        %parallel_loop3A_285 = arith.cmpi ne, %parallel_loop3A_283, %parallel_loop3A_284 : i32
        %parallel_loop3A_286 = arith.andi %parallel_loop3A_282, %parallel_loop3A_285 : i1
        %parallel_loop3A_287 = arith.constant 1 : i32
        %parallel_loop3A_288 = arith.subi %parallel_loop3A_267, %parallel_loop3A_287 : i32
        %parallel_loop3A_289 = arith.select %parallel_loop3A_286, %parallel_loop3A_288, %parallel_loop3A_267 : i32
        %parallel_loop3A_290 = arith.constant 48 : i32
        %parallel_loop3A_291 = arith.addi %parallel_loop3A_162, %parallel_loop3A_290 : i32
        %parallel_loop3A_292 = arith.index_cast %parallel_loop3A_289 : i32 to index
        %parallel_loop3A_293 = arith.index_cast %parallel_loop3A_291 : i32 to index
        %parallel_loop3A_294 = tpu.vector_load %arg7[%parallel_loop3A_292, %parallel_loop3A_293] {strides = array<i32>} : memref<72x128xf32, #tpu.memory_space<vmem>>, vector<16xf32>,
        tpu.vector_store %arg7[%parallel_loop3A_292, %parallel_loop3A_293], %parallel_loop3A_265 {strides = array<i32>} : memref<72x128xf32, #tpu.memory_space<vmem>>, vector<16xf32>,
      } {sc.loop_unroll_factor = 4 : i64, sc.parallel_access}
      %add3A_115 = arith.constant 2 : i32
      %add3A_116 = arith.addi %add3A_98, %add3A_115 : i32
      %lt3A_117 = arith.constant 217 : i32
      %lt3A_118 = arith.cmpi slt, %add3A_116, %lt3A_117 : i32
      %convert_element_type3A_119 = arith.extui %lt3A_118 : i1 to i32
      %cond3A_120 = arith.constant 0 : i32
      %cond3A_121 = arith.cmpi ne, %convert_element_type3A_119, %cond3A_120 : i32
      scf.if %cond3A_121 {
        %add3A_131 = arith.constant 2 : i32
        %add3A_132 = arith.addi %add3A_98, %add3A_131 : i32
        %mul3A_133 = arith.constant 18 : i32
        %mul3A_134 = arith.muli %add3A_132, %mul3A_133 : i32
        %add3A_135 = arith.addi %mul3A_2, %mul3A_134 : i32
        %dma_start3A_136 = arith.constant 0 : i32
        %dma_start3A_137 = arith.constant 0 : i32
        %dma_start3A_138 = tpu.memref_slice %arg2[%add3A_135, %dma_start3A_136, %dma_start3A_137] : memref<125000x8x64xf32, #tpu.memory_space<hbm>> -> memref<18x8x64xf32, #tpu.memory_space<hbm>>
        %dma_start3A_139 = arith.constant 0 : i32
        %dma_start3A_140 = arith.constant 0 : i32
        %dma_start3A_141 = tpu.memref_slice %arg2[%add3A_135, %dma_start3A_139, %dma_start3A_140] : memref<125000x8x64xf32, #tpu.memory_space<hbm>> -> memref<18x8x64xf32, #tpu.memory_space<hbm>>
        tpu.enqueue_dma source(%dma_start3A_141 : memref<18x8x64xf32, #tpu.memory_space<hbm>>) target(%arg5 : memref<18x8x64xf32, #tpu.memory_space<vmem>>) target_semaphore(%arg9 : memref<!tpu.dma_semaphore, #tpu.memory_space<semaphore_mem>>)
      } else {
      }
      %mul3A_122 = arith.constant 18 : i32
      %mul3A_123 = arith.muli %add3A_98, %mul3A_122 : i32
      %add3A_124 = arith.addi %mul3A_2, %mul3A_123 : i32
      %mul3A_125 = arith.constant 4 : i32
      %mul3A_126 = arith.muli %add3A_124, %mul3A_125 : i32
      %dma_start3A_127 = arith.constant 0 : i32
      %dma_start3A_128 = tpu.memref_slice %arg3[%mul3A_126, %dma_start3A_127] : memref<500000x128xf32, #tpu.memory_space<hbm>> -> memref<72x128xf32, #tpu.memory_space<hbm>>
      %dma_start3A_129 = arith.constant 0 : i32
      %dma_start3A_130 = tpu.memref_slice %arg3[%mul3A_126, %dma_start3A_129] : memref<500000x128xf32, #tpu.memory_space<hbm>> -> memref<72x128xf32, #tpu.memory_space<hbm>>
      tpu.enqueue_dma source(%arg7 : memref<72x128xf32, #tpu.memory_space<vmem>>) target(%dma_start3A_130 : memref<72x128xf32, #tpu.memory_space<hbm>>) target_semaphore(%arg11 : memref<!tpu.dma_semaphore, #tpu.memory_space<semaphore_mem>>)
    }
    %scan3A_22 = arith.constant 108 : i32
    %dma_wait3A = arith.constant 0 : i32
    %dma_wait3A_23 = arith.constant 0 : i32
    %dma_wait3A_24 = arith.constant 0 : i32
    %dma_wait3A_25 = tpu.memref_slice %arg2[%dma_wait3A, %dma_wait3A_23, %dma_wait3A_24] : memref<125000x8x64xf32, #tpu.memory_space<hbm>> -> memref<18x8x64xf32, #tpu.memory_space<hbm>>
    %dma_wait3A_26 = arith.constant 0 : i32
    %dma_wait3A_27 = arith.constant 0 : i32
    %dma_wait3A_28 = arith.constant 0 : i32
    %dma_wait3A_29 = tpu.memref_slice %arg2[%dma_wait3A_26, %dma_wait3A_27, %dma_wait3A_28] : memref<125000x8x64xf32, #tpu.memory_space<hbm>> -> memref<18x8x64xf32, #tpu.memory_space<hbm>>
    tpu.wait_dma2 semaphore(%arg8 : memref<!tpu.dma_semaphore, #tpu.memory_space<semaphore_mem>>) src(%dma_wait3A_29 : memref<18x8x64xf32, #tpu.memory_space<hbm>>) dst(%arg4 : memref<18x8x64xf32, #tpu.memory_space<vmem>>)
    %dma_wait3A_30 = arith.constant 0 : i32
    %dma_wait3A_31 = arith.constant 0 : i32
    %dma_wait3A_32 = tpu.memref_slice %arg3[%dma_wait3A_30, %dma_wait3A_31] : memref<500000x128xf32, #tpu.memory_space<hbm>> -> memref<72x128xf32, #tpu.memory_space<hbm>>
    %dma_wait3A_33 = arith.constant 0 : i32
    %dma_wait3A_34 = arith.constant 0 : i32
    %dma_wait3A_35 = tpu.memref_slice %arg3[%dma_wait3A_33, %dma_wait3A_34] : memref<500000x128xf32, #tpu.memory_space<hbm>> -> memref<72x128xf32, #tpu.memory_space<hbm>>
    tpu.wait_dma2 semaphore(%arg10 : memref<!tpu.dma_semaphore, #tpu.memory_space<semaphore_mem>>) src(%arg6 : memref<72x128xf32, #tpu.memory_space<vmem>>) dst(%dma_wait3A_35 : memref<72x128xf32, #tpu.memory_space<hbm>>)
    %parallel_loop3A = arith.constant 0 : i32
    %parallel_loop3A_36 = arith.constant 144 : i32
    %parallel_loop3A_37 = arith.constant 1 : i32
    scf.for %parallel_loop3A_60 = %parallel_loop3A to %parallel_loop3A_36 step %parallel_loop3A_37  : i32 {
      %parallel_loop3A_61 = arith.constant 8 : i32
      %parallel_loop3A_62 = arith.divsi %parallel_loop3A_60, %parallel_loop3A_61 : i32
      %parallel_loop3A_63 = arith.constant 0 : i32
      %parallel_loop3A_64 = arith.cmpi sgt, %parallel_loop3A_60, %parallel_loop3A_63 : i32
      %parallel_loop3A_65 = arith.extui %parallel_loop3A_64 : i1 to i32
      %parallel_loop3A_66 = arith.constant 0 : i32
      %parallel_loop3A_67 = arith.cmpi slt, %parallel_loop3A_60, %parallel_loop3A_66 : i32
      %parallel_loop3A_68 = arith.extui %parallel_loop3A_67 : i1 to i32
      %parallel_loop3A_69 = arith.subi %parallel_loop3A_65, %parallel_loop3A_68 : i32
      %parallel_loop3A_70 = arith.constant 0 : i32
      %parallel_loop3A_71 = arith.cmpi sgt, %parallel_loop3A_61, %parallel_loop3A_70 : i32
      %parallel_loop3A_72 = arith.extui %parallel_loop3A_71 : i1 to i32
      %parallel_loop3A_73 = arith.constant 0 : i32
      %parallel_loop3A_74 = arith.cmpi slt, %parallel_loop3A_61, %parallel_loop3A_73 : i32
      %parallel_loop3A_75 = arith.extui %parallel_loop3A_74 : i1 to i32
      %parallel_loop3A_76 = arith.subi %parallel_loop3A_72, %parallel_loop3A_75 : i32
      %parallel_loop3A_77 = arith.cmpi ne, %parallel_loop3A_69, %parallel_loop3A_76 : i32
      %parallel_loop3A_78 = arith.remsi %parallel_loop3A_60, %parallel_loop3A_61 : i32
      %parallel_loop3A_79 = arith.constant 0 : i32
      %parallel_loop3A_80 = arith.cmpi ne, %parallel_loop3A_78, %parallel_loop3A_79 : i32
      %parallel_loop3A_81 = arith.andi %parallel_loop3A_77, %parallel_loop3A_80 : i1
      %parallel_loop3A_82 = arith.constant 1 : i32
      %parallel_loop3A_83 = arith.subi %parallel_loop3A_62, %parallel_loop3A_82 : i32
      %parallel_loop3A_84 = arith.select %parallel_loop3A_81, %parallel_loop3A_83, %parallel_loop3A_62 : i32
      %parallel_loop3A_85 = arith.constant 8 : i32
      %parallel_loop3A_86 = arith.muli %parallel_loop3A_84, %parallel_loop3A_85 : i32
      %parallel_loop3A_87 = arith.subi %parallel_loop3A_60, %parallel_loop3A_86 : i32
      %parallel_loop3A_88 = arith.constant 1 : i32
      %parallel_loop3A_89 = arith.andi %parallel_loop3A_60, %parallel_loop3A_88 : i32
      %parallel_loop3A_90 = arith.constant 64 : i32
      %parallel_loop3A_91 = arith.muli %parallel_loop3A_89, %parallel_loop3A_90 : i32
      %parallel_loop3A_92 = arith.index_cast %parallel_loop3A_84 : i32 to index
      %parallel_loop3A_93 = arith.index_cast %parallel_loop3A_87 : i32 to index
      %parallel_loop3A_94 = arith.constant 0 : index
      %parallel_loop3A_95 = tpu.vector_load %arg4[%parallel_loop3A_92, %parallel_loop3A_93, %parallel_loop3A_94] {strides = array<i32>} : memref<18x8x64xf32, #tpu.memory_space<vmem>>, vector<16xf32>,
      %parallel_loop3A_96 = arith.constant 2 : i32
      %parallel_loop3A_97 = arith.divsi %parallel_loop3A_60, %parallel_loop3A_96 : i32
      %parallel_loop3A_98 = arith.constant 0 : i32
      %parallel_loop3A_99 = arith.cmpi sgt, %parallel_loop3A_60, %parallel_loop3A_98 : i32
      %parallel_loop3A_100 = arith.extui %parallel_loop3A_99 : i1 to i32
      %parallel_loop3A_101 = arith.constant 0 : i32
      %parallel_loop3A_102 = arith.cmpi slt, %parallel_loop3A_60, %parallel_loop3A_101 : i32
      %parallel_loop3A_103 = arith.extui %parallel_loop3A_102 : i1 to i32
      %parallel_loop3A_104 = arith.subi %parallel_loop3A_100, %parallel_loop3A_103 : i32
      %parallel_loop3A_105 = arith.constant 0 : i32
      %parallel_loop3A_106 = arith.cmpi sgt, %parallel_loop3A_96, %parallel_loop3A_105 : i32
      %parallel_loop3A_107 = arith.extui %parallel_loop3A_106 : i1 to i32
      %parallel_loop3A_108 = arith.constant 0 : i32
      %parallel_loop3A_109 = arith.cmpi slt, %parallel_loop3A_96, %parallel_loop3A_108 : i32
      %parallel_loop3A_110 = arith.extui %parallel_loop3A_109 : i1 to i32
      %parallel_loop3A_111 = arith.subi %parallel_loop3A_107, %parallel_loop3A_110 : i32
      %parallel_loop3A_112 = arith.cmpi ne, %parallel_loop3A_104, %parallel_loop3A_111 : i32
      %parallel_loop3A_113 = arith.remsi %parallel_loop3A_60, %parallel_loop3A_96 : i32
      %parallel_loop3A_114 = arith.constant 0 : i32
      %parallel_loop3A_115 = arith.cmpi ne, %parallel_loop3A_113, %parallel_loop3A_114 : i32
      %parallel_loop3A_116 = arith.andi %parallel_loop3A_112, %parallel_loop3A_115 : i1
      %parallel_loop3A_117 = arith.constant 1 : i32
      %parallel_loop3A_118 = arith.subi %parallel_loop3A_97, %parallel_loop3A_117 : i32
      %parallel_loop3A_119 = arith.select %parallel_loop3A_116, %parallel_loop3A_118, %parallel_loop3A_97 : i32
      %parallel_loop3A_120 = arith.constant 0 : i32
      %parallel_loop3A_121 = arith.addi %parallel_loop3A_91, %parallel_loop3A_120 : i32
      %parallel_loop3A_122 = arith.index_cast %parallel_loop3A_119 : i32 to index
      %parallel_loop3A_123 = arith.index_cast %parallel_loop3A_121 : i32 to index
      %parallel_loop3A_124 = tpu.vector_load %arg6[%parallel_loop3A_122, %parallel_loop3A_123] {strides = array<i32>} : memref<72x128xf32, #tpu.memory_space<vmem>>, vector<16xf32>,
      tpu.vector_store %arg6[%parallel_loop3A_122, %parallel_loop3A_123], %parallel_loop3A_95 {strides = array<i32>} : memref<72x128xf32, #tpu.memory_space<vmem>>, vector<16xf32>,
      %parallel_loop3A_125 = arith.index_cast %parallel_loop3A_84 : i32 to index
      %parallel_loop3A_126 = arith.index_cast %parallel_loop3A_87 : i32 to index
      %parallel_loop3A_127 = arith.constant 16 : index
      %parallel_loop3A_128 = tpu.vector_load %arg4[%parallel_loop3A_125, %parallel_loop3A_126, %parallel_loop3A_127] {strides = array<i32>} : memref<18x8x64xf32, #tpu.memory_space<vmem>>, vector<16xf32>,
      %parallel_loop3A_129 = arith.constant 2 : i32
      %parallel_loop3A_130 = arith.divsi %parallel_loop3A_60, %parallel_loop3A_129 : i32
      %parallel_loop3A_131 = arith.constant 0 : i32
      %parallel_loop3A_132 = arith.cmpi sgt, %parallel_loop3A_60, %parallel_loop3A_131 : i32
      %parallel_loop3A_133 = arith.extui %parallel_loop3A_132 : i1 to i32
      %parallel_loop3A_134 = arith.constant 0 : i32
      %parallel_loop3A_135 = arith.cmpi slt, %parallel_loop3A_60, %parallel_loop3A_134 : i32
      %parallel_loop3A_136 = arith.extui %parallel_loop3A_135 : i1 to i32
      %parallel_loop3A_137 = arith.subi %parallel_loop3A_133, %parallel_loop3A_136 : i32
      %parallel_loop3A_138 = arith.constant 0 : i32
      %parallel_loop3A_139 = arith.cmpi sgt, %parallel_loop3A_129, %parallel_loop3A_138 : i32
      %parallel_loop3A_140 = arith.extui %parallel_loop3A_139 : i1 to i32
      %parallel_loop3A_141 = arith.constant 0 : i32
      %parallel_loop3A_142 = arith.cmpi slt, %parallel_loop3A_129, %parallel_loop3A_141 : i32
      %parallel_loop3A_143 = arith.extui %parallel_loop3A_142 : i1 to i32
      %parallel_loop3A_144 = arith.subi %parallel_loop3A_140, %parallel_loop3A_143 : i32
      %parallel_loop3A_145 = arith.cmpi ne, %parallel_loop3A_137, %parallel_loop3A_144 : i32
      %parallel_loop3A_146 = arith.remsi %parallel_loop3A_60, %parallel_loop3A_129 : i32
      %parallel_loop3A_147 = arith.constant 0 : i32
      %parallel_loop3A_148 = arith.cmpi ne, %parallel_loop3A_146, %parallel_loop3A_147 : i32
      %parallel_loop3A_149 = arith.andi %parallel_loop3A_145, %parallel_loop3A_148 : i1
      %parallel_loop3A_150 = arith.constant 1 : i32
      %parallel_loop3A_151 = arith.subi %parallel_loop3A_130, %parallel_loop3A_150 : i32
      %parallel_loop3A_152 = arith.select %parallel_loop3A_149, %parallel_loop3A_151, %parallel_loop3A_130 : i32
      %parallel_loop3A_153 = arith.constant 16 : i32
      %parallel_loop3A_154 = arith.addi %parallel_loop3A_91, %parallel_loop3A_153 : i32
      %parallel_loop3A_155 = arith.index_cast %parallel_loop3A_152 : i32 to index
      %parallel_loop3A_156 = arith.index_cast %parallel_loop3A_154 : i32 to index
      %parallel_loop3A_157 = tpu.vector_load %arg6[%parallel_loop3A_155, %parallel_loop3A_156] {strides = array<i32>} : memref<72x128xf32, #tpu.memory_space<vmem>>, vector<16xf32>,
      tpu.vector_store %arg6[%parallel_loop3A_155, %parallel_loop3A_156], %parallel_loop3A_128 {strides = array<i32>} : memref<72x128xf32, #tpu.memory_space<vmem>>, vector<16xf32>,
      %parallel_loop3A_158 = arith.index_cast %parallel_loop3A_84 : i32 to index
      %parallel_loop3A_159 = arith.index_cast %parallel_loop3A_87 : i32 to index
      %parallel_loop3A_160 = arith.constant 32 : index
      %parallel_loop3A_161 = tpu.vector_load %arg4[%parallel_loop3A_158, %parallel_loop3A_159, %parallel_loop3A_160] {strides = array<i32>} : memref<18x8x64xf32, #tpu.memory_space<vmem>>, vector<16xf32>,
      %parallel_loop3A_162 = arith.constant 2 : i32
      %parallel_loop3A_163 = arith.divsi %parallel_loop3A_60, %parallel_loop3A_162 : i32
      %parallel_loop3A_164 = arith.constant 0 : i32
      %parallel_loop3A_165 = arith.cmpi sgt, %parallel_loop3A_60, %parallel_loop3A_164 : i32
      %parallel_loop3A_166 = arith.extui %parallel_loop3A_165 : i1 to i32
      %parallel_loop3A_167 = arith.constant 0 : i32
      %parallel_loop3A_168 = arith.cmpi slt, %parallel_loop3A_60, %parallel_loop3A_167 : i32
      %parallel_loop3A_169 = arith.extui %parallel_loop3A_168 : i1 to i32
      %parallel_loop3A_170 = arith.subi %parallel_loop3A_166, %parallel_loop3A_169 : i32
      %parallel_loop3A_171 = arith.constant 0 : i32
      %parallel_loop3A_172 = arith.cmpi sgt, %parallel_loop3A_162, %parallel_loop3A_171 : i32
      %parallel_loop3A_173 = arith.extui %parallel_loop3A_172 : i1 to i32
      %parallel_loop3A_174 = arith.constant 0 : i32
      %parallel_loop3A_175 = arith.cmpi slt, %parallel_loop3A_162, %parallel_loop3A_174 : i32
      %parallel_loop3A_176 = arith.extui %parallel_loop3A_175 : i1 to i32
      %parallel_loop3A_177 = arith.subi %parallel_loop3A_173, %parallel_loop3A_176 : i32
      %parallel_loop3A_178 = arith.cmpi ne, %parallel_loop3A_170, %parallel_loop3A_177 : i32
      %parallel_loop3A_179 = arith.remsi %parallel_loop3A_60, %parallel_loop3A_162 : i32
      %parallel_loop3A_180 = arith.constant 0 : i32
      %parallel_loop3A_181 = arith.cmpi ne, %parallel_loop3A_179, %parallel_loop3A_180 : i32
      %parallel_loop3A_182 = arith.andi %parallel_loop3A_178, %parallel_loop3A_181 : i1
      %parallel_loop3A_183 = arith.constant 1 : i32
      %parallel_loop3A_184 = arith.subi %parallel_loop3A_163, %parallel_loop3A_183 : i32
      %parallel_loop3A_185 = arith.select %parallel_loop3A_182, %parallel_loop3A_184, %parallel_loop3A_163 : i32
      %parallel_loop3A_186 = arith.constant 32 : i32
      %parallel_loop3A_187 = arith.addi %parallel_loop3A_91, %parallel_loop3A_186 : i32
      %parallel_loop3A_188 = arith.index_cast %parallel_loop3A_185 : i32 to index
      %parallel_loop3A_189 = arith.index_cast %parallel_loop3A_187 : i32 to index
      %parallel_loop3A_190 = tpu.vector_load %arg6[%parallel_loop3A_188, %parallel_loop3A_189] {strides = array<i32>} : memref<72x128xf32, #tpu.memory_space<vmem>>, vector<16xf32>,
      tpu.vector_store %arg6[%parallel_loop3A_188, %parallel_loop3A_189], %parallel_loop3A_161 {strides = array<i32>} : memref<72x128xf32, #tpu.memory_space<vmem>>, vector<16xf32>,
      %parallel_loop3A_191 = arith.index_cast %parallel_loop3A_84 : i32 to index
      %parallel_loop3A_192 = arith.index_cast %parallel_loop3A_87 : i32 to index
      %parallel_loop3A_193 = arith.constant 48 : index
      %parallel_loop3A_194 = tpu.vector_load %arg4[%parallel_loop3A_191, %parallel_loop3A_192, %parallel_loop3A_193] {strides = array<i32>} : memref<18x8x64xf32, #tpu.memory_space<vmem>>, vector<16xf32>,
      %parallel_loop3A_195 = arith.constant 2 : i32
      %parallel_loop3A_196 = arith.divsi %parallel_loop3A_60, %parallel_loop3A_195 : i32
      %parallel_loop3A_197 = arith.constant 0 : i32
      %parallel_loop3A_198 = arith.cmpi sgt, %parallel_loop3A_60, %parallel_loop3A_197 : i32
      %parallel_loop3A_199 = arith.extui %parallel_loop3A_198 : i1 to i32
      %parallel_loop3A_200 = arith.constant 0 : i32
      %parallel_loop3A_201 = arith.cmpi slt, %parallel_loop3A_60, %parallel_loop3A_200 : i32
      %parallel_loop3A_202 = arith.extui %parallel_loop3A_201 : i1 to i32
      %parallel_loop3A_203 = arith.subi %parallel_loop3A_199, %parallel_loop3A_202 : i32
      %parallel_loop3A_204 = arith.constant 0 : i32
      %parallel_loop3A_205 = arith.cmpi sgt, %parallel_loop3A_195, %parallel_loop3A_204 : i32
      %parallel_loop3A_206 = arith.extui %parallel_loop3A_205 : i1 to i32
      %parallel_loop3A_207 = arith.constant 0 : i32
      %parallel_loop3A_208 = arith.cmpi slt, %parallel_loop3A_195, %parallel_loop3A_207 : i32
      %parallel_loop3A_209 = arith.extui %parallel_loop3A_208 : i1 to i32
      %parallel_loop3A_210 = arith.subi %parallel_loop3A_206, %parallel_loop3A_209 : i32
      %parallel_loop3A_211 = arith.cmpi ne, %parallel_loop3A_203, %parallel_loop3A_210 : i32
      %parallel_loop3A_212 = arith.remsi %parallel_loop3A_60, %parallel_loop3A_195 : i32
      %parallel_loop3A_213 = arith.constant 0 : i32
      %parallel_loop3A_214 = arith.cmpi ne, %parallel_loop3A_212, %parallel_loop3A_213 : i32
      %parallel_loop3A_215 = arith.andi %parallel_loop3A_211, %parallel_loop3A_214 : i1
      %parallel_loop3A_216 = arith.constant 1 : i32
      %parallel_loop3A_217 = arith.subi %parallel_loop3A_196, %parallel_loop3A_216 : i32
      %parallel_loop3A_218 = arith.select %parallel_loop3A_215, %parallel_loop3A_217, %parallel_loop3A_196 : i32
      %parallel_loop3A_219 = arith.constant 48 : i32
      %parallel_loop3A_220 = arith.addi %parallel_loop3A_91, %parallel_loop3A_219 : i32
      %parallel_loop3A_221 = arith.index_cast %parallel_loop3A_218 : i32 to index
      %parallel_loop3A_222 = arith.index_cast %parallel_loop3A_220 : i32 to index
      %parallel_loop3A_223 = tpu.vector_load %arg6[%parallel_loop3A_221, %parallel_loop3A_222] {strides = array<i32>} : memref<72x128xf32, #tpu.memory_space<vmem>>, vector<16xf32>,
      tpu.vector_store %arg6[%parallel_loop3A_221, %parallel_loop3A_222], %parallel_loop3A_194 {strides = array<i32>} : memref<72x128xf32, #tpu.memory_space<vmem>>, vector<16xf32>,
    } {sc.loop_unroll_factor = 4 : i64, sc.parallel_access}
    %add3A_38 = arith.constant 3888 : i32
    %add3A_39 = arith.addi %mul3A_2, %add3A_38 : i32
    %mul3A_40 = arith.constant 4 : i32
    %mul3A_41 = arith.muli %add3A_39, %mul3A_40 : i32
    %dma_start3A_42 = arith.constant 0 : i32
    %dma_start3A_43 = tpu.memref_slice %arg3[%mul3A_41, %dma_start3A_42] : memref<500000x128xf32, #tpu.memory_space<hbm>> -> memref<72x128xf32, #tpu.memory_space<hbm>>
    %dma_start3A_44 = arith.constant 0 : i32
    %dma_start3A_45 = tpu.memref_slice %arg3[%mul3A_41, %dma_start3A_44] : memref<500000x128xf32, #tpu.memory_space<hbm>> -> memref<72x128xf32, #tpu.memory_space<hbm>>
    tpu.enqueue_dma source(%arg6 : memref<72x128xf32, #tpu.memory_space<vmem>>) target(%dma_start3A_45 : memref<72x128xf32, #tpu.memory_space<hbm>>) target_semaphore(%arg10 : memref<!tpu.dma_semaphore, #tpu.memory_space<semaphore_mem>>)
    %dma_wait3A_46 = arith.constant 0 : i32
    %dma_wait3A_47 = arith.constant 0 : i32
    %dma_wait3A_48 = tpu.memref_slice %arg3[%dma_wait3A_46, %dma_wait3A_47] : memref<500000x128xf32, #tpu.memory_space<hbm>> -> memref<72x128xf32, #tpu.memory_space<hbm>>
    %dma_wait3A_49 = arith.constant 0 : i32
    %dma_wait3A_50 = arith.constant 0 : i32
    %dma_wait3A_51 = tpu.memref_slice %arg3[%dma_wait3A_49, %dma_wait3A_50] : memref<500000x128xf32, #tpu.memory_space<hbm>> -> memref<72x128xf32, #tpu.memory_space<hbm>>
    tpu.wait_dma2 semaphore(%arg10 : memref<!tpu.dma_semaphore, #tpu.memory_space<semaphore_mem>>) src(%arg6 : memref<72x128xf32, #tpu.memory_space<vmem>>) dst(%dma_wait3A_51 : memref<72x128xf32, #tpu.memory_space<hbm>>)
    %dma_wait3A_52 = arith.constant 0 : i32
    %dma_wait3A_53 = arith.constant 0 : i32
    %dma_wait3A_54 = tpu.memref_slice %arg3[%dma_wait3A_52, %dma_wait3A_53] : memref<500000x128xf32, #tpu.memory_space<hbm>> -> memref<72x128xf32, #tpu.memory_space<hbm>>
    %dma_wait3A_55 = arith.constant 0 : i32
    %dma_wait3A_56 = arith.constant 0 : i32
    %dma_wait3A_57 = tpu.memref_slice %arg3[%dma_wait3A_55, %dma_wait3A_56] : memref<500000x128xf32, #tpu.memory_space<hbm>> -> memref<72x128xf32, #tpu.memory_space<hbm>>
    tpu.wait_dma2 semaphore(%arg11 : memref<!tpu.dma_semaphore, #tpu.memory_space<semaphore_mem>>) src(%arg7 : memref<72x128xf32, #tpu.memory_space<vmem>>) dst(%dma_wait3A_57 : memref<72x128xf32, #tpu.memory_space<hbm>>)
    %eq3A = arith.constant 0 : i32
    %eq3A_58 = arith.cmpi eq, %add3A, %eq3A : i32
    %convert_element_type3A = arith.extui %eq3A_58 : i1 to i32
    %cond3A = arith.constant 0 : i32
    %cond3A_59 = arith.cmpi ne, %convert_element_type3A, %cond3A : i32
    scf.if %cond3A_59 {
      %dma_start3A_60 = arith.constant 0 : i32
      %dma_start3A_61 = arith.constant 0 : i32
      %dma_start3A_62 = arith.constant 0 : i32
      %dma_start3A_63 = tpu.memref_slice %arg4[%dma_start3A_60, %dma_start3A_61, %dma_start3A_62] : memref<18x8x64xf32, #tpu.memory_space<vmem>> -> memref<8x8x64xf32, #tpu.memory_space<vmem>>
      %dma_start3A_64 = arith.constant 124992 : i32
      %dma_start3A_65 = arith.constant 0 : i32
      %dma_start3A_66 = arith.constant 0 : i32
      %dma_start3A_67 = tpu.memref_slice %arg2[%dma_start3A_64, %dma_start3A_65, %dma_start3A_66] : memref<125000x8x64xf32, #tpu.memory_space<hbm>> -> memref<8x8x64xf32, #tpu.memory_space<hbm>>
      %dma_start3A_68 = arith.constant 0 : i32
      %dma_start3A_69 = arith.constant 0 : i32
      %dma_start3A_70 = arith.constant 0 : i32
      %dma_start3A_71 = tpu.memref_slice %arg4[%dma_start3A_68, %dma_start3A_69, %dma_start3A_70] : memref<18x8x64xf32, #tpu.memory_space<vmem>> -> memref<8x8x64xf32, #tpu.memory_space<vmem>>
      %dma_start3A_72 = arith.constant 124992 : i32
      %dma_start3A_73 = arith.constant 0 : i32
      %dma_start3A_74 = arith.constant 0 : i32
      %dma_start3A_75 = tpu.memref_slice %arg2[%dma_start3A_72, %dma_start3A_73, %dma_start3A_74] : memref<125000x8x64xf32, #tpu.memory_space<hbm>> -> memref<8x8x64xf32, #tpu.memory_space<hbm>>
      tpu.enqueue_dma source(%dma_start3A_75 : memref<8x8x64xf32, #tpu.memory_space<hbm>>) target(%dma_start3A_71 : memref<8x8x64xf32, #tpu.memory_space<vmem>>) target_semaphore(%arg8 : memref<!tpu.dma_semaphore, #tpu.memory_space<semaphore_mem>>)
      %dma_wait3A_76 = arith.constant 0 : i32
      %dma_wait3A_77 = arith.constant 0 : i32
      %dma_wait3A_78 = arith.constant 0 : i32
      %dma_wait3A_79 = tpu.memref_slice %arg4[%dma_wait3A_76, %dma_wait3A_77, %dma_wait3A_78] : memref<18x8x64xf32, #tpu.memory_space<vmem>> -> memref<8x8x64xf32, #tpu.memory_space<vmem>>
      %dma_wait3A_80 = arith.constant 0 : i32
      %dma_wait3A_81 = arith.constant 0 : i32
      %dma_wait3A_82 = arith.constant 0 : i32
      %dma_wait3A_83 = tpu.memref_slice %arg2[%dma_wait3A_80, %dma_wait3A_81, %dma_wait3A_82] : memref<125000x8x64xf32, #tpu.memory_space<hbm>> -> memref<8x8x64xf32, #tpu.memory_space<hbm>>
      %dma_wait3A_84 = arith.constant 0 : i32
      %dma_wait3A_85 = arith.constant 0 : i32
      %dma_wait3A_86 = arith.constant 0 : i32
      %dma_wait3A_87 = tpu.memref_slice %arg4[%dma_wait3A_84, %dma_wait3A_85, %dma_wait3A_86] : memref<18x8x64xf32, #tpu.memory_space<vmem>> -> memref<8x8x64xf32, #tpu.memory_space<vmem>>
      %dma_wait3A_88 = arith.constant 0 : i32
      %dma_wait3A_89 = arith.constant 0 : i32
      %dma_wait3A_90 = arith.constant 0 : i32
      %dma_wait3A_91 = tpu.memref_slice %arg2[%dma_wait3A_88, %dma_wait3A_89, %dma_wait3A_90] : memref<125000x8x64xf32, #tpu.memory_space<hbm>> -> memref<8x8x64xf32, #tpu.memory_space<hbm>>
      tpu.wait_dma2 semaphore(%arg8 : memref<!tpu.dma_semaphore, #tpu.memory_space<semaphore_mem>>) src(%dma_wait3A_91 : memref<8x8x64xf32, #tpu.memory_space<hbm>>) dst(%dma_wait3A_87 : memref<8x8x64xf32, #tpu.memory_space<vmem>>)
      %parallel_loop3A_92 = arith.constant 0 : i32
      %parallel_loop3A_93 = arith.constant 64 : i32
      %parallel_loop3A_94 = arith.constant 1 : i32
      scf.for %parallel_loop3A_119 = %parallel_loop3A_92 to %parallel_loop3A_93 step %parallel_loop3A_94  : i32 {
        %parallel_loop3A_120 = arith.constant 8 : i32
        %parallel_loop3A_121 = arith.divsi %parallel_loop3A_119, %parallel_loop3A_120 : i32
        %parallel_loop3A_122 = arith.constant 0 : i32
        %parallel_loop3A_123 = arith.cmpi sgt, %parallel_loop3A_119, %parallel_loop3A_122 : i32
        %parallel_loop3A_124 = arith.extui %parallel_loop3A_123 : i1 to i32
        %parallel_loop3A_125 = arith.constant 0 : i32
        %parallel_loop3A_126 = arith.cmpi slt, %parallel_loop3A_119, %parallel_loop3A_125 : i32
        %parallel_loop3A_127 = arith.extui %parallel_loop3A_126 : i1 to i32
        %parallel_loop3A_128 = arith.subi %parallel_loop3A_124, %parallel_loop3A_127 : i32
        %parallel_loop3A_129 = arith.constant 0 : i32
        %parallel_loop3A_130 = arith.cmpi sgt, %parallel_loop3A_120, %parallel_loop3A_129 : i32
        %parallel_loop3A_131 = arith.extui %parallel_loop3A_130 : i1 to i32
        %parallel_loop3A_132 = arith.constant 0 : i32
        %parallel_loop3A_133 = arith.cmpi slt, %parallel_loop3A_120, %parallel_loop3A_132 : i32
        %parallel_loop3A_134 = arith.extui %parallel_loop3A_133 : i1 to i32
        %parallel_loop3A_135 = arith.subi %parallel_loop3A_131, %parallel_loop3A_134 : i32
        %parallel_loop3A_136 = arith.cmpi ne, %parallel_loop3A_128, %parallel_loop3A_135 : i32
        %parallel_loop3A_137 = arith.remsi %parallel_loop3A_119, %parallel_loop3A_120 : i32
        %parallel_loop3A_138 = arith.constant 0 : i32
        %parallel_loop3A_139 = arith.cmpi ne, %parallel_loop3A_137, %parallel_loop3A_138 : i32
        %parallel_loop3A_140 = arith.andi %parallel_loop3A_136, %parallel_loop3A_139 : i1
        %parallel_loop3A_141 = arith.constant 1 : i32
        %parallel_loop3A_142 = arith.subi %parallel_loop3A_121, %parallel_loop3A_141 : i32
        %parallel_loop3A_143 = arith.select %parallel_loop3A_140, %parallel_loop3A_142, %parallel_loop3A_121 : i32
        %parallel_loop3A_144 = arith.constant 8 : i32
        %parallel_loop3A_145 = arith.muli %parallel_loop3A_143, %parallel_loop3A_144 : i32
        %parallel_loop3A_146 = arith.subi %parallel_loop3A_119, %parallel_loop3A_145 : i32
        %parallel_loop3A_147 = arith.constant 1 : i32
        %parallel_loop3A_148 = arith.andi %parallel_loop3A_119, %parallel_loop3A_147 : i32
        %parallel_loop3A_149 = arith.constant 64 : i32
        %parallel_loop3A_150 = arith.muli %parallel_loop3A_148, %parallel_loop3A_149 : i32
        %parallel_loop3A_151 = arith.index_cast %parallel_loop3A_143 : i32 to index
        %parallel_loop3A_152 = arith.index_cast %parallel_loop3A_146 : i32 to index
        %parallel_loop3A_153 = arith.constant 0 : index
        %parallel_loop3A_154 = tpu.vector_load %arg4[%parallel_loop3A_151, %parallel_loop3A_152, %parallel_loop3A_153] {strides = array<i32>} : memref<18x8x64xf32, #tpu.memory_space<vmem>>, vector<16xf32>,
        %parallel_loop3A_155 = arith.constant 2 : i32
        %parallel_loop3A_156 = arith.divsi %parallel_loop3A_119, %parallel_loop3A_155 : i32
        %parallel_loop3A_157 = arith.constant 0 : i32
        %parallel_loop3A_158 = arith.cmpi sgt, %parallel_loop3A_119, %parallel_loop3A_157 : i32
        %parallel_loop3A_159 = arith.extui %parallel_loop3A_158 : i1 to i32
        %parallel_loop3A_160 = arith.constant 0 : i32
        %parallel_loop3A_161 = arith.cmpi slt, %parallel_loop3A_119, %parallel_loop3A_160 : i32
        %parallel_loop3A_162 = arith.extui %parallel_loop3A_161 : i1 to i32
        %parallel_loop3A_163 = arith.subi %parallel_loop3A_159, %parallel_loop3A_162 : i32
        %parallel_loop3A_164 = arith.constant 0 : i32
        %parallel_loop3A_165 = arith.cmpi sgt, %parallel_loop3A_155, %parallel_loop3A_164 : i32
        %parallel_loop3A_166 = arith.extui %parallel_loop3A_165 : i1 to i32
        %parallel_loop3A_167 = arith.constant 0 : i32
        %parallel_loop3A_168 = arith.cmpi slt, %parallel_loop3A_155, %parallel_loop3A_167 : i32
        %parallel_loop3A_169 = arith.extui %parallel_loop3A_168 : i1 to i32
        %parallel_loop3A_170 = arith.subi %parallel_loop3A_166, %parallel_loop3A_169 : i32
        %parallel_loop3A_171 = arith.cmpi ne, %parallel_loop3A_163, %parallel_loop3A_170 : i32
        %parallel_loop3A_172 = arith.remsi %parallel_loop3A_119, %parallel_loop3A_155 : i32
        %parallel_loop3A_173 = arith.constant 0 : i32
        %parallel_loop3A_174 = arith.cmpi ne, %parallel_loop3A_172, %parallel_loop3A_173 : i32
        %parallel_loop3A_175 = arith.andi %parallel_loop3A_171, %parallel_loop3A_174 : i1
        %parallel_loop3A_176 = arith.constant 1 : i32
        %parallel_loop3A_177 = arith.subi %parallel_loop3A_156, %parallel_loop3A_176 : i32
        %parallel_loop3A_178 = arith.select %parallel_loop3A_175, %parallel_loop3A_177, %parallel_loop3A_156 : i32
        %parallel_loop3A_179 = arith.constant 0 : i32
        %parallel_loop3A_180 = arith.addi %parallel_loop3A_150, %parallel_loop3A_179 : i32
        %parallel_loop3A_181 = arith.index_cast %parallel_loop3A_178 : i32 to index
        %parallel_loop3A_182 = arith.index_cast %parallel_loop3A_180 : i32 to index
        %parallel_loop3A_183 = tpu.vector_load %arg6[%parallel_loop3A_181, %parallel_loop3A_182] {strides = array<i32>} : memref<72x128xf32, #tpu.memory_space<vmem>>, vector<16xf32>,
        tpu.vector_store %arg6[%parallel_loop3A_181, %parallel_loop3A_182], %parallel_loop3A_154 {strides = array<i32>} : memref<72x128xf32, #tpu.memory_space<vmem>>, vector<16xf32>,
        %parallel_loop3A_184 = arith.index_cast %parallel_loop3A_143 : i32 to index
        %parallel_loop3A_185 = arith.index_cast %parallel_loop3A_146 : i32 to index
        %parallel_loop3A_186 = arith.constant 16 : index
        %parallel_loop3A_187 = tpu.vector_load %arg4[%parallel_loop3A_184, %parallel_loop3A_185, %parallel_loop3A_186] {strides = array<i32>} : memref<18x8x64xf32, #tpu.memory_space<vmem>>, vector<16xf32>,
        %parallel_loop3A_188 = arith.constant 2 : i32
        %parallel_loop3A_189 = arith.divsi %parallel_loop3A_119, %parallel_loop3A_188 : i32
        %parallel_loop3A_190 = arith.constant 0 : i32
        %parallel_loop3A_191 = arith.cmpi sgt, %parallel_loop3A_119, %parallel_loop3A_190 : i32
        %parallel_loop3A_192 = arith.extui %parallel_loop3A_191 : i1 to i32
        %parallel_loop3A_193 = arith.constant 0 : i32
        %parallel_loop3A_194 = arith.cmpi slt, %parallel_loop3A_119, %parallel_loop3A_193 : i32
        %parallel_loop3A_195 = arith.extui %parallel_loop3A_194 : i1 to i32
        %parallel_loop3A_196 = arith.subi %parallel_loop3A_192, %parallel_loop3A_195 : i32
        %parallel_loop3A_197 = arith.constant 0 : i32
        %parallel_loop3A_198 = arith.cmpi sgt, %parallel_loop3A_188, %parallel_loop3A_197 : i32
        %parallel_loop3A_199 = arith.extui %parallel_loop3A_198 : i1 to i32
        %parallel_loop3A_200 = arith.constant 0 : i32
        %parallel_loop3A_201 = arith.cmpi slt, %parallel_loop3A_188, %parallel_loop3A_200 : i32
        %parallel_loop3A_202 = arith.extui %parallel_loop3A_201 : i1 to i32
        %parallel_loop3A_203 = arith.subi %parallel_loop3A_199, %parallel_loop3A_202 : i32
        %parallel_loop3A_204 = arith.cmpi ne, %parallel_loop3A_196, %parallel_loop3A_203 : i32
        %parallel_loop3A_205 = arith.remsi %parallel_loop3A_119, %parallel_loop3A_188 : i32
        %parallel_loop3A_206 = arith.constant 0 : i32
        %parallel_loop3A_207 = arith.cmpi ne, %parallel_loop3A_205, %parallel_loop3A_206 : i32
        %parallel_loop3A_208 = arith.andi %parallel_loop3A_204, %parallel_loop3A_207 : i1
        %parallel_loop3A_209 = arith.constant 1 : i32
        %parallel_loop3A_210 = arith.subi %parallel_loop3A_189, %parallel_loop3A_209 : i32
        %parallel_loop3A_211 = arith.select %parallel_loop3A_208, %parallel_loop3A_210, %parallel_loop3A_189 : i32
        %parallel_loop3A_212 = arith.constant 16 : i32
        %parallel_loop3A_213 = arith.addi %parallel_loop3A_150, %parallel_loop3A_212 : i32
        %parallel_loop3A_214 = arith.index_cast %parallel_loop3A_211 : i32 to index
        %parallel_loop3A_215 = arith.index_cast %parallel_loop3A_213 : i32 to index
        %parallel_loop3A_216 = tpu.vector_load %arg6[%parallel_loop3A_214, %parallel_loop3A_215] {strides = array<i32>} : memref<72x128xf32, #tpu.memory_space<vmem>>, vector<16xf32>,
        tpu.vector_store %arg6[%parallel_loop3A_214, %parallel_loop3A_215], %parallel_loop3A_187 {strides = array<i32>} : memref<72x128xf32, #tpu.memory_space<vmem>>, vector<16xf32>,
        %parallel_loop3A_217 = arith.index_cast %parallel_loop3A_143 : i32 to index
        %parallel_loop3A_218 = arith.index_cast %parallel_loop3A_146 : i32 to index
        %parallel_loop3A_219 = arith.constant 32 : index
        %parallel_loop3A_220 = tpu.vector_load %arg4[%parallel_loop3A_217, %parallel_loop3A_218, %parallel_loop3A_219] {strides = array<i32>} : memref<18x8x64xf32, #tpu.memory_space<vmem>>, vector<16xf32>,
        %parallel_loop3A_221 = arith.constant 2 : i32
        %parallel_loop3A_222 = arith.divsi %parallel_loop3A_119, %parallel_loop3A_221 : i32
        %parallel_loop3A_223 = arith.constant 0 : i32
        %parallel_loop3A_224 = arith.cmpi sgt, %parallel_loop3A_119, %parallel_loop3A_223 : i32
        %parallel_loop3A_225 = arith.extui %parallel_loop3A_224 : i1 to i32
        %parallel_loop3A_226 = arith.constant 0 : i32
        %parallel_loop3A_227 = arith.cmpi slt, %parallel_loop3A_119, %parallel_loop3A_226 : i32
        %parallel_loop3A_228 = arith.extui %parallel_loop3A_227 : i1 to i32
        %parallel_loop3A_229 = arith.subi %parallel_loop3A_225, %parallel_loop3A_228 : i32
        %parallel_loop3A_230 = arith.constant 0 : i32
        %parallel_loop3A_231 = arith.cmpi sgt, %parallel_loop3A_221, %parallel_loop3A_230 : i32
        %parallel_loop3A_232 = arith.extui %parallel_loop3A_231 : i1 to i32
        %parallel_loop3A_233 = arith.constant 0 : i32
        %parallel_loop3A_234 = arith.cmpi slt, %parallel_loop3A_221, %parallel_loop3A_233 : i32
        %parallel_loop3A_235 = arith.extui %parallel_loop3A_234 : i1 to i32
        %parallel_loop3A_236 = arith.subi %parallel_loop3A_232, %parallel_loop3A_235 : i32
        %parallel_loop3A_237 = arith.cmpi ne, %parallel_loop3A_229, %parallel_loop3A_236 : i32
        %parallel_loop3A_238 = arith.remsi %parallel_loop3A_119, %parallel_loop3A_221 : i32
        %parallel_loop3A_239 = arith.constant 0 : i32
        %parallel_loop3A_240 = arith.cmpi ne, %parallel_loop3A_238, %parallel_loop3A_239 : i32
        %parallel_loop3A_241 = arith.andi %parallel_loop3A_237, %parallel_loop3A_240 : i1
        %parallel_loop3A_242 = arith.constant 1 : i32
        %parallel_loop3A_243 = arith.subi %parallel_loop3A_222, %parallel_loop3A_242 : i32
        %parallel_loop3A_244 = arith.select %parallel_loop3A_241, %parallel_loop3A_243, %parallel_loop3A_222 : i32
        %parallel_loop3A_245 = arith.constant 32 : i32
        %parallel_loop3A_246 = arith.addi %parallel_loop3A_150, %parallel_loop3A_245 : i32
        %parallel_loop3A_247 = arith.index_cast %parallel_loop3A_244 : i32 to index
        %parallel_loop3A_248 = arith.index_cast %parallel_loop3A_246 : i32 to index
        %parallel_loop3A_249 = tpu.vector_load %arg6[%parallel_loop3A_247, %parallel_loop3A_248] {strides = array<i32>} : memref<72x128xf32, #tpu.memory_space<vmem>>, vector<16xf32>,
        tpu.vector_store %arg6[%parallel_loop3A_247, %parallel_loop3A_248], %parallel_loop3A_220 {strides = array<i32>} : memref<72x128xf32, #tpu.memory_space<vmem>>, vector<16xf32>,
        %parallel_loop3A_250 = arith.index_cast %parallel_loop3A_143 : i32 to index
        %parallel_loop3A_251 = arith.index_cast %parallel_loop3A_146 : i32 to index
        %parallel_loop3A_252 = arith.constant 48 : index
        %parallel_loop3A_253 = tpu.vector_load %arg4[%parallel_loop3A_250, %parallel_loop3A_251, %parallel_loop3A_252] {strides = array<i32>} : memref<18x8x64xf32, #tpu.memory_space<vmem>>, vector<16xf32>,
        %parallel_loop3A_254 = arith.constant 2 : i32
        %parallel_loop3A_255 = arith.divsi %parallel_loop3A_119, %parallel_loop3A_254 : i32
        %parallel_loop3A_256 = arith.constant 0 : i32
        %parallel_loop3A_257 = arith.cmpi sgt, %parallel_loop3A_119, %parallel_loop3A_256 : i32
        %parallel_loop3A_258 = arith.extui %parallel_loop3A_257 : i1 to i32
        %parallel_loop3A_259 = arith.constant 0 : i32
        %parallel_loop3A_260 = arith.cmpi slt, %parallel_loop3A_119, %parallel_loop3A_259 : i32
        %parallel_loop3A_261 = arith.extui %parallel_loop3A_260 : i1 to i32
        %parallel_loop3A_262 = arith.subi %parallel_loop3A_258, %parallel_loop3A_261 : i32
        %parallel_loop3A_263 = arith.constant 0 : i32
        %parallel_loop3A_264 = arith.cmpi sgt, %parallel_loop3A_254, %parallel_loop3A_263 : i32
        %parallel_loop3A_265 = arith.extui %parallel_loop3A_264 : i1 to i32
        %parallel_loop3A_266 = arith.constant 0 : i32
        %parallel_loop3A_267 = arith.cmpi slt, %parallel_loop3A_254, %parallel_loop3A_266 : i32
        %parallel_loop3A_268 = arith.extui %parallel_loop3A_267 : i1 to i32
        %parallel_loop3A_269 = arith.subi %parallel_loop3A_265, %parallel_loop3A_268 : i32
        %parallel_loop3A_270 = arith.cmpi ne, %parallel_loop3A_262, %parallel_loop3A_269 : i32
        %parallel_loop3A_271 = arith.remsi %parallel_loop3A_119, %parallel_loop3A_254 : i32
        %parallel_loop3A_272 = arith.constant 0 : i32
        %parallel_loop3A_273 = arith.cmpi ne, %parallel_loop3A_271, %parallel_loop3A_272 : i32
        %parallel_loop3A_274 = arith.andi %parallel_loop3A_270, %parallel_loop3A_273 : i1
        %parallel_loop3A_275 = arith.constant 1 : i32
        %parallel_loop3A_276 = arith.subi %parallel_loop3A_255, %parallel_loop3A_275 : i32
        %parallel_loop3A_277 = arith.select %parallel_loop3A_274, %parallel_loop3A_276, %parallel_loop3A_255 : i32
        %parallel_loop3A_278 = arith.constant 48 : i32
        %parallel_loop3A_279 = arith.addi %parallel_loop3A_150, %parallel_loop3A_278 : i32
        %parallel_loop3A_280 = arith.index_cast %parallel_loop3A_277 : i32 to index
        %parallel_loop3A_281 = arith.index_cast %parallel_loop3A_279 : i32 to index
        %parallel_loop3A_282 = tpu.vector_load %arg6[%parallel_loop3A_280, %parallel_loop3A_281] {strides = array<i32>} : memref<72x128xf32, #tpu.memory_space<vmem>>, vector<16xf32>,
        tpu.vector_store %arg6[%parallel_loop3A_280, %parallel_loop3A_281], %parallel_loop3A_253 {strides = array<i32>} : memref<72x128xf32, #tpu.memory_space<vmem>>, vector<16xf32>,
      } {sc.loop_unroll_factor = 4 : i64, sc.parallel_access}
      %dma_start3A_95 = arith.constant 0 : i32
      %dma_start3A_96 = arith.constant 0 : i32
      %dma_start3A_97 = tpu.memref_slice %arg6[%dma_start3A_95, %dma_start3A_96] : memref<72x128xf32, #tpu.memory_space<vmem>> -> memref<32x128xf32, #tpu.memory_space<vmem>>
      %dma_start3A_98 = arith.constant 499968 : i32
      %dma_start3A_99 = arith.constant 0 : i32
      %dma_start3A_100 = tpu.memref_slice %arg3[%dma_start3A_98, %dma_start3A_99] : memref<500000x128xf32, #tpu.memory_space<hbm>> -> memref<32x128xf32, #tpu.memory_space<hbm>>
      %dma_start3A_101 = arith.constant 499968 : i32
      %dma_start3A_102 = arith.constant 0 : i32
      %dma_start3A_103 = tpu.memref_slice %arg3[%dma_start3A_101, %dma_start3A_102] : memref<500000x128xf32, #tpu.memory_space<hbm>> -> memref<32x128xf32, #tpu.memory_space<hbm>>
      %dma_start3A_104 = arith.constant 0 : i32
      %dma_start3A_105 = arith.constant 0 : i32
      %dma_start3A_106 = tpu.memref_slice %arg6[%dma_start3A_104, %dma_start3A_105] : memref<72x128xf32, #tpu.memory_space<vmem>> -> memref<32x128xf32, #tpu.memory_space<vmem>>
      tpu.enqueue_dma source(%dma_start3A_106 : memref<32x128xf32, #tpu.memory_space<vmem>>) target(%dma_start3A_103 : memref<32x128xf32, #tpu.memory_space<hbm>>) target_semaphore(%arg10 : memref<!tpu.dma_semaphore, #tpu.memory_space<semaphore_mem>>)
      %dma_wait3A_107 = arith.constant 0 : i32
      %dma_wait3A_108 = arith.constant 0 : i32
      %dma_wait3A_109 = tpu.memref_slice %arg6[%dma_wait3A_107, %dma_wait3A_108] : memref<72x128xf32, #tpu.memory_space<vmem>> -> memref<32x128xf32, #tpu.memory_space<vmem>>
      %dma_wait3A_110 = arith.constant 0 : i32
      %dma_wait3A_111 = arith.constant 0 : i32
      %dma_wait3A_112 = tpu.memref_slice %arg3[%dma_wait3A_110, %dma_wait3A_111] : memref<500000x128xf32, #tpu.memory_space<hbm>> -> memref<32x128xf32, #tpu.memory_space<hbm>>
      %dma_wait3A_113 = arith.constant 0 : i32
      %dma_wait3A_114 = arith.constant 0 : i32
      %dma_wait3A_115 = tpu.memref_slice %arg3[%dma_wait3A_113, %dma_wait3A_114] : memref<500000x128xf32, #tpu.memory_space<hbm>> -> memref<32x128xf32, #tpu.memory_space<hbm>>
      %dma_wait3A_116 = arith.constant 0 : i32
      %dma_wait3A_117 = arith.constant 0 : i32
      %dma_wait3A_118 = tpu.memref_slice %arg6[%dma_wait3A_116, %dma_wait3A_117] : memref<72x128xf32, #tpu.memory_space<vmem>> -> memref<32x128xf32, #tpu.memory_space<vmem>>
      tpu.wait_dma2 semaphore(%arg10 : memref<!tpu.dma_semaphore, #tpu.memory_space<semaphore_mem>>) src(%dma_wait3A_118 : memref<32x128xf32, #tpu.memory_space<vmem>>) dst(%dma_wait3A_115 : memref<32x128xf32, #tpu.memory_space<hbm>>)
    } else {
    }
    return
  }
}

</mosaic_0001>

<sc_bundles>
// kernel: kernel.4.cloned.1.call-start
scs
__scs_entry_jumppad:
0x0: {  	(pc) =	sbr.rel $0x88, $3  }
0x1: {  	(tag) =	ssettag $0x0;
	lr =	simm.s32 $0x1  }
0x2: {  	[smem:$0x3F9F] =	sst lr;
	_ =	strace $0xD0000000  }
0x3: {  	_ = 	snop  }
0x4: {  	_ = 	snop  }
0x5: {  	_ = 	snop  }
0x6: {  	_ = 	snop  }
0x7: {  	_ = 	snop  }
__scs_overlays_trampoline_lowered:
0x8: {  	[smem:$0x3FAE] =	sst s0  }
0x9: {  	[smem:$0x3FAF] =	sst s1  }
0xa: {  	[smem:$0x3FB0] =	sst s2  }
0xb: {  	[smem:$0x3FB1] =	sst s3  }
0xc: {  	[smem:$0x3FB2] =	sst s4  }
0xd: {  	[smem:$0x3FB3] =	sst s5  }
0xe: {  	[smem:$0x3FB4] =	sst s6  }
0xf: {  	[smem:$0x3FB5] =	sst s7  }
0x10: {  	[smem:$0x3FB6] =	sst s8  }
0x11: {  	[smem:$0x3FB7] =	sst s9;
	s0 =	simm.s32 @!p0 $0x0  }
0x12: {  	s1 =	sld [smem:$0x3F9D];
	s0 =	simm.s32 @p0 $0x1  }
0x13: {  	[smem:$0x3FB8] =	sst s0;
	s0 =	simm.s32 @!p1 $0x0  }
0x14: {  	s2 =	sld [smem:$0x3F9C];
	s0 =	simm.s32 @p1 $0x1  }
0x15: {  	[smem:$0x3FB9] =	sst s0;
	s0 =	simm.s32 @!p2 $0x0  }
0x16: {  	s3 =	sld [smem:$0x3FDB];
	s0 =	simm.s32 @p2 $0x1  }
0x17: {  	s4 =	simm.s32 $0x1BF5;
	[smem:$0x3FBB] =	sst s0  }
0x18: {  	s0 =	sld [smem:$0x3F9E];
	_ =	swait.ge [sflag:s4], $0x0  }
0x19: {  	s7 =	sld [smem:$0x3F9F]  }
0x1a: {  	s8 =	sadd.s32 $0xFFFFE003, lr  }
0x1b: {  	s9 =	sadd.s32 $0xFFFFFEF7, lr;
	s5 =	simm.s32 $0xFFFFFFFF;
	p2 =	slt.u32 s8, $0xFFFFF086  }
0x1c: {  	p1 =	slt.u32 s9, $0xF7A;
	s5 =	simm.s32 @!p2 $0x0  }
0x1d: {  	s5 =	simm.s32 @p1 $0x1;
	p0 =	seq.s32 s7, s2  }
0x1e: {  	s7 =	smul.u32 @!p0 $0xF7A, s2;
	p2 =	seq.s32 @!p0 s5, $0x0  }
0x1f: {  	s9 =	smul.u32 $0xF7A, s1;
	s8 =	simm.s32 @!p0 $0x1BF5;
	p2 =	por !p2, p0  }
0x20: {  	[sflag:s8] =	ssyncset.s32 @!p0 $0xFFFFF086;
	s6 =	sadd.s32 @!p0 s3, s7;
	s7 =	simm.s32 @!p0 $0x108  }
0x21: {  	s3 =	sadd.s32 s3, s9;
	s6 =	sadd.s32 @!p0 $0x88, s6;
	s7 =	simm.s32 @p2 $0x1082  }
0x22: {  	[simem:s7], [sflag:s8] =	dma.local @!p0 [hbm:s6], $0xF7A  }
0x23: {  	s9 =	sor.u32 $0xD0000000, s2;
	s6 =	simm.s32 $0x108;
	_ =	swait.ge @!p0 [sflag:s8], $0x0  }
0x24: {  	s3 =	sadd.s32 $0x88, s3;
	s6 =	simm.s32 @!p1 $0x1082;
	[sflag:s4] =	ssyncset.s32 $0xFFFFF086  }
0x25: {  	[simem:s6], [sflag:s4] =	dma.local [hbm:s3], $0xF7A  }
0x26: {  	[smem:$0x3F9F] =	sst s1;
	(tag) =	ssettag s2;
	_ =	strace s9  }
0x27: {  	s1 =	sld [smem:$0x3FAF]  }
0x28: {  	s2 =	sld [smem:$0x3FB0]  }
0x29: {  	s4 =	sld [smem:$0x3FB2]  }
0x2a: {  	p0 =	seq.s32 s5, $0x0;
	s5 =	sld [smem:$0x3FB3]  }
0x2b: {  	s6 =	sld [smem:$0x3FB4]  }
0x2c: {  	s7 =	sld [smem:$0x3FB5]  }
0x2d: {  	s3 =	simm.s32 $0x108;
	s8 =	sld [smem:$0x3FB6]  }
0x2e: {  	s3 =	simm.s32 @!p0 $0x1082;
	s9 =	sld [smem:$0x3FB7]  }
0x2f: {  	lr =	sadd.s32 s0, s3;
	s0 =	sld [smem:$0x3FAE]  }
0x30: {  	s3 =	sld [smem:$0x3FB1]  }
0x31: {  	[smem:$0x3FBA] =	sst s10  }
0x32: {  	s10 =	sld [smem:$0x3FB8];
	_ =	sdelay $0x3  }
0x33: {  	p0 =	seq.s32 s10, $0x1;
	s10 =	sld [smem:$0x3FBA];
	_ =	sdelay $0x3  }
0x34: {  	[smem:$0x3FBA] =	sst s10  }
0x35: {  	s10 =	sld [smem:$0x3FB9];
	_ =	sdelay $0x3  }
0x36: {  	p1 =	seq.s32 s10, $0x1;
	s10 =	sld [smem:$0x3FBA];
	_ =	sdelay $0x3  }
0x37: {  	[smem:$0x3FBA] =	sst s10  }
0x38: {  	s10 =	sld [smem:$0x3FBB]  }
0x39: {  	_ = 	snop;
	(pc) =	sbr.ind lr, $3  }
0x3a: {  	_ = 	snop  }
0x3b: {  	_ = 	snop  }
0x3c: {  	p2 =	seq.s32 s10, $0x1;
	s10 =	sld [smem:$0x3FBA]  }
0x3d: {  	_ =	shalt  }
0x3e: {  	_ =	shalt  }
0x3f: {  	_ =	shalt  }
0x40: {  	_ =	shalt  }
0x41: {  	_ =	shalt  }
0x42: {  	_ =	shalt  }
0x43: {  	_ =	shalt  }
0x44: {  	_ =	shalt  }
0x45: {  	_ =	shalt  }
0x46: {  	_ =	shalt  }
0x47: {  	_ =	shalt  }
0x48: {  	_ =	shalt  }
0x49: {  	_ =	shalt  }
0x4a: {  	_ =	shalt  }
0x4b: {  	_ =	shalt  }
0x4c: {  	_ =	shalt  }
0x4d: {  	_ =	shalt  }
0x4e: {  	_ =	shalt  }
0x4f: {  	_ =	shalt  }
0x50: {  	_ =	shalt  }
0x51: {  	_ =	shalt  }
0x52: {  	_ =	shalt  }
0x53: {  	_ =	shalt  }
0x54: {  	_ =	shalt  }
0x55: {  	_ =	shalt  }
0x56: {  	_ =	shalt  }
0x57: {  	_ =	shalt  }
0x58: {  	_ =	shalt  }
0x59: {  	_ =	shalt  }
0x5a: {  	_ =	shalt  }
0x5b: {  	_ =	shalt  }
0x5c: {  	_ =	shalt  }
0x5d: {  	_ =	shalt  }
0x5e: {  	_ =	shalt  }
0x5f: {  	_ =	shalt  }
0x60: {  	_ =	shalt  }
0x61: {  	_ =	shalt  }
0x62: {  	_ =	shalt  }
0x63: {  	_ =	shalt  }
0x64: {  	_ =	shalt  }
0x65: {  	_ =	shalt  }
0x66: {  	_ =	shalt  }
0x67: {  	_ =	shalt  }
0x68: {  	_ =	shalt  }
0x69: {  	_ =	shalt  }
0x6a: {  	_ =	shalt  }
0x6b: {  	_ =	shalt  }
0x6c: {  	_ =	shalt  }
0x6d: {  	_ =	shalt  }
0x6e: {  	_ =	shalt  }
0x6f: {  	_ =	shalt  }
0x70: {  	_ =	shalt  }
0x71: {  	_ =	shalt  }
0x72: {  	_ =	shalt  }
0x73: {  	_ =	shalt  }
0x74: {  	_ =	shalt  }
0x75: {  	_ =	shalt  }
0x76: {  	_ =	shalt  }
0x77: {  	_ =	shalt  }
0x78: {  	_ =	shalt  }
0x79: {  	_ =	shalt  }
0x7a: {  	_ =	shalt  }
0x7b: {  	_ =	shalt  }
0x7c: {  	_ =	shalt  }
0x7d: {  	_ =	shalt  }
0x7e: {  	_ =	shalt  }
0x7f: {  	_ =	shalt  }
0x80: {  	_ =	shalt  }
0x81: {  	_ =	shalt  }
0x82: {  	_ =	shalt  }
0x83: {  	_ =	shalt  }
0x84: {  	_ =	shalt  }
0x85: {  	_ =	shalt  }
0x86: {  	_ =	shalt  }
0x87: {  	_ =	shalt  }
.Lfunc_end0:
.L_simem_size_0:
called_computation_lowered:
.L_overlay_start_0:
0x88: {  	s2 =	sld [smem:$0x3FD9]  }
0x89: {  	s3 =	sld [smem:$0x3FFE];
	_ =	sdelay $0x1  }
0x8a: {  	s1 =	srdreg.scid  }
0x8b: {  	s0 =	sand.u32 $0x1, s1  }
0x8c: {  	s16 =	sshll.u32 s0, $0xA;
	s2 =	sadd.s32 s3, s2  }
0x8d: {  	s2 =	sadd.s32 s2, s16  }
0x8e: {  	[smem:$0x3FC6] =	sst s2  }
0x8f: {  	_ = 	snop  }
0x90: {  	(tm) =	ssettm $0x1  }
0x91: {  	s17 =	sld [smem:$0x3FFB];
	_ =	sdelay $0x3  }
0x92: {  	_ =	strace s17  }
0x93: {  	s2 =	sld [smem:$0x3FFC];
	_ =	sdelay $0x3  }
0x94: {  	_ =	strace s2  }
0x95: {  	s2 =	sld [smem:$0x3FFD];
	_ =	sdelay $0x3  }
0x96: {  	_ =	strace s2  }
0x97: {  	_ =	strace $0x8FFFFFFF  }
0x98: {  	s18 =	sld [smem:$0x3FDB];
	_ =	sdelay $0x1  }
0x99: {  	s19 =	simm.s32 $_scs_section_size  }
0x9a: {  	s4 =	simm.s32 $_size__tile_overlayer_lowered;
	s5 =	simm.s32 $_tile_overlayer_lowered  }
0x9b: {  	s22 =	simm.s32 $0x1BFF;
	s21 =	sshll.u32 s5, $0x1;
	s2 =	sadd.s32 s19, s18  }
0x9c: {  	s6 =	simm.s32 $0x0;
	s20 =	sshll.u32 s4, $0x1;
	s4 =	sadd.s32 s21, s2  }
0x9d: {  	[timem:s6], [sflag:s22] =	dma.local [hbm:s4], s20  }
0x9e: {  	_ =	swait.ge [sflag:s22], s20  }
0x9f: {  	s3 =	ssub.s32 $0x0, s20;
	[sflag:s22] =	ssyncset.done $0x0  }
0xa0: {  	[sflag:s22] =	ssyncadd.s32 s3;
	_ =	sdelay $0x1  }
0xa1: {  	s23 =	simm.s32 $0x1B8B  }
0xa2: {  	_ =	swait.ge [sflag:s23], $0x1  }
0xa3: {  	[sflag:s23] =	ssyncset.done $0x0  }
0xa4: {  	s25 =	simm.s32 $0x1B8E;
	s24 =	sld [smem:$0x3FFE];
	[sflag:s23] =	ssyncadd.s32 $0xFFFFFFFF  }
0xa5: {  	s26 =	simm.s32 $execute0_lowered;
	[smem:$0x3FD2] =	sst s25  }
0xa6: {  	s4 =	sshll.u32 s26, $0x1;
	_ =	strace $0x80000046;
	[dreg:$0x1] =	wrdreg $0xFFFFFFFF  }
0xa7: {  	s28 =	simm.s32 $_size_execute0_lowered;
	s2 =	sadd.s32 s2, s4;
	[dreg:$0x0] =	wrdreg $0x0  }
0xa8: {  	s4 =	sshll.u32 s28, $0x1;
	[dreg:$0x2] =	wrdreg s2  }
0xa9: {  	[dreg:$0x3] =	wrdreg s4  }
0xaa: {  	[dreg:$0x4] =	wrdreg $0xC0  }
0xab: {  	_ =	task [dreg:s6], $0x5FFFF  }
0xac: {  	[dreg:$0x1] =	wrdreg $0xFFFFFFFF  }
0xad: {  	[dreg:$0x0] =	wrdreg $0x60  }
0xae: {  	[dreg:$0x2] =	wrdreg s24  }
0xaf: {  	[dreg:$0x3] =	wrdreg $0x9  }
0xb0: {  	_ =	task.clear_ibuf [dreg:s6], $0x4FFFF;
	_ =	strace $0x90000046  }
0xb1: {  	s29 =	simm.s32 $0x9;
	_ =	strace $0x80000048  }
0xb2: {  	_ =	swait.ge [sflag:s29], $0x1  }
0xb3: {  	[sflag:s29] =	ssyncadd.s32 $0xFFFFFFFF  }
0xb4: {  	_ =	strace $0x90000048  }
0xb5: {  	_ =	sfence  }
0xb6: {  	s30 =	sld [smem:$0x0];
	_ =	sdelay $0x2  }
0xb7: {  	s31 =	sshll.u32 s1, $0xD;
	s1 =	sshrl.u32 s1, $0x2  }
0xb8: {  	s3 =	sand.u32 $0x4000, s31;
	s1 =	sadd.s32 s1, s30  }
0xb9: {  	s0 =	sor.u32 s3, s0;
	s1 =	sshll.u32 s1, $0x11  }
0xba: {  	s0 =	sor.u32 s1, s0  }
0xbb: {  	s0 =	sadd.s32 $0x8F2B, s0  }
0xbc: {  	[sflag:s0] =	ssyncadd.remote.s32 $0x1  }
0xbd: {  	_ =	sfence.sel $0xFFFF  }
0xbe: {  	[dreg:$0x0] =	wrdreg $0xFFFFFFFF;
	(pc) =	sbr.abs _section_cstart, $3  }
0xbf: {  	[dreg:$0x1] =	wrdreg $0xFFFFFFFF  }
0xc0: {  	_ =	task.clear_ibuf [dreg:s6], $0x2FFFF;
	_ =	strace $0x9FFFFFFF  }
0xc1: {  	(tm) =	ssettm $0x7FFFFFFF  }
tec
execute0_lowered:
.L_overlay_start_1:
0x0: {  	(tag) =	ssettag $0x1  }
0x1: {  	s13 =	rddreg [dreg:$0x0]  }
0x2: {  	s0 =	rddreg [dreg:$0x1];
	s3 =	srdreg.scid  }
0x3: {  	s1 =	stileid.u32;
	s2 =	simm.s32 $0x0;
	s15 =	simm.s32 $0x4800  }
0x4: {  	s16 =	simm.s32 $0x1;
	s17 =	simm.s32 $0x9000;
	s18 =	simm.s32 $0x2  }
0x5: {  	s19 =	simm.s32 $0xB400;
	s4 =	sand.u32 $0x1, s3;
	s31 =	sshll.u32 s1, $0x1  }
0x6: {  	s20 =	simm.s32 $0x3;
	s22 =	simm.s32 $0x0;
	s21 =	sor.u32 s4, s31  }
0x7: {  	[smem:$0x7FF] =	sst s2;
	s3 =	sadd.s32 $0xA00, s13;
	s6 =	smul.u32 $0x7A100, s21  }
0x8: {  	s12 =	sadd.s32 $0xF42A00, s13;
	s5 =	ssub.s32 $0x2, s4;
	s7 =	smul.u32 $0x3D0800, s21  }
0x9: {  	_ =	strace $0x80000047;
	s8 =	sshrl.u32 s5, $0x1;
	s9 =	smul.u32 $0x1E8400, s21  }
0xa: {  	s4 =	sadd.s32 $0xF42E00, s13;
	s14 =	ssub.s32 s5, s8;
	s5 =	smul.u32 $0xF42, s21  }
.Ltmp0:
0xb: {  	s13 =	sadd.s32 $0x16E3E00, s13;
	p0 =	sne.s32 s21, $0x0;
	(pc) =	sbr.rel .LBB2_1-.Ltmp0, $4  }
0xc: {  	s21 =	simm.s32 $0x4;
	s7 =	sshrl.u32 s7, $0x3;
	s6 =	sadd.s32 s3, s6  }
0xd: {  	s9 =	sshrl.u32 s9, $0x3;
	s14 =	smax.u32 s14, $0x1;
	s7 =	sadd.s32 s3, s7  }
0xe: {  	s8 =	sadd.s32 $0x24, s5;
	s11 =	sadd.s32 s4, s9;
	s9 =	sadd.s32 $0x36, s5  }
0xf: {  	s10 =	sadd.s32 $0x12, s5;
	s7 =	sadd.s32 $0x900, s7;
	s11 =	sadd.s32 $0x3CC00, s11  }
.LBB2_13:
0x10: {  	s22 =	sadd.s32 $0x1, s22  }
0x11: {  	p1 =	sne.s32 s22, s14  }
.Ltmp1:
0x12: {  	_ = 	snop;
	(pc) =	sbr.rel @!p1 .LBB2_14-.Ltmp1, $1  }
0x13: {  	_ =	sdelay $0x3  }
.LBB2_1:
0x14: {  	[tilespmem:s2], [sflag:$0x1] =	stream.linear.gather [hbm4b:s6+s2], $0x4800, $0x38;
	[tilespmem:$0xD800] =	vst v63  }
0x15: {  	s23 =	simm.s32 $0x0  }
0x16: {  	[tilespmem:s15], [sflag:$0x2] =	stream.linear.gather [hbm4b:s7+s2], $0x4800, $0x38;
	[tilespmem:$0xD800] =	vst v63  }
.LBB2_2:
0x17: {  	_ =	swait.ge [sflag:s16], $0x4800  }
0x18: {  	p1 =	seq.s32 s23, $0x0;
	[sflag:s16] =	ssyncset.done $0x0  }
0x19: {  	s24 =	simm.s32 @!p1 $0x3;
	[sflag:s16] =	ssyncadd.s32 $0xFFFFB800  }
0x1a: {  	_ =	swait.ge @!p1 [sflag:s24], $0x2400  }
0x1b: {  	[sflag:s24] =	ssyncset.done @!p1 $0x0  }
0x1c: {  	s28 =	simm.s32 $0x100;
	[sflag:s24] =	ssyncadd.s32 @!p1 $0xFFFFDC00  }
0x1d: {  	v1 =	vld [tilespmem:s28+$0xFFFFFF80]  }
0x1e: {  	v0 =	vld [tilespmem:s28+$0x80]  }
0x1f: {  	v2 =	vld [tilespmem:s28+$0x0];
	_ =	sdelay $0x1  }
0x20: {  	s25 =	simm.s32 $0x9080  }
0x21: {  	v3 =	vld [tilespmem:s28+$0xFFFFFF00];
	[tilespmem:s25+$0xFFFFFFC0] =	vst v1  }
0x22: {  	[tilespmem:s25+$0x40] =	vst v0;
	v1 =	vld [tilespmem:s28+$0xFFFFFF90]  }
0x23: {  	[tilespmem:s25+$0x0] =	vst v2;
	v0 =	vld [tilespmem:s28+$0x90]  }
0x24: {  	v2 =	vld [tilespmem:s28+$0x10]  }
0x25: {  	s24 =	simm.s32 $0x300  }
0x26: {  	v4 =	vld [tilespmem:s24+$0x80];
	[tilespmem:s25+$0xFFFFFF80] =	vst v3  }
0x27: {  	v3 =	vld [tilespmem:s28+$0xFFFFFF10];
	[tilespmem:s25+$0xFFFFFFD0] =	vst v1  }
0x28: {  	[tilespmem:s25+$0x50] =	vst v0;
	v1 =	vld [tilespmem:s28+$0xFFFFFFA0]  }
0x29: {  	[tilespmem:s25+$0x10] =	vst v2;
	v0 =	vld [tilespmem:s28+$0xA0]  }
0x2a: {  	s26 =	simm.s32 $0x9180;
	v2 =	vld [tilespmem:s28+$0x20]  }
0x2b: {  	v5 =	vld [tilespmem:s24+$0xFFFFFF80];
	[tilespmem:s26+$0x40] =	vst v4  }
0x2c: {  	v4 =	vld [tilespmem:s24+$0x90];
	[tilespmem:s25+$0xFFFFFF90] =	vst v3  }
0x2d: {  	[tilespmem:s25+$0xFFFFFFE0] =	vst v1;
	v1 =	vld [tilespmem:s24+$0x0]  }
0x2e: {  	v3 =	vld [tilespmem:s24+$0xFFFFFF00];
	[tilespmem:s25+$0x60] =	vst v0  }
0x2f: {  	[tilespmem:s25+$0x20] =	vst v2;
	v2 =	vld [tilespmem:s28+$0xFFFFFF20]  }
0x30: {  	[tilespmem:s26+$0xFFFFFFC0] =	vst v5;
	v0 =	vld [tilespmem:s28+$0xB0]  }
0x31: {  	v5 =	vld [tilespmem:s24+$0xFFFFFF90];
	[tilespmem:s26+$0x50] =	vst v4  }
0x32: {  	[tilespmem:s26+$0x0] =	vst v1;
	v1 =	vld [tilespmem:s28+$0xFFFFFFB0]  }
0x33: {  	[tilespmem:s26+$0xFFFFFF80] =	vst v3;
	v6 =	vld [tilespmem:s24+$0x10]  }
0x34: {  	v7 =	vld [tilespmem:s24+$0xFFFFFF10];
	[tilespmem:s25+$0xFFFFFFA0] =	vst v2  }
0x35: {  	[tilespmem:s25+$0x70] =	vst v0;
	v0 =	vld [tilespmem:s28+$0xFFFFFF30]  }
0x36: {  	[tilespmem:s26+$0xFFFFFFD0] =	vst v5;
	v2 =	vld [tilespmem:s24+$0xA0]  }
0x37: {  	v3 =	vld [tilespmem:s24+$0xFFFFFFA0];
	[tilespmem:s25+$0xFFFFFFF0] =	vst v1  }
0x38: {  	v1 =	vld [tilespmem:s28+$0x30];
	[tilespmem:s26+$0x10] =	vst v6  }
0x39: {  	s29 =	simm.s32 $0x500;
	[tilespmem:s26+$0xFFFFFF90] =	vst v7;
	s28 =	simm.s32 $0x4;
	v4 =	vld [tilespmem:s24+$0x20]  }
.LBB2_3:
0x3a: {  	v5 =	vld [tilespmem:s29+$0x80];
	s28 =	sadd.s32 $0x4, s28;
	[tilespmem:s25+$0xFFFFFFB0] =	vst v0  }
0x3b: {  	v0 =	vld [tilespmem:s29+$0xFFFFFF80];
	p2 =	slt.u32 s28, $0x8C;
	[tilespmem:s26+$0x60] =	vst v2  }
0x3c: {  	[tilespmem:s26+$0xFFFFFFE0] =	vst v3;
	v2 =	vld [tilespmem:s24+$0xB0]  }
0x3d: {  	v3 =	vld [tilespmem:s29+$0x0];
	[tilespmem:s25+$0x30] =	vst v1;
	s25 =	smov.u32 s26  }
0x3e: {  	s26 =	sadd.s32 $0x100, s26;
	v1 =	vld [tilespmem:s29+$0xFFFFFF00];
	[tilespmem:s25+$0x20] =	vst v4  }
0x3f: {  	[tilespmem:s26+$0x40] =	vst v5;
	v4 =	vld [tilespmem:s24+$0xFFFFFF20]  }
0x40: {  	[tilespmem:s26+$0xFFFFFFC0] =	vst v0;
	v0 =	vld [tilespmem:s29+$0x90]  }
0x41: {  	v5 =	vld [tilespmem:s29+$0xFFFFFF90];
	[tilespmem:s25+$0x70] =	vst v2  }
0x42: {  	[tilespmem:s26+$0x0] =	vst v3;
	v6 =	vld [tilespmem:s24+$0xFFFFFFB0]  }
0x43: {  	[tilespmem:s26+$0xFFFFFF80] =	vst v1;
	v1 =	vld [tilespmem:s29+$0x10]  }
0x44: {  	v7 =	vld [tilespmem:s29+$0xFFFFFF10];
	[tilespmem:s25+$0xFFFFFFA0] =	vst v4  }
.Ltmp2:
0x45: {  	[tilespmem:s26+$0x50] =	vst v0;
	v0 =	vld [tilespmem:s24+$0xFFFFFF30];
	(pc) =	sbr.rel @p2 .LBB2_3-.Ltmp2, $4  }
0x46: {  	[tilespmem:s26+$0xFFFFFFD0] =	vst v5;
	v2 =	vld [tilespmem:s29+$0xA0]  }
0x47: {  	v3 =	vld [tilespmem:s29+$0xFFFFFFA0];
	[tilespmem:s25+$0xFFFFFFF0] =	vst v6  }
0x48: {  	[tilespmem:s26+$0x10] =	vst v1;
	v1 =	vld [tilespmem:s24+$0x30];
	s24 =	smov.u32 s29  }
0x49: {  	s29 =	sadd.s32 $0x200, s29;
	[tilespmem:s26+$0xFFFFFF90] =	vst v7;
	v4 =	vld [tilespmem:s24+$0x20]  }
0x4a: {  	v5 =	vld [tilespmem:s24+$0xFFFFFF20]  }
0x4b: {  	[tilespmem:s25+$0xFFFFFFB0] =	vst v0  }
0x4c: {  	[tilespmem:s26+$0x60] =	vst v2  }
0x4d: {  	[tilespmem:s26+$0xFFFFFFE0] =	vst v3;
	v2 =	vld [tilespmem:s24+$0xB0]  }
0x4e: {  	v3 =	vld [tilespmem:s24+$0xFFFFFFB0];
	[tilespmem:s26+$0x20] =	vst v4  }
0x4f: {  	[tilespmem:s26+$0xFFFFFFA0] =	vst v5;
	v0 =	vld [tilespmem:s24+$0x30]  }
0x50: {  	v4 =	vld [tilespmem:s24+$0xFFFFFF30];
	s24 =	smul.u32 $0x24, s23  }
0x51: {  	[tilespmem:s25+$0x30] =	vst v1  }
0x52: {  	[tilespmem:s26+$0x70] =	vst v2;
	s31 =	sadd.s32 s24, s8  }
0x53: {  	[tilespmem:s26+$0xFFFFFFF0] =	vst v3;
	s25 =	sshll.u32 s31, $0x7  }
0x54: {  	s25 =	sand.u32 $0x1FFFFF00, s25;
	[tilespmem:s26+$0x30] =	vst v0  }
0x55: {  	s31 =	sadd.s32 s5, s24;
	[tilespmem:s26+$0xFFFFFFB0] =	vst v4;
	s25 =	sadd.s32 s3, s25  }
0x56: {  	[tilespmem:s2], [sflag:$0x1] =	stream.linear.gather [hbm4b:s25+s2], $0x4800, $0x38;
	[tilespmem:$0xD800] =	vst v63  }
0x57: {  	s25 =	sshll.u32 s31, $0x6  }
0x58: {  	s25 =	sadd.s32 s4, s25  }
0x59: {  	[hbm4b:s25+s2] =	stream.linear.scatter [tilespmem:s17], [sflag:$0x3], $0x2400, $0x38;
	[tilespmem:$0xD800] =	vst v63  }
0x5a: {  	_ =	swait.ge [sflag:s18], $0x4800  }
0x5b: {  	[sflag:s18] =	ssyncset.done $0x0  }
0x5c: {  	s25 =	simm.s32 @!p1 $0x4;
	[sflag:s18] =	ssyncadd.s32 $0xFFFFB800  }
0x5d: {  	_ =	swait.ge @!p1 [sflag:s25], $0x2400  }
0x5e: {  	[sflag:s25] =	ssyncset.done @!p1 $0x0  }
0x5f: {  	s29 =	simm.s32 $0x4900;
	[sflag:s25] =	ssyncadd.s32 @!p1 $0xFFFFDC00  }
0x60: {  	v1 =	vld [tilespmem:s29+$0xFFFFFF80]  }
0x61: {  	v0 =	vld [tilespmem:s29+$0x80]  }
0x62: {  	v2 =	vld [tilespmem:s29+$0x0];
	_ =	sdelay $0x1  }
0x63: {  	s25 =	simm.s32 $0xB480  }
0x64: {  	v3 =	vld [tilespmem:s29+$0xFFFFFF00];
	[tilespmem:s25+$0xFFFFFFC0] =	vst v1  }
0x65: {  	[tilespmem:s25+$0x40] =	vst v0;
	v1 =	vld [tilespmem:s29+$0xFFFFFF90]  }
0x66: {  	[tilespmem:s25+$0x0] =	vst v2;
	v0 =	vld [tilespmem:s29+$0x90]  }
0x67: {  	v2 =	vld [tilespmem:s29+$0x10]  }
0x68: {  	s26 =	simm.s32 $0x4B00  }
0x69: {  	v4 =	vld [tilespmem:s26+$0x80];
	[tilespmem:s25+$0xFFFFFF80] =	vst v3  }
0x6a: {  	v3 =	vld [tilespmem:s29+$0xFFFFFF10];
	[tilespmem:s25+$0xFFFFFFD0] =	vst v1  }
0x6b: {  	[tilespmem:s25+$0x50] =	vst v0;
	v1 =	vld [tilespmem:s29+$0xFFFFFFA0]  }
0x6c: {  	[tilespmem:s25+$0x10] =	vst v2;
	v0 =	vld [tilespmem:s29+$0xA0]  }
0x6d: {  	s28 =	simm.s32 $0xB580;
	v2 =	vld [tilespmem:s29+$0x20]  }
0x6e: {  	v5 =	vld [tilespmem:s26+$0xFFFFFF80];
	[tilespmem:s28+$0x40] =	vst v4  }
0x6f: {  	v4 =	vld [tilespmem:s26+$0x90];
	[tilespmem:s25+$0xFFFFFF90] =	vst v3  }
0x70: {  	[tilespmem:s25+$0xFFFFFFE0] =	vst v1;
	v1 =	vld [tilespmem:s26+$0x0]  }
0x71: {  	v3 =	vld [tilespmem:s26+$0xFFFFFF00];
	[tilespmem:s25+$0x60] =	vst v0  }
0x72: {  	[tilespmem:s25+$0x20] =	vst v2;
	v2 =	vld [tilespmem:s29+$0xFFFFFF20]  }
0x73: {  	[tilespmem:s28+$0xFFFFFFC0] =	vst v5;
	v0 =	vld [tilespmem:s29+$0xB0]  }
0x74: {  	v5 =	vld [tilespmem:s26+$0xFFFFFF90];
	[tilespmem:s28+$0x50] =	vst v4  }
0x75: {  	[tilespmem:s28+$0x0] =	vst v1;
	v1 =	vld [tilespmem:s29+$0xFFFFFFB0]  }
0x76: {  	[tilespmem:s28+$0xFFFFFF80] =	vst v3;
	v6 =	vld [tilespmem:s26+$0x10]  }
0x77: {  	v7 =	vld [tilespmem:s26+$0xFFFFFF10];
	[tilespmem:s25+$0xFFFFFFA0] =	vst v2  }
0x78: {  	[tilespmem:s25+$0x70] =	vst v0;
	v0 =	vld [tilespmem:s29+$0xFFFFFF30]  }
0x79: {  	[tilespmem:s28+$0xFFFFFFD0] =	vst v5;
	v2 =	vld [tilespmem:s26+$0xA0]  }
0x7a: {  	v3 =	vld [tilespmem:s26+$0xFFFFFFA0];
	[tilespmem:s25+$0xFFFFFFF0] =	vst v1  }
0x7b: {  	v1 =	vld [tilespmem:s29+$0x30];
	[tilespmem:s28+$0x10] =	vst v6  }
0x7c: {  	s30 =	simm.s32 $0x4D00;
	[tilespmem:s28+$0xFFFFFF90] =	vst v7;
	s29 =	simm.s32 $0x4;
	v4 =	vld [tilespmem:s26+$0x20]  }
.LBB2_5:
0x7d: {  	v5 =	vld [tilespmem:s30+$0x80];
	s29 =	sadd.s32 $0x4, s29;
	[tilespmem:s25+$0xFFFFFFB0] =	vst v0  }
0x7e: {  	v0 =	vld [tilespmem:s30+$0xFFFFFF80];
	p1 =	slt.u32 s29, $0x8C;
	[tilespmem:s28+$0x60] =	vst v2  }
0x7f: {  	[tilespmem:s28+$0xFFFFFFE0] =	vst v3;
	v2 =	vld [tilespmem:s26+$0xB0]  }
0x80: {  	v3 =	vld [tilespmem:s30+$0x0];
	[tilespmem:s25+$0x30] =	vst v1;
	s25 =	smov.u32 s28  }
0x81: {  	s28 =	sadd.s32 $0x100, s28;
	v1 =	vld [tilespmem:s30+$0xFFFFFF00];
	[tilespmem:s25+$0x20] =	vst v4  }
0x82: {  	[tilespmem:s28+$0x40] =	vst v5;
	v4 =	vld [tilespmem:s26+$0xFFFFFF20]  }
0x83: {  	[tilespmem:s28+$0xFFFFFFC0] =	vst v0;
	v0 =	vld [tilespmem:s30+$0x90]  }
0x84: {  	v5 =	vld [tilespmem:s30+$0xFFFFFF90];
	[tilespmem:s25+$0x70] =	vst v2  }
0x85: {  	[tilespmem:s28+$0x0] =	vst v3;
	v6 =	vld [tilespmem:s26+$0xFFFFFFB0]  }
0x86: {  	[tilespmem:s28+$0xFFFFFF80] =	vst v1;
	v1 =	vld [tilespmem:s30+$0x10]  }
0x87: {  	v7 =	vld [tilespmem:s30+$0xFFFFFF10];
	[tilespmem:s25+$0xFFFFFFA0] =	vst v4  }
.Ltmp3:
0x88: {  	[tilespmem:s28+$0x50] =	vst v0;
	v0 =	vld [tilespmem:s26+$0xFFFFFF30];
	(pc) =	sbr.rel @p1 .LBB2_5-.Ltmp3, $4  }
0x89: {  	[tilespmem:s28+$0xFFFFFFD0] =	vst v5;
	v2 =	vld [tilespmem:s30+$0xA0]  }
0x8a: {  	v3 =	vld [tilespmem:s30+$0xFFFFFFA0];
	[tilespmem:s25+$0xFFFFFFF0] =	vst v6  }
0x8b: {  	[tilespmem:s28+$0x10] =	vst v1;
	v1 =	vld [tilespmem:s26+$0x30];
	s26 =	smov.u32 s30  }
0x8c: {  	s30 =	sadd.s32 $0x200, s30;
	[tilespmem:s28+$0xFFFFFF90] =	vst v7;
	v4 =	vld [tilespmem:s26+$0x20]  }
0x8d: {  	v5 =	vld [tilespmem:s26+$0xFFFFFF20];
	_ =	sdelay $0x1  }
0x8e: {  	[tilespmem:s28+$0x60] =	vst v2  }
0x8f: {  	[tilespmem:s28+$0xFFFFFFE0] =	vst v3;
	v2 =	vld [tilespmem:s26+$0xB0]  }
0x90: {  	v3 =	vld [tilespmem:s26+$0xFFFFFFB0];
	[tilespmem:s28+$0x20] =	vst v4  }
0x91: {  	[tilespmem:s28+$0xFFFFFFA0] =	vst v5;
	v63 =	vld [tilespmem:s26+$0x30]  }
0x92: {  	[tilespmem:s25+$0xFFFFFFB0] =	vst v0;
	v62 =	vld [tilespmem:s26+$0xFFFFFF30]  }
0x93: {  	p1 =	seq.s32 s23, $0x6B;
	[tilespmem:s25+$0x30] =	vst v1  }
0x94: {  	s25 =	sadd.s32 @!p1 s24, s9;
	[tilespmem:s28+$0x70] =	vst v2  }
0x95: {  	s25 =	sshll.u32 @!p1 s25, $0x7;
	[tilespmem:s28+$0xFFFFFFF0] =	vst v3  }
0x96: {  	s23 =	sadd.s32 $0x1, s23;
	s25 =	sand.u32 @!p1 $0x1FFFFF00, s25;
	[tilespmem:s28+$0x30] =	vst v63  }
0x97: {  	s25 =	sadd.s32 @!p1 s3, s25;
	s26 =	simm.s32 @!p1 $0x0;
	[tilespmem:s28+$0xFFFFFFB0] =	vst v62;
	s28 =	simm.s32 @!p1 $0x4800  }
0x98: {  	[tilespmem:s28], [sflag:$0x2] =	stream.linear.gather @!p1 [hbm4b:s25+s26], $0x4800, $0x38;
	[tilespmem:$0xD800] =	vst v63  }
0x99: {  	p1 =	sne.s32 s23, $0x6C  }
.Ltmp4:
0x9a: {  	s31 =	sadd.s32 s24, s10;
	(pc) =	sbr.rel @p1 .LBB2_2-.Ltmp4, $4  }
0x9b: {  	s24 =	sshll.u32 s31, $0x6  }
0x9c: {  	s24 =	sand.u32 $0x1FFFFF80, s24  }
0x9d: {  	s24 =	sadd.s32 s4, s24  }
0x9e: {  	[hbm4b:s24+s2] =	stream.linear.scatter [tilespmem:s19], [sflag:$0x4], $0x2400, $0x38;
	[tilespmem:$0xD800] =	vst v63  }
0x9f: {  	_ =	swait.ge [sflag:s16], $0x4800  }
0xa0: {  	[sflag:s16] =	ssyncset.done $0x0  }
0xa1: {  	[sflag:s16] =	ssyncadd.s32 $0xFFFFB800  }
0xa2: {  	_ =	swait.ge [sflag:s20], $0x2400  }
0xa3: {  	[sflag:s20] =	ssyncset.done $0x0  }
0xa4: {  	s26 =	simm.s32 $0x100;
	[sflag:s20] =	ssyncadd.s32 $0xFFFFDC00  }
0xa5: {  	v1 =	vld [tilespmem:s26+$0xFFFFFF80]  }
0xa6: {  	v0 =	vld [tilespmem:s26+$0x80]  }
0xa7: {  	v2 =	vld [tilespmem:s26+$0x0];
	_ =	sdelay $0x1  }
0xa8: {  	s23 =	simm.s32 $0x9080  }
0xa9: {  	v3 =	vld [tilespmem:s26+$0xFFFFFF00];
	[tilespmem:s23+$0xFFFFFFC0] =	vst v1  }
0xaa: {  	[tilespmem:s23+$0x40] =	vst v0;
	v1 =	vld [tilespmem:s26+$0xFFFFFF90]  }
0xab: {  	[tilespmem:s23+$0x0] =	vst v2;
	v0 =	vld [tilespmem:s26+$0x90]  }
0xac: {  	v2 =	vld [tilespmem:s26+$0x10]  }
0xad: {  	s24 =	simm.s32 $0x300  }
0xae: {  	v4 =	vld [tilespmem:s24+$0x80];
	[tilespmem:s23+$0xFFFFFF80] =	vst v3  }
0xaf: {  	v3 =	vld [tilespmem:s26+$0xFFFFFF10];
	[tilespmem:s23+$0xFFFFFFD0] =	vst v1  }
0xb0: {  	[tilespmem:s23+$0x50] =	vst v0;
	v1 =	vld [tilespmem:s26+$0xFFFFFFA0]  }
0xb1: {  	[tilespmem:s23+$0x10] =	vst v2;
	v0 =	vld [tilespmem:s26+$0xA0]  }
0xb2: {  	s25 =	simm.s32 $0x9180;
	v2 =	vld [tilespmem:s26+$0x20]  }
0xb3: {  	v5 =	vld [tilespmem:s24+$0xFFFFFF80];
	[tilespmem:s25+$0x40] =	vst v4  }
0xb4: {  	v4 =	vld [tilespmem:s24+$0x90];
	[tilespmem:s23+$0xFFFFFF90] =	vst v3  }
0xb5: {  	[tilespmem:s23+$0xFFFFFFE0] =	vst v1;
	v1 =	vld [tilespmem:s24+$0x0]  }
0xb6: {  	v3 =	vld [tilespmem:s24+$0xFFFFFF00];
	[tilespmem:s23+$0x60] =	vst v0  }
0xb7: {  	[tilespmem:s23+$0x20] =	vst v2;
	v2 =	vld [tilespmem:s26+$0xFFFFFF20]  }
0xb8: {  	[tilespmem:s25+$0xFFFFFFC0] =	vst v5;
	v0 =	vld [tilespmem:s26+$0xB0]  }
0xb9: {  	v5 =	vld [tilespmem:s24+$0xFFFFFF90];
	[tilespmem:s25+$0x50] =	vst v4  }
0xba: {  	[tilespmem:s25+$0x0] =	vst v1;
	v1 =	vld [tilespmem:s26+$0xFFFFFFB0]  }
0xbb: {  	[tilespmem:s25+$0xFFFFFF80] =	vst v3;
	v6 =	vld [tilespmem:s24+$0x10]  }
0xbc: {  	v7 =	vld [tilespmem:s24+$0xFFFFFF10];
	[tilespmem:s23+$0xFFFFFFA0] =	vst v2  }
0xbd: {  	[tilespmem:s23+$0x70] =	vst v0;
	v0 =	vld [tilespmem:s26+$0xFFFFFF30]  }
0xbe: {  	[tilespmem:s25+$0xFFFFFFD0] =	vst v5;
	v2 =	vld [tilespmem:s24+$0xA0]  }
0xbf: {  	v3 =	vld [tilespmem:s24+$0xFFFFFFA0];
	[tilespmem:s23+$0xFFFFFFF0] =	vst v1  }
0xc0: {  	v1 =	vld [tilespmem:s26+$0x30];
	[tilespmem:s25+$0x10] =	vst v6  }
0xc1: {  	s28 =	simm.s32 $0x500;
	[tilespmem:s25+$0xFFFFFF90] =	vst v7;
	s26 =	simm.s32 $0x4;
	v4 =	vld [tilespmem:s24+$0x20]  }
.LBB2_8:
0xc2: {  	v5 =	vld [tilespmem:s28+$0x80];
	s26 =	sadd.s32 $0x4, s26;
	[tilespmem:s23+$0xFFFFFFB0] =	vst v0  }
0xc3: {  	v0 =	vld [tilespmem:s28+$0xFFFFFF80];
	p1 =	slt.u32 s26, $0x8C;
	[tilespmem:s25+$0x60] =	vst v2  }
0xc4: {  	[tilespmem:s25+$0xFFFFFFE0] =	vst v3;
	v2 =	vld [tilespmem:s24+$0xB0]  }
0xc5: {  	v3 =	vld [tilespmem:s28+$0x0];
	[tilespmem:s23+$0x30] =	vst v1;
	s23 =	smov.u32 s25  }
0xc6: {  	s25 =	sadd.s32 $0x100, s25;
	v1 =	vld [tilespmem:s28+$0xFFFFFF00];
	[tilespmem:s23+$0x20] =	vst v4  }
0xc7: {  	[tilespmem:s25+$0x40] =	vst v5;
	v4 =	vld [tilespmem:s24+$0xFFFFFF20]  }
0xc8: {  	[tilespmem:s25+$0xFFFFFFC0] =	vst v0;
	v0 =	vld [tilespmem:s28+$0x90]  }
0xc9: {  	v5 =	vld [tilespmem:s28+$0xFFFFFF90];
	[tilespmem:s23+$0x70] =	vst v2  }
0xca: {  	[tilespmem:s25+$0x0] =	vst v3;
	v6 =	vld [tilespmem:s24+$0xFFFFFFB0]  }
0xcb: {  	[tilespmem:s25+$0xFFFFFF80] =	vst v1;
	v1 =	vld [tilespmem:s28+$0x10]  }
0xcc: {  	v7 =	vld [tilespmem:s28+$0xFFFFFF10];
	[tilespmem:s23+$0xFFFFFFA0] =	vst v4  }
.Ltmp5:
0xcd: {  	[tilespmem:s25+$0x50] =	vst v0;
	v0 =	vld [tilespmem:s24+$0xFFFFFF30];
	(pc) =	sbr.rel @p1 .LBB2_8-.Ltmp5, $4  }
0xce: {  	[tilespmem:s25+$0xFFFFFFD0] =	vst v5;
	v2 =	vld [tilespmem:s28+$0xA0]  }
0xcf: {  	v3 =	vld [tilespmem:s28+$0xFFFFFFA0];
	[tilespmem:s23+$0xFFFFFFF0] =	vst v6  }
0xd0: {  	[tilespmem:s25+$0x10] =	vst v1;
	v1 =	vld [tilespmem:s24+$0x30];
	s24 =	smov.u32 s28  }
0xd1: {  	s28 =	sadd.s32 $0x200, s28;
	[tilespmem:s25+$0xFFFFFF90] =	vst v7;
	v4 =	vld [tilespmem:s24+$0x20]  }
0xd2: {  	v5 =	vld [tilespmem:s24+$0xFFFFFF20];
	_ =	sdelay $0x1  }
0xd3: {  	[tilespmem:s25+$0x60] =	vst v2  }
0xd4: {  	[tilespmem:s25+$0xFFFFFFE0] =	vst v3;
	v2 =	vld [tilespmem:s24+$0xB0]  }
0xd5: {  	v3 =	vld [tilespmem:s24+$0xFFFFFFB0];
	[tilespmem:s25+$0x20] =	vst v4  }
0xd6: {  	[tilespmem:s25+$0xFFFFFFA0] =	vst v5;
	v63 =	vld [tilespmem:s24+$0x30]  }
0xd7: {  	[tilespmem:s23+$0xFFFFFFB0] =	vst v0;
	v62 =	vld [tilespmem:s24+$0xFFFFFF30]  }
0xd8: {  	[tilespmem:s23+$0x30] =	vst v1  }
0xd9: {  	[tilespmem:s25+$0x70] =	vst v2  }
0xda: {  	[tilespmem:s25+$0xFFFFFFF0] =	vst v3  }
0xdb: {  	[tilespmem:s25+$0x30] =	vst v63  }
0xdc: {  	[tilespmem:s25+$0xFFFFFFB0] =	vst v62  }
0xdd: {  	[hbm4b:s11+s2] =	stream.linear.scatter [tilespmem:s17], [sflag:$0x3], $0x2400, $0x38;
	[tilespmem:$0xD800] =	vst v63  }
0xde: {  	_ =	swait.ge [sflag:s20], $0x2400  }
.Ltmp6:
0xdf: {  	[sflag:s20] =	ssyncset.done $0x0;
	(pc) =	sbr.rel @p0 .LBB2_13-.Ltmp6, $4  }
0xe0: {  	[sflag:s20] =	ssyncadd.s32 $0xFFFFDC00  }
0xe1: {  	_ =	swait.ge [sflag:s21], $0x2400  }
0xe2: {  	[sflag:s21] =	ssyncset.done $0x0  }
0xe3: {  	[sflag:s21] =	ssyncadd.s32 $0xFFFFDC00  }
0xe4: {  	[tilespmem:s2], [sflag:$0x1] =	stream.linear.gather [hbm4b:s12+s2], $0x2000, $0x38;
	[tilespmem:$0xD800] =	vst v63  }
0xe5: {  	_ =	swait.ge [sflag:s16], $0x2000  }
0xe6: {  	[sflag:s16] =	ssyncset.done $0x0  }
0xe7: {  	s26 =	simm.s32 $0x100;
	[sflag:s16] =	ssyncadd.s32 $0xFFFFE000  }
0xe8: {  	v1 =	vld [tilespmem:s26+$0xFFFFFF80]  }
0xe9: {  	v0 =	vld [tilespmem:s26+$0x80]  }
0xea: {  	v2 =	vld [tilespmem:s26+$0x0];
	_ =	sdelay $0x1  }
0xeb: {  	s23 =	simm.s32 $0x9080  }
0xec: {  	v3 =	vld [tilespmem:s26+$0xFFFFFF00];
	[tilespmem:s23+$0xFFFFFFC0] =	vst v1  }
0xed: {  	[tilespmem:s23+$0x40] =	vst v0;
	v1 =	vld [tilespmem:s26+$0xFFFFFF90]  }
0xee: {  	[tilespmem:s23+$0x0] =	vst v2;
	v0 =	vld [tilespmem:s26+$0x90]  }
0xef: {  	v2 =	vld [tilespmem:s26+$0x10]  }
0xf0: {  	s24 =	simm.s32 $0x300  }
0xf1: {  	v4 =	vld [tilespmem:s24+$0x80];
	[tilespmem:s23+$0xFFFFFF80] =	vst v3  }
0xf2: {  	v3 =	vld [tilespmem:s26+$0xFFFFFF10];
	[tilespmem:s23+$0xFFFFFFD0] =	vst v1  }
0xf3: {  	[tilespmem:s23+$0x50] =	vst v0;
	v1 =	vld [tilespmem:s26+$0xFFFFFFA0]  }
0xf4: {  	[tilespmem:s23+$0x10] =	vst v2;
	v0 =	vld [tilespmem:s26+$0xA0]  }
0xf5: {  	s25 =	simm.s32 $0x9180;
	v2 =	vld [tilespmem:s26+$0x20]  }
0xf6: {  	v5 =	vld [tilespmem:s24+$0xFFFFFF80];
	[tilespmem:s25+$0x40] =	vst v4  }
0xf7: {  	v4 =	vld [tilespmem:s24+$0x90];
	[tilespmem:s23+$0xFFFFFF90] =	vst v3  }
0xf8: {  	[tilespmem:s23+$0xFFFFFFE0] =	vst v1;
	v1 =	vld [tilespmem:s24+$0x0]  }
0xf9: {  	v3 =	vld [tilespmem:s24+$0xFFFFFF00];
	[tilespmem:s23+$0x60] =	vst v0  }
0xfa: {  	[tilespmem:s23+$0x20] =	vst v2;
	v2 =	vld [tilespmem:s26+$0xFFFFFF20]  }
0xfb: {  	[tilespmem:s25+$0xFFFFFFC0] =	vst v5;
	v0 =	vld [tilespmem:s26+$0xB0]  }
0xfc: {  	v5 =	vld [tilespmem:s24+$0xFFFFFF90];
	[tilespmem:s25+$0x50] =	vst v4  }
0xfd: {  	[tilespmem:s25+$0x0] =	vst v1;
	v1 =	vld [tilespmem:s26+$0xFFFFFFB0]  }
0xfe: {  	[tilespmem:s25+$0xFFFFFF80] =	vst v3;
	v6 =	vld [tilespmem:s24+$0x10]  }
0xff: {  	v7 =	vld [tilespmem:s24+$0xFFFFFF10];
	[tilespmem:s23+$0xFFFFFFA0] =	vst v2  }
0x100: {  	[tilespmem:s23+$0x70] =	vst v0;
	v0 =	vld [tilespmem:s26+$0xFFFFFF30]  }
0x101: {  	[tilespmem:s25+$0xFFFFFFD0] =	vst v5;
	v2 =	vld [tilespmem:s24+$0xA0]  }
0x102: {  	v3 =	vld [tilespmem:s24+$0xFFFFFFA0];
	[tilespmem:s23+$0xFFFFFFF0] =	vst v1  }
0x103: {  	v1 =	vld [tilespmem:s26+$0x30];
	[tilespmem:s25+$0x10] =	vst v6  }
0x104: {  	s28 =	simm.s32 $0x500;
	[tilespmem:s25+$0xFFFFFF90] =	vst v7;
	s26 =	simm.s32 $0x4;
	v4 =	vld [tilespmem:s24+$0x20]  }
.LBB2_11:
0x105: {  	v5 =	vld [tilespmem:s28+$0x80];
	s26 =	sadd.s32 $0x4, s26;
	[tilespmem:s23+$0xFFFFFFB0] =	vst v0  }
0x106: {  	v0 =	vld [tilespmem:s28+$0xFFFFFF80];
	p1 =	slt.u32 s26, $0x3C;
	[tilespmem:s25+$0x60] =	vst v2  }
0x107: {  	[tilespmem:s25+$0xFFFFFFE0] =	vst v3;
	v2 =	vld [tilespmem:s24+$0xB0]  }
0x108: {  	v3 =	vld [tilespmem:s28+$0x0];
	[tilespmem:s23+$0x30] =	vst v1;
	s23 =	smov.u32 s25  }
0x109: {  	s25 =	sadd.s32 $0x100, s25;
	v1 =	vld [tilespmem:s28+$0xFFFFFF00];
	[tilespmem:s23+$0x20] =	vst v4  }
0x10a: {  	[tilespmem:s25+$0x40] =	vst v5;
	v4 =	vld [tilespmem:s24+$0xFFFFFF20]  }
0x10b: {  	[tilespmem:s25+$0xFFFFFFC0] =	vst v0;
	v0 =	vld [tilespmem:s28+$0x90]  }
0x10c: {  	v5 =	vld [tilespmem:s28+$0xFFFFFF90];
	[tilespmem:s23+$0x70] =	vst v2  }
0x10d: {  	[tilespmem:s25+$0x0] =	vst v3;
	v6 =	vld [tilespmem:s24+$0xFFFFFFB0]  }
0x10e: {  	[tilespmem:s25+$0xFFFFFF80] =	vst v1;
	v1 =	vld [tilespmem:s28+$0x10]  }
0x10f: {  	v7 =	vld [tilespmem:s28+$0xFFFFFF10];
	[tilespmem:s23+$0xFFFFFFA0] =	vst v4  }
.Ltmp7:
0x110: {  	[tilespmem:s25+$0x50] =	vst v0;
	v0 =	vld [tilespmem:s24+$0xFFFFFF30];
	(pc) =	sbr.rel @p1 .LBB2_11-.Ltmp7, $4  }
0x111: {  	[tilespmem:s25+$0xFFFFFFD0] =	vst v5;
	v2 =	vld [tilespmem:s28+$0xA0]  }
0x112: {  	v3 =	vld [tilespmem:s28+$0xFFFFFFA0];
	[tilespmem:s23+$0xFFFFFFF0] =	vst v6  }
0x113: {  	[tilespmem:s25+$0x10] =	vst v1;
	v1 =	vld [tilespmem:s24+$0x30];
	s24 =	smov.u32 s28  }
0x114: {  	s28 =	sadd.s32 $0x200, s28;
	[tilespmem:s25+$0xFFFFFF90] =	vst v7;
	v4 =	vld [tilespmem:s24+$0x20]  }
0x115: {  	v5 =	vld [tilespmem:s24+$0xFFFFFF20];
	_ =	sdelay $0x1  }
0x116: {  	[tilespmem:s25+$0x60] =	vst v2  }
0x117: {  	[tilespmem:s25+$0xFFFFFFE0] =	vst v3;
	v2 =	vld [tilespmem:s24+$0xB0]  }
0x118: {  	v3 =	vld [tilespmem:s24+$0xFFFFFFB0];
	[tilespmem:s25+$0x20] =	vst v4  }
0x119: {  	[tilespmem:s25+$0xFFFFFFA0] =	vst v5;
	v63 =	vld [tilespmem:s24+$0x30]  }
0x11a: {  	[tilespmem:s23+$0xFFFFFFB0] =	vst v0;
	v62 =	vld [tilespmem:s24+$0xFFFFFF30]  }
0x11b: {  	[tilespmem:s23+$0x30] =	vst v1  }
0x11c: {  	[tilespmem:s25+$0x70] =	vst v2  }
0x11d: {  	[tilespmem:s25+$0xFFFFFFF0] =	vst v3  }
0x11e: {  	[tilespmem:s25+$0x30] =	vst v63  }
.Ltmp8:
0x11f: {  	[tilespmem:s25+$0xFFFFFFB0] =	vst v62;
	(pc) =	sbr.rel .LBB2_13-.Ltmp8, $4  }
0x120: {  	[hbm4b:s13+s2] =	stream.linear.scatter [tilespmem:s17], [sflag:$0x3], $0x1000, $0x38;
	[tilespmem:$0xD800] =	vst v63  }
0x121: {  	_ =	swait.ge [sflag:s20], $0x1000  }
0x122: {  	[sflag:s20] =	ssyncset.done $0x0  }
0x123: {  	[sflag:s20] =	ssyncadd.s32 $0xFFFFF000  }
.LBB2_14:
0x124: {  	_ =	sfence.sel $0x180000  }
0x125: {  	[bflag:$0x0] =	sbarrier.arrive $0xFFFF  }
0x126: {  	p0 =	sne.s32 s1, $0x0;
	_ =	strace $0x90000047  }
0x127: {  	s0 =	sadd.s32 @!p0 $0x100000, s0;
	[bflag:$0x2] =	sbarrier.arrive $0xFFFF  }
0x128: {  	[sflag:s0] =	ssyncadd.tile.s32 @!p0 $0x1;
	_ =	shalt  }
.Lfunc_end2:
_tile_overlayer_lowered:
.L_overlay_start_2:
0x129: {  	(tag) =	ssettag $0x2  }
0x12a: {  	s0 =	rddreg [dreg:$0x0];
	s2 =	stileid.u32  }
0x12b: {  	s1 =	rddreg [dreg:$0x1];
	p0 =	sne.s32 s2, $0x0  }
0x12c: {  	s3 =	rddreg [dreg:$0x2];
	[bflag:$0x3] =	sbarrier.arrive $0xFFFF;
	s2 =	simm.s32 @!p0 $0x1C05  }
0x12d: {  	[timem:s3], [sflag:s2] =	dma.local @!p0 [hbm:s0], s1  }
0x12e: {  	s0 =	simm.s32 @!p0 $0x5  }
0x12f: {  	_ =	swait.ge @!p0 [sflag:s0], s1  }
0x130: {  	s1 =	ssub.s32 @!p0 $0x0, s1;
	[sflag:s0] =	ssyncset.done @!p0 $0x0  }
0x131: {  	[sflag:s0] =	ssyncadd.s32 @!p0 s1  }
0x132: {  	[bflag:$0x3] =	sbarrier.arrive $0xFFFF  }
0x133: {  	_ =	shalt  }

// kernel: kernel.7.cloned.1.call-start
scs
__scs_entry_jumppad:
0x0: {  	(pc) =	sbr.rel $0x88, $3  }
0x1: {  	(tag) =	ssettag $0x0;
	lr =	simm.s32 $0x1  }
0x2: {  	[smem:$0x3F9F] =	sst lr;
	_ =	strace $0xD0000000  }
0x3: {  	_ = 	snop  }
0x4: {  	_ = 	snop  }
0x5: {  	_ = 	snop  }
0x6: {  	_ = 	snop  }
0x7: {  	_ = 	snop  }
__scs_overlays_trampoline_lowered:
0x8: {  	[smem:$0x3FAE] =	sst s0  }
0x9: {  	[smem:$0x3FAF] =	sst s1  }
0xa: {  	[smem:$0x3FB0] =	sst s2  }
0xb: {  	[smem:$0x3FB1] =	sst s3  }
0xc: {  	[smem:$0x3FB2] =	sst s4  }
0xd: {  	[smem:$0x3FB3] =	sst s5  }
0xe: {  	[smem:$0x3FB4] =	sst s6  }
0xf: {  	[smem:$0x3FB5] =	sst s7  }
0x10: {  	[smem:$0x3FB6] =	sst s8  }
0x11: {  	[smem:$0x3FB7] =	sst s9;
	s0 =	simm.s32 @!p0 $0x0  }
0x12: {  	s1 =	sld [smem:$0x3F9D];
	s0 =	simm.s32 @p0 $0x1  }
0x13: {  	[smem:$0x3FB8] =	sst s0;
	s0 =	simm.s32 @!p1 $0x0  }
0x14: {  	s2 =	sld [smem:$0x3F9C];
	s0 =	simm.s32 @p1 $0x1  }
0x15: {  	[smem:$0x3FB9] =	sst s0;
	s0 =	simm.s32 @!p2 $0x0  }
0x16: {  	s3 =	sld [smem:$0x3FDB];
	s0 =	simm.s32 @p2 $0x1  }
0x17: {  	s4 =	simm.s32 $0x1BF5;
	[smem:$0x3FBB] =	sst s0  }
0x18: {  	s0 =	sld [smem:$0x3F9E];
	_ =	swait.ge [sflag:s4], $0x0  }
0x19: {  	s7 =	sld [smem:$0x3F9F]  }
0x1a: {  	s8 =	sadd.s32 $0xFFFFE003, lr  }
0x1b: {  	s9 =	sadd.s32 $0xFFFFFEF7, lr;
	s5 =	simm.s32 $0xFFFFFFFF;
	p2 =	slt.u32 s8, $0xFFFFF086  }
0x1c: {  	p1 =	slt.u32 s9, $0xF7A;
	s5 =	simm.s32 @!p2 $0x0  }
0x1d: {  	s5 =	simm.s32 @p1 $0x1;
	p0 =	seq.s32 s7, s2  }
0x1e: {  	s7 =	smul.u32 @!p0 $0xF7A, s2;
	p2 =	seq.s32 @!p0 s5, $0x0  }
0x1f: {  	s9 =	smul.u32 $0xF7A, s1;
	s8 =	simm.s32 @!p0 $0x1BF5;
	p2 =	por !p2, p0  }
0x20: {  	[sflag:s8] =	ssyncset.s32 @!p0 $0xFFFFF086;
	s6 =	sadd.s32 @!p0 s3, s7;
	s7 =	simm.s32 @!p0 $0x108  }
0x21: {  	s3 =	sadd.s32 s3, s9;
	s6 =	sadd.s32 @!p0 $0x88, s6;
	s7 =	simm.s32 @p2 $0x1082  }
0x22: {  	[simem:s7], [sflag:s8] =	dma.local @!p0 [hbm:s6], $0xF7A  }
0x23: {  	s9 =	sor.u32 $0xD0000000, s2;
	s6 =	simm.s32 $0x108;
	_ =	swait.ge @!p0 [sflag:s8], $0x0  }
0x24: {  	s3 =	sadd.s32 $0x88, s3;
	s6 =	simm.s32 @!p1 $0x1082;
	[sflag:s4] =	ssyncset.s32 $0xFFFFF086  }
0x25: {  	[simem:s6], [sflag:s4] =	dma.local [hbm:s3], $0xF7A  }
0x26: {  	[smem:$0x3F9F] =	sst s1;
	(tag) =	ssettag s2;
	_ =	strace s9  }
0x27: {  	s1 =	sld [smem:$0x3FAF]  }
0x28: {  	s2 =	sld [smem:$0x3FB0]  }
0x29: {  	s4 =	sld [smem:$0x3FB2]  }
0x2a: {  	p0 =	seq.s32 s5, $0x0;
	s5 =	sld [smem:$0x3FB3]  }
0x2b: {  	s6 =	sld [smem:$0x3FB4]  }
0x2c: {  	s7 =	sld [smem:$0x3FB5]  }
0x2d: {  	s3 =	simm.s32 $0x108;
	s8 =	sld [smem:$0x3FB6]  }
0x2e: {  	s3 =	simm.s32 @!p0 $0x1082;
	s9 =	sld [smem:$0x3FB7]  }
0x2f: {  	lr =	sadd.s32 s0, s3;
	s0 =	sld [smem:$0x3FAE]  }
0x30: {  	s3 =	sld [smem:$0x3FB1]  }
0x31: {  	[smem:$0x3FBA] =	sst s10  }
0x32: {  	s10 =	sld [smem:$0x3FB8];
	_ =	sdelay $0x3  }
0x33: {  	p0 =	seq.s32 s10, $0x1;
	s10 =	sld [smem:$0x3FBA];
	_ =	sdelay $0x3  }
0x34: {  	[smem:$0x3FBA] =	sst s10  }
0x35: {  	s10 =	sld [smem:$0x3FB9];
	_ =	sdelay $0x3  }
0x36: {  	p1 =	seq.s32 s10, $0x1;
	s10 =	sld [smem:$0x3FBA];
	_ =	sdelay $0x3  }
0x37: {  	[smem:$0x3FBA] =	sst s10  }
0x38: {  	s10 =	sld [smem:$0x3FBB]  }
0x39: {  	_ = 	snop;
	(pc) =	sbr.ind lr, $3  }
0x3a: {  	_ = 	snop  }
0x3b: {  	_ = 	snop  }
0x3c: {  	p2 =	seq.s32 s10, $0x1;
	s10 =	sld [smem:$0x3FBA]  }
0x3d: {  	_ =	shalt  }
0x3e: {  	_ =	shalt  }
0x3f: {  	_ =	shalt  }
0x40: {  	_ =	shalt  }
0x41: {  	_ =	shalt  }
0x42: {  	_ =	shalt  }
0x43: {  	_ =	shalt  }
0x44: {  	_ =	shalt  }
0x45: {  	_ =	shalt  }
0x46: {  	_ =	shalt  }
0x47: {  	_ =	shalt  }
0x48: {  	_ =	shalt  }
0x49: {  	_ =	shalt  }
0x4a: {  	_ =	shalt  }
0x4b: {  	_ =	shalt  }
0x4c: {  	_ =	shalt  }
0x4d: {  	_ =	shalt  }
0x4e: {  	_ =	shalt  }
0x4f: {  	_ =	shalt  }
0x50: {  	_ =	shalt  }
0x51: {  	_ =	shalt  }
0x52: {  	_ =	shalt  }
0x53: {  	_ =	shalt  }
0x54: {  	_ =	shalt  }
0x55: {  	_ =	shalt  }
0x56: {  	_ =	shalt  }
0x57: {  	_ =	shalt  }
0x58: {  	_ =	shalt  }
0x59: {  	_ =	shalt  }
0x5a: {  	_ =	shalt  }
0x5b: {  	_ =	shalt  }
0x5c: {  	_ =	shalt  }
0x5d: {  	_ =	shalt  }
0x5e: {  	_ =	shalt  }
0x5f: {  	_ =	shalt  }
0x60: {  	_ =	shalt  }
0x61: {  	_ =	shalt  }
0x62: {  	_ =	shalt  }
0x63: {  	_ =	shalt  }
0x64: {  	_ =	shalt  }
0x65: {  	_ =	shalt  }
0x66: {  	_ =	shalt  }
0x67: {  	_ =	shalt  }
0x68: {  	_ =	shalt  }
0x69: {  	_ =	shalt  }
0x6a: {  	_ =	shalt  }
0x6b: {  	_ =	shalt  }
0x6c: {  	_ =	shalt  }
0x6d: {  	_ =	shalt  }
0x6e: {  	_ =	shalt  }
0x6f: {  	_ =	shalt  }
0x70: {  	_ =	shalt  }
0x71: {  	_ =	shalt  }
0x72: {  	_ =	shalt  }
0x73: {  	_ =	shalt  }
0x74: {  	_ =	shalt  }
0x75: {  	_ =	shalt  }
0x76: {  	_ =	shalt  }
0x77: {  	_ =	shalt  }
0x78: {  	_ =	shalt  }
0x79: {  	_ =	shalt  }
0x7a: {  	_ =	shalt  }
0x7b: {  	_ =	shalt  }
0x7c: {  	_ =	shalt  }
0x7d: {  	_ =	shalt  }
0x7e: {  	_ =	shalt  }
0x7f: {  	_ =	shalt  }
0x80: {  	_ =	shalt  }
0x81: {  	_ =	shalt  }
0x82: {  	_ =	shalt  }
0x83: {  	_ =	shalt  }
0x84: {  	_ =	shalt  }
0x85: {  	_ =	shalt  }
0x86: {  	_ =	shalt  }
0x87: {  	_ =	shalt  }
.Lfunc_end0:
.L_simem_size_0:
called_computation.1_lowered:
.L_overlay_start_0:
0x88: {  	s2 =	sld [smem:$0x3FD9]  }
0x89: {  	s3 =	sld [smem:$0x3FFE];
	_ =	sdelay $0x1  }
0x8a: {  	s1 =	srdreg.scid  }
0x8b: {  	s0 =	sand.u32 $0x1, s1  }
0x8c: {  	s17 =	sshll.u32 s0, $0xA;
	s2 =	sadd.s32 s3, s2  }
0x8d: {  	s2 =	sadd.s32 s2, s17  }
0x8e: {  	[smem:$0x3FC6] =	sst s2  }
0x8f: {  	_ = 	snop  }
0x90: {  	s2 =	sld [smem:$0x3FD0];
	(tm) =	ssettm $0x1  }
0x91: {  	s18 =	sld [smem:$0x3FFB];
	_ =	sdelay $0x3  }
0x92: {  	_ =	strace s18  }
0x93: {  	s3 =	sld [smem:$0x3FFC];
	_ =	sdelay $0x3  }
0x94: {  	_ =	strace s3  }
0x95: {  	s3 =	sld [smem:$0x3FFD];
	_ =	sdelay $0x3  }
0x96: {  	_ =	strace s3  }
0x97: {  	_ =	strace $0x8FFFFFFF  }
0x98: {  	s19 =	sld [smem:$0x3FDB];
	_ =	sdelay $0x1  }
0x99: {  	s4 =	simm.s32 $_scs_section_size  }
0x9a: {  	s5 =	simm.s32 $_size__tile_overlayer_lowered;
	s6 =	simm.s32 $_tile_overlayer_lowered  }
0x9b: {  	s22 =	simm.s32 $0x1BFF;
	s21 =	sshll.u32 s6, $0x1;
	s3 =	sadd.s32 s4, s19  }
0x9c: {  	s7 =	simm.s32 $0x0;
	s20 =	sshll.u32 s5, $0x1;
	s5 =	sadd.s32 s21, s3  }
0x9d: {  	[timem:s7], [sflag:s22] =	dma.local [hbm:s5], s20  }
0x9e: {  	_ =	swait.ge [sflag:s22], s20  }
0x9f: {  	s4 =	ssub.s32 $0x0, s20;
	[sflag:s22] =	ssyncset.done $0x0  }
0xa0: {  	[sflag:s22] =	ssyncadd.s32 s4;
	_ =	sdelay $0x1  }
0xa1: {  	s23 =	simm.s32 $0x1B8B  }
0xa2: {  	_ =	swait.ge [sflag:s23], $0x1  }
0xa3: {  	[sflag:s23] =	ssyncset.done $0x0  }
0xa4: {  	s25 =	simm.s32 $0x1B8E;
	s24 =	sld [smem:$0x3FFE];
	[sflag:s23] =	ssyncadd.s32 $0xFFFFFFFF  }
0xa5: {  	s26 =	simm.s32 $execute0_lowered;
	[smem:$0x3FD2] =	sst s25  }
0xa6: {  	s5 =	sshll.u32 s26, $0x1;
	_ =	strace $0x80000049;
	[dreg:$0x1] =	wrdreg $0xFFFFFFFF  }
0xa7: {  	s28 =	simm.s32 $_size_execute0_lowered;
	s3 =	sadd.s32 s3, s5;
	[dreg:$0x0] =	wrdreg $0x0  }
0xa8: {  	s5 =	sshll.u32 s28, $0x1;
	[dreg:$0x2] =	wrdreg s3  }
0xa9: {  	[dreg:$0x3] =	wrdreg s5  }
0xaa: {  	[dreg:$0x4] =	wrdreg $0xC0  }
0xab: {  	_ =	task [dreg:s7], $0x5FFFF  }
0xac: {  	[dreg:$0x1] =	wrdreg $0xFFFFFFFF  }
0xad: {  	[dreg:$0x0] =	wrdreg $0x60  }
0xae: {  	[dreg:$0x2] =	wrdreg s24  }
0xaf: {  	[dreg:$0x3] =	wrdreg s2  }
0xb0: {  	[dreg:$0x4] =	wrdreg $0x9  }
0xb1: {  	_ =	task.clear_ibuf [dreg:s7], $0x5FFFF;
	_ =	strace $0x90000049  }
0xb2: {  	s29 =	simm.s32 $0x9;
	_ =	strace $0x8000004B  }
0xb3: {  	_ =	swait.ge [sflag:s29], $0x1  }
0xb4: {  	[sflag:s29] =	ssyncadd.s32 $0xFFFFFFFF  }
0xb5: {  	_ =	strace $0x9000004B  }
0xb6: {  	_ =	sfence  }
0xb7: {  	s30 =	sld [smem:$0x0];
	_ =	sdelay $0x2  }
0xb8: {  	s31 =	sshll.u32 s1, $0xD;
	s1 =	sshrl.u32 s1, $0x2  }
0xb9: {  	s3 =	sand.u32 $0x4000, s31;
	s1 =	sadd.s32 s1, s30  }
0xba: {  	s0 =	sor.u32 s3, s0;
	s1 =	sshll.u32 s1, $0x11  }
0xbb: {  	s0 =	sor.u32 s1, s0  }
0xbc: {  	s0 =	sadd.s32 $0x8F2B, s0  }
0xbd: {  	[sflag:s0] =	ssyncadd.remote.s32 $0x1  }
0xbe: {  	_ =	sfence.sel $0xFFFF  }
0xbf: {  	[dreg:$0x0] =	wrdreg $0xFFFFFFFF;
	(pc) =	sbr.abs _section_cstart, $3  }
0xc0: {  	[dreg:$0x1] =	wrdreg $0xFFFFFFFF  }
0xc1: {  	_ =	task.clear_ibuf [dreg:s7], $0x2FFFF;
	_ =	strace $0x9FFFFFFF  }
0xc2: {  	(tm) =	ssettm $0x7FFFFFFF  }
0xc3: {  	_ =	shalt  }
tec
execute0_lowered:
.L_overlay_start_1:
0x0: {  	(tag) =	ssettag $0x1  }
0x1: {  	s0 =	srdreg.scid  }
0x2: {  	s2 =	stileid.u32;
	s1 =	rddreg [dreg:$0x0]  }
0x3: {  	s23 =	simm.s32 $0x1;
	s24 =	simm.s32 $0x13A00;
	s19 =	simm.s32 $0x2  }
0x4: {  	s20 =	simm.s32 $0x15C00;
	s28 =	simm.s32 $0x17AD0;
	s29 =	simm.s32 $0x17B58  }
0x5: {  	s30 =	simm.s32 $0x17BE0;
	s31 =	simm.s32 $0x17C68;
	s15 =	simm.s32 $0x0  }
0x6: {  	s0 =	sand.u32 $0x1, s0;
	s3 =	sshll.u32 s2, $0x1;
	s2 =	rddreg [dreg:$0x1]  }
0x7: {  	s5 =	sor.u32 s0, s3;
	s3 =	simm.s32 $0x0;
	s0 =	ssub.s32 $0x2, s0  }
0x8: {  	s8 =	sadd.s32 $0x1000, s2;
	s9 =	sadd.s32 $0x2000, s2;
	s10 =	sadd.s32 $0x3000, s2  }
0x9: {  	v5 =	vlaneseq.u32;
	s11 =	sadd.s32 $0x4000, s2;
	s12 =	sadd.s32 $0x5000, s2;
	s13 =	sadd.s32 $0x6000, s2  }
0xa: {  	v0 =	vmul.u32 $0xC8, v5;
	s4 =	smul.u32 $0xC80, s5;
	[smem:$0x7FF] =	sst s3;
	s7 =	sshrl.u32 s0, $0x1  }
0xb: {  	s14 =	sadd.s32 $0x7000, s2;
	_ =	strace $0x8000004A;
	s0 =	ssub.s32 s0, s7  }
0xc: {  	v5 =	vmul.u32 $0x88, v5;
	v1 =	vadd.s32 $0xC80, v0;
	s6 =	sadd.s32 s4, s1;
	s4 =	sadd.s32 $0xF42E00, s1;
	s1 =	sadd.s32 $0x16FD000, s1  }
0xd: {  	v2 =	vadd.s32 $0x1900, v0;
	v3 =	vadd.s32 $0x2580, v0;
	v4 =	vadd.s32 $0x3200, v0;
	s7 =	sshll.u32 s5, $0x7;
	s0 =	smax.u32 s0, $0x1;
	[dreg:$0x3] =	wrdreg s1  }
0xe: {  	v6 =	vadd.s32 $0x3E80, v0;
	v7 =	vadd.s32 $0x4B00, v0;
	v8 =	vadd.s32 $0x5780, v0;
	s26 =	sadd.s32 $0x16E4000, s6;
	[dreg:$0x5] =	wrdreg s0;
	s1 =	simm.s32 $0x17CF0  }
0xf: {  	v9 =	vadd.s32 $0x880, v5;
	v10 =	vadd.s32 $0x1100, v5;
	v11 =	vadd.s32 $0x1980, v5;
	s0 =	simm.s32 $0x17D78;
	[dreg:$0x4] =	wrdreg s26;
	s26 =	simm.s32 $0x17A48  }
.LBB2_1:
0x10: {  	[dreg:$0x6] =	wrdreg s15  }
0x11: {  	s5 =	rddreg [dreg:$0x4];
	s17 =	simm.s32 $0x3;
	s18 =	simm.s32 $0x5  }
0x12: {  	[tilespmem:s3], [sflag:$0x5] =	stream.linear.gather [hbm4b:s5+s3], $0x6400, $0x38;
	[tilespmem:$0x17E00] =	vst v63  }
0x13: {  	s6 =	simm.s32 $0x1;
	v12 =	vmov s17;
	_ =	swait.ge [sflag:s18], $0x6400  }
0x14: {  	s21 =	simm.s32 $0x2;
	v13 =	vmov s6;
	v18 =	vand.u32 $0xFF, v12;
	[sflag:s18] =	ssyncset.done $0x0  }
0x15: {  	s25 =	simm.s32 $0xC800;
	v20 =	vand.u32 $0xFD, v13;
	v12 =	vmov s21;
	v13 =	vadd.s32 v0, v18;
	s22 =	rddreg [dreg:$0x3];
	[sflag:s18] =	ssyncadd.s32 $0xFFFF9C00  }
0x16: {  	v14 =	vadd.s32 v0, v20;
	v21 =	vand.u32 $0xFE, v12;
	[tilespmem:s25], [sflag:$0x5] =	stream.linear.gather [hbm4b:s22+s3], $0x3200, $0x38;
	[tilespmem:$0x17E00] =	vst v63  }
0x17: {  	v12 =	vmov s3;
	v15 =	vadd.s32 v0, v21;
	_ =	swait.ge [sflag:s18], $0x3200  }
0x18: {  	v16 =	vand.u32 $0xFC, v12;
	[sflag:s18] =	ssyncset.done $0x0  }
0x19: {  	v12 =	vadd.s32 v0, v16;
	[sflag:s18] =	ssyncadd.s32 $0xFFFFCE00  }
0x1a: {  	v13 =	vld.idx.msk [tilespmem:v13+s3+$0x0], $0xffff  }
0x1b: {  	v17 =	vadd.s32 v1, v18;
	v14 =	vld.idx.msk [tilespmem:v14+s3+$0x0], $0xffff  }
0x1c: {  	v19 =	vadd.s32 v1, v20;
	v15 =	vld.idx.msk [tilespmem:v15+s3+$0x0], $0xffff  }
0x1d: {  	v22 =	vadd.s32 v1, v21  }
0x1e: {  	s18 =	simm.s32 $0x6500;
	v12 =	vld.idx.msk [tilespmem:v12+s3+$0x0], $0xffff  }
0x1f: {  	v23 =	vadd.s32 v1, v16;
	[tilespmem:s18+$0x80] =	vst v13  }
0x20: {  	[tilespmem:s18+$0xFFFFFF80] =	vst v14;
	v13 =	vld.idx.msk [tilespmem:v17+s3+$0x0], $0xffff  }
0x21: {  	[tilespmem:s18+$0x0] =	vst v15;
	v15 =	vadd.s32 v2, v18;
	v14 =	vld.idx.msk [tilespmem:v19+s3+$0x0], $0xffff  }
0x22: {  	v17 =	vld.idx.msk [tilespmem:v22+s3+$0x0], $0xffff;
	v19 =	vadd.s32 v2, v20  }
0x23: {  	[tilespmem:s18+$0xFFFFFF00] =	vst v12;
	v12 =	vadd.s32 v2, v21  }
0x24: {  	v22 =	vld.idx.msk [tilespmem:v23+s3+$0x0], $0xffff  }
0x25: {  	v23 =	vadd.s32 v2, v16;
	[tilespmem:s18+$0x90] =	vst v13  }
0x26: {  	[tilespmem:s18+$0xFFFFFF90] =	vst v14;
	v14 =	vld.idx.msk [tilespmem:v15+s3+$0x0], $0xffff  }
0x27: {  	s16 =	simm.s32 $0x4;
	[tilespmem:s18+$0x10] =	vst v17;
	v17 =	vadd.s32 v3, v18;
	v15 =	vld.idx.msk [tilespmem:v19+s3+$0x0], $0xffff  }
0x28: {  	v24 =	vadd.s32 v3, v20;
	v13 =	vmov s16;
	v19 =	vld.idx.msk [tilespmem:v12+s3+$0x0], $0xffff  }
0x29: {  	s17 =	simm.s32 $0x5;
	v12 =	vand.u32 $0xFC, v13;
	[tilespmem:s18+$0xFFFFFF10] =	vst v22;
	v22 =	vadd.s32 v3, v21  }
0x2a: {  	v13 =	vmov s17;
	v25 =	vadd.s32 v0, v12;
	v23 =	vld.idx.msk [tilespmem:v23+s3+$0x0], $0xffff  }
0x2b: {  	v26 =	vadd.s32 v3, v16;
	v13 =	vand.u32 $0xFD, v13;
	[tilespmem:s18+$0xA0] =	vst v14  }
0x2c: {  	v14 =	vadd.s32 v0, v13;
	[tilespmem:s18+$0xFFFFFFA0] =	vst v15;
	v15 =	vld.idx.msk [tilespmem:v17+s3+$0x0], $0xffff  }
0x2d: {  	s21 =	simm.s32 $0x7;
	[tilespmem:s18+$0x20] =	vst v19;
	v19 =	vadd.s32 v4, v18;
	v24 =	vld.idx.msk [tilespmem:v24+s3+$0x0], $0xffff  }
0x2e: {  	v27 =	vadd.s32 v4, v20;
	v22 =	vld.idx.msk [tilespmem:v22+s3+$0x0], $0xffff;
	v17 =	vmov s21  }
0x2f: {  	s22 =	simm.s32 $0x6;
	v25 =	vld.idx.msk [tilespmem:v25+s3+$0x0], $0xffff;
	[tilespmem:s18+$0xFFFFFF20] =	vst v23;
	v23 =	vadd.s32 v4, v21;
	v17 =	vand.u32 $0xFF, v17  }
0x30: {  	v28 =	vmov s22;
	v26 =	vld.idx.msk [tilespmem:v26+s3+$0x0], $0xffff;
	v29 =	vadd.s32 v0, v17  }
0x31: {  	v30 =	vld.idx.msk [tilespmem:v14+s3+$0x0], $0xffff;
	v14 =	vand.u32 $0xFE, v28;
	v28 =	vadd.s32 v4, v16;
	[tilespmem:s18+$0xB0] =	vst v15  }
0x32: {  	[tilespmem:s18+$0xFFFFFFB0] =	vst v24;
	v24 =	vadd.s32 v0, v14;
	v19 =	vld.idx.msk [tilespmem:v19+s3+$0x0], $0xffff  }
0x33: {  	v34 =	vadd.s32 v1, v13;
	[tilespmem:s18+$0x30] =	vst v22;
	v27 =	vld.idx.msk [tilespmem:v27+s3+$0x0], $0xffff  }
0x34: {  	s5 =	simm.s32 $0x8;
	v22 =	vadd.s32 v6, v18;
	v23 =	vld.idx.msk [tilespmem:v23+s3+$0x0], $0xffff  }
0x35: {  	v31 =	vadd.s32 v6, v20;
	v15 =	vmov s5;
	[tilespmem:s18+$0xFFFFFF30] =	vst v26;
	v26 =	vld.idx.msk [tilespmem:v29+s3+$0x0], $0xffff  }
0x36: {  	s17 =	simm.s32 $0x6700;
	v15 =	vand.u32 $0xFC, v15;
	v29 =	vadd.s32 v6, v21;
	v28 =	vld.idx.msk [tilespmem:v28+s3+$0x0], $0xffff  }
0x37: {  	v32 =	vadd.s32 v0, v15;
	[tilespmem:s17+$0xFFFFFF80] =	vst v30;
	v24 =	vld.idx.msk [tilespmem:v24+s3+$0x0], $0xffff  }
0x38: {  	v57 =	vadd.s32 v1, v12;
	v58 =	vld.idx.msk [tilespmem:v34+s3+$0x0], $0xffff;
	[tilespmem:s18+$0xC0] =	vst v19  }
0x39: {  	v33 =	vadd.s32 v1, v17;
	[tilespmem:s18+$0xFFFFFFC0] =	vst v27;
	v22 =	vld.idx.msk [tilespmem:v22+s3+$0x0], $0xffff  }
0x3a: {  	v27 =	vadd.s32 v1, v14;
	[tilespmem:s18+$0x40] =	vst v23;
	v31 =	vld.idx.msk [tilespmem:v31+s3+$0x0], $0xffff  }
0x3b: {  	[tilespmem:s17+$0xFFFFFF00] =	vst v25;
	v30 =	vadd.s32 v6, v16;
	v23 =	vld.idx.msk [tilespmem:v29+s3+$0x0], $0xffff  }
0x3c: {  	v29 =	vadd.s32 v7, v18;
	v19 =	vld.idx.msk [tilespmem:v32+s3+$0x0], $0xffff;
	[tilespmem:s17+$0x80] =	vst v26  }
0x3d: {  	v25 =	vadd.s32 v2, v13;
	v32 =	vld.idx.msk [tilespmem:v57+s3+$0x0], $0xffff;
	[tilespmem:s18+$0xFFFFFF40] =	vst v28  }
0x3e: {  	v26 =	vld.idx.msk [tilespmem:v33+s3+$0x0], $0xffff;
	[tilespmem:s17+$0x0] =	vst v24;
	v24 =	vadd.s32 v7, v20  }
0x3f: {  	v59 =	vadd.s32 v2, v17;
	[tilespmem:s17+$0xFFFFFF90] =	vst v58;
	v27 =	vld.idx.msk [tilespmem:v27+s3+$0x0], $0xffff  }
0x40: {  	v28 =	vld.idx.msk [tilespmem:v30+s3+$0x0], $0xffff;
	v30 =	vadd.s32 v2, v12;
	[tilespmem:s18+$0xD0] =	vst v22  }
0x41: {  	v35 =	vadd.s32 v2, v14;
	[tilespmem:s18+$0xFFFFFFD0] =	vst v31;
	v29 =	vld.idx.msk [tilespmem:v29+s3+$0x0], $0xffff  }
0x42: {  	v18 =	vadd.s32 v8, v18;
	v31 =	vld.idx.msk [tilespmem:v25+s3+$0x0], $0xffff;
	[tilespmem:s17+$0xFFFFFF10] =	vst v32  }
0x43: {  	[tilespmem:s17+$0x90] =	vst v26;
	v26 =	vadd.s32 v7, v21;
	v22 =	vld.idx.msk [tilespmem:v24+s3+$0x0], $0xffff  }
0x44: {  	v24 =	vld.idx.msk [tilespmem:v59+s3+$0x0], $0xffff;
	[tilespmem:s17+$0x10] =	vst v27;
	v27 =	vadd.s32 v7, v16  }
0x45: {  	s25 =	simm.s32 $0x9;
	v61 =	vadd.s32 v3, v17;
	[tilespmem:s18+$0x50] =	vst v23;
	v63 =	vld.idx.msk [tilespmem:v30+s3+$0x0], $0xffff  }
0x46: {  	v25 =	vmov s25;
	v60 =	vld.idx.msk [tilespmem:v35+s3+$0x0], $0xffff;
	[tilespmem:s18+$0xE0] =	vst v29;
	v29 =	vadd.s32 v3, v13  }
0x47: {  	v36 =	vadd.s32 v3, v14;
	[tilespmem:s18+$0xFFFFFF50] =	vst v28;
	v62 =	vld.idx.msk [tilespmem:v18+s3+$0x0], $0xffff;
	v18 =	vand.u32 $0xFD, v25  }
0x48: {  	[tilespmem:s17+$0xFFFFFFA0] =	vst v31;
	v25 =	vld.idx.msk [tilespmem:v26+s3+$0x0], $0xffff;
	v37 =	vadd.s32 v0, v18  }
0x49: {  	v31 =	vadd.s32 v3, v12;
	[tilespmem:s17+$0xA0] =	vst v24;
	v23 =	vld.idx.msk [tilespmem:v27+s3+$0x0], $0xffff  }
0x4a: {  	v30 =	vadd.s32 v8, v20;
	v26 =	vld.idx.msk [tilespmem:v61+s3+$0x0], $0xffff  }
0x4b: {  	v28 =	vadd.s32 v8, v21;
	[tilespmem:s17+$0x20] =	vst v60;
	v24 =	vld.idx.msk [tilespmem:v29+s3+$0x0], $0xffff  }
0x4c: {  	[tilespmem:s17+$0xFFFFFF20] =	vst v63;
	v27 =	vadd.s32 v4, v17;
	v21 =	vld.idx.msk [tilespmem:v36+s3+$0x0], $0xffff  }
0x4d: {  	s15 =	simm.s32 $0xB;
	s6 =	simm.s32 $0xC;
	v29 =	vadd.s32 v4, v13;
	[tilespmem:s18+$0xF0] =	vst v62;
	v20 =	vld.idx.msk [tilespmem:v37+s3+$0x0], $0xffff  }
.LBB2_2:
0x4e: {  	p0 =	slt.u32 s6, $0xC4;
	v32 =	vmov s15;
	v31 =	vld.idx.msk [tilespmem:v31+s3+$0x0], $0xffff;
	v33 =	vadd.s32 v4, v14;
	[tilespmem:s18+$0xFFFFFFE0] =	vst v22  }
0x4f: {  	s15 =	sadd.s32 $0x2, s5;
	s5 =	smov.u32 s6;
	v22 =	vand.u32 $0xFF, v32;
	v32 =	vadd.s32 v8, v16;
	v30 =	vld.idx.msk [tilespmem:v30+s3+$0x0], $0xffff;
	[tilespmem:s18+$0x60] =	vst v25;
	v16 =	vmovc v12;
	v12 =	vmov v15  }
0x50: {  	v15 =	vmov s15;
	v25 =	vadd.s32 v0, v22;
	[tilespmem:s17+$0xB0] =	vst v26;
	v26 =	vld.idx.msk [tilespmem:v28+s3+$0x0], $0xffff  }
0x51: {  	v34 =	vand.u32 $0xFE, v15;
	v28 =	vadd.s32 v4, v16;
	[tilespmem:s17+$0xFFFFFFB0] =	vst v24;
	v24 =	vld.idx.msk [tilespmem:v27+s3+$0x0], $0xffff  }
0x52: {  	v27 =	vadd.s32 v0, v34;
	v29 =	vld.idx.msk [tilespmem:v29+s3+$0x0], $0xffff;
	[tilespmem:s17+$0x30] =	vst v21  }
0x53: {  	v21 =	vld.idx.msk [tilespmem:v33+s3+$0x0], $0xffff;
	v33 =	vadd.s32 v6, v17;
	[tilespmem:s18+$0xFFFFFF60] =	vst v23  }
0x54: {  	v15 =	vmov s6;
	v23 =	vadd.s32 v6, v13;
	[tilespmem:s17+$0xFFFFFF30] =	vst v31;
	v31 =	vld.idx.msk [tilespmem:v32+s3+$0x0], $0xffff  }
0x55: {  	v15 =	vand.u32 $0xFC, v15;
	v32 =	vadd.s32 v6, v14;
	v25 =	vld.idx.msk [tilespmem:v25+s3+$0x0], $0xffff;
	[tilespmem:s18+$0xFFFFFFF0] =	vst v30  }
0x56: {  	v30 =	vadd.s32 v0, v15;
	v28 =	vld.idx.msk [tilespmem:v28+s3+$0x0], $0xffff;
	[tilespmem:s18+$0x70] =	vst v26  }
0x57: {  	v26 =	vld.idx.msk [tilespmem:v27+s3+$0x0], $0xffff;
	v27 =	vadd.s32 v1, v22;
	[tilespmem:s17+$0xC0] =	vst v24  }
0x58: {  	v24 =	vadd.s32 v1, v18;
	[tilespmem:s17+$0xFFFFFFC0] =	vst v29;
	v29 =	vld.idx.msk [tilespmem:v33+s3+$0x0], $0xffff  }
0x59: {  	v33 =	vadd.s32 v1, v34;
	v23 =	vld.idx.msk [tilespmem:v23+s3+$0x0], $0xffff;
	[tilespmem:s17+$0x40] =	vst v21  }
0x5a: {  	v21 =	vld.idx.msk [tilespmem:v32+s3+$0x0], $0xffff;
	v32 =	vadd.s32 v7, v17;
	[tilespmem:s18+$0xFFFFFF70] =	vst v31;
	s18 =	smov.u32 s17;
	s17 =	sadd.s32 $0x200, s17  }
0x5b: {  	v31 =	vadd.s32 v1, v12;
	v30 =	vld.idx.msk [tilespmem:v30+s3+$0x0], $0xffff;
	[tilespmem:s17+$0x80] =	vst v25  }
0x5c: {  	v25 =	vadd.s32 v6, v16;
	[tilespmem:s17+$0xFFFFFF80] =	vst v20;
	v20 =	vld.idx.msk [tilespmem:v27+s3+$0x0], $0xffff  }
0x5d: {  	v24 =	vld.idx.msk [tilespmem:v24+s3+$0x0], $0xffff;
	[tilespmem:s17+$0x0] =	vst v26;
	v26 =	vadd.s32 v7, v13  }
0x5e: {  	v27 =	vld.idx.msk [tilespmem:v33+s3+$0x0], $0xffff;
	v33 =	vadd.s32 v2, v22;
	[tilespmem:s18+$0xD0] =	vst v29  }
0x5f: {  	v29 =	vadd.s32 v2, v18;
	[tilespmem:s17+$0xFFFFFF00] =	vst v19;
	v32 =	vld.idx.msk [tilespmem:v32+s3+$0x0], $0xffff  }
0x60: {  	v35 =	vadd.s32 v2, v34;
	v31 =	vld.idx.msk [tilespmem:v31+s3+$0x0], $0xffff;
	[tilespmem:s18+$0xFFFFFF40] =	vst v28  }
0x61: {  	v19 =	vmov v30;
	v25 =	vld.idx.msk [tilespmem:v25+s3+$0x0], $0xffff;
	[tilespmem:s18+$0xFFFFFFD0] =	vst v23;
	v23 =	vadd.s32 v8, v17;
	v17 =	vmov v22  }
0x62: {  	v28 =	vadd.s32 v2, v12;
	[tilespmem:s17+$0x90] =	vst v20;
	v22 =	vld.idx.msk [tilespmem:v26+s3+$0x0], $0xffff  }
0x63: {  	[tilespmem:s17+$0xFFFFFF90] =	vst v24;
	v20 =	vld.idx.msk [tilespmem:v33+s3+$0x0], $0xffff;
	v24 =	vadd.s32 v7, v14  }
0x64: {  	v26 =	vld.idx.msk [tilespmem:v29+s3+$0x0], $0xffff;
	[tilespmem:s17+$0x10] =	vst v27;
	v27 =	vadd.s32 v7, v16  }
0x65: {  	s15 =	sadd.s32 $0x1, s6;
	v30 =	vadd.s32 v3, v17;
	v29 =	vld.idx.msk [tilespmem:v35+s3+$0x0], $0xffff;
	[tilespmem:s18+$0xE0] =	vst v32  }
0x66: {  	v33 =	vadd.s32 v3, v18;
	v32 =	vmov s15;
	[tilespmem:s17+$0xFFFFFF10] =	vst v31;
	v35 =	vld.idx.msk [tilespmem:v23+s3+$0x0], $0xffff  }
0x67: {  	v37 =	vadd.s32 v3, v34;
	v32 =	vand.u32 $0xFD, v32;
	v36 =	vld.idx.msk [tilespmem:v28+s3+$0x0], $0xffff;
	[tilespmem:s18+$0x50] =	vst v21  }
0x68: {  	v38 =	vadd.s32 v0, v32;
	[tilespmem:s18+$0xFFFFFF50] =	vst v25;
	v25 =	vld.idx.msk [tilespmem:v24+s3+$0x0], $0xffff  }
.Ltmp0:
0x69: {  	v31 =	vadd.s32 v3, v12;
	[tilespmem:s17+$0xA0] =	vst v20;
	v23 =	vld.idx.msk [tilespmem:v27+s3+$0x0], $0xffff;
	(pc) =	sbr.rel @p0 .LBB2_2-.Ltmp0, $4  }
0x6a: {  	[tilespmem:s17+$0xFFFFFFA0] =	vst v26;
	v26 =	vld.idx.msk [tilespmem:v30+s3+$0x0], $0xffff;
	v30 =	vadd.s32 v8, v13;
	v13 =	vmov v18;
	v18 =	vmov v32  }
0x6b: {  	v28 =	vadd.s32 v8, v14;
	v14 =	vmov v34;
	v24 =	vld.idx.msk [tilespmem:v33+s3+$0x0], $0xffff;
	[tilespmem:s17+$0x20] =	vst v29  }
0x6c: {  	v27 =	vadd.s32 v4, v17;
	v21 =	vld.idx.msk [tilespmem:v37+s3+$0x0], $0xffff;
	[tilespmem:s18+$0xF0] =	vst v35  }
0x6d: {  	s6 =	sadd.s32 $0x4, s6;
	s15 =	sadd.s32 $0x3, s5;
	v29 =	vadd.s32 v4, v13;
	v20 =	vld.idx.msk [tilespmem:v38+s3+$0x0], $0xffff;
	[tilespmem:s17+$0xFFFFFF20] =	vst v36  }
0x6e: {  	_ =	sdelay $0x1  }
0x6f: {  	[tilespmem:s18+$0xFFFFFFE0] =	vst v22  }
0x70: {  	[tilespmem:s18+$0x60] =	vst v25  }
0x71: {  	v32 =	vmov s15;
	v58 =	vld.idx.msk [tilespmem:v31+s3+$0x0], $0xffff;
	s5 =	sadd.s32 $0x2, s5;
	[tilespmem:s18+$0xFFFFFF60] =	vst v23  }
0x72: {  	v59 =	vadd.s32 v4, v14;
	s16 =	sadd.s32 $0x200, s17;
	v32 =	vand.u32 $0xFF, v32;
	v60 =	vld.idx.msk [tilespmem:v30+s3+$0x0], $0xffff;
	v61 =	vmov s5;
	[tilespmem:s17+$0xB0] =	vst v26  }
0x73: {  	v62 =	vld.idx.msk [tilespmem:v28+s3+$0x0], $0xffff;
	[tilespmem:s16+$0xFFFFFF00] =	vst v19;
	v33 =	vadd.s32 v0, v32;
	v28 =	vand.u32 $0xFE, v61  }
0x74: {  	[tilespmem:s17+$0xFFFFFFB0] =	vst v24;
	v34 =	vadd.s32 v0, v28  }
0x75: {  	v16 =	vadd.s32 v8, v16;
	v63 =	vld.idx.msk [tilespmem:v27+s3+$0x0], $0xffff;
	[tilespmem:s17+$0x30] =	vst v21  }
0x76: {  	v41 =	vadd.s32 v1, v18;
	v35 =	vld.idx.msk [tilespmem:v29+s3+$0x0], $0xffff;
	[tilespmem:s16+$0xFFFFFF80] =	vst v20  }
0x77: {  	v43 =	vadd.s32 v1, v15;
	v36 =	vld.idx.msk [tilespmem:v59+s3+$0x0], $0xffff;
	[tilespmem:s17+$0xFFFFFF30] =	vst v58  }
0x78: {  	v37 =	vadd.s32 v6, v17;
	[tilespmem:s18+$0xFFFFFFF0] =	vst v60;
	v38 =	vld.idx.msk [tilespmem:v33+s3+$0x0], $0xffff  }
0x79: {  	v39 =	vadd.s32 v1, v32;
	[tilespmem:s18+$0x70] =	vst v62;
	v40 =	vld.idx.msk [tilespmem:v34+s3+$0x0], $0xffff  }
0x7a: {  	v42 =	vadd.s32 v1, v28;
	v16 =	vld.idx.msk [tilespmem:v16+s3+$0x0], $0xffff;
	[tilespmem:s17+$0xC0] =	vst v63  }
0x7b: {  	v44 =	vadd.s32 v4, v12;
	v24 =	vld.idx.msk [tilespmem:v41+s3+$0x0], $0xffff;
	[tilespmem:s17+$0xFFFFFFC0] =	vst v35  }
0x7c: {  	v45 =	vadd.s32 v6, v13;
	v49 =	vld.idx.msk [tilespmem:v43+s3+$0x0], $0xffff;
	[tilespmem:s17+$0x40] =	vst v36  }
0x7d: {  	v48 =	vadd.s32 v2, v18;
	v22 =	vld.idx.msk [tilespmem:v37+s3+$0x0], $0xffff;
	[tilespmem:s16+$0x80] =	vst v38  }
0x7e: {  	v52 =	vadd.s32 v2, v15;
	v46 =	vld.idx.msk [tilespmem:v39+s3+$0x0], $0xffff;
	[tilespmem:s16+$0x0] =	vst v40  }
0x7f: {  	v47 =	vadd.s32 v2, v32;
	[tilespmem:s18+$0xFFFFFF70] =	vst v16;
	v21 =	vld.idx.msk [tilespmem:v42+s3+$0x0], $0xffff  }
0x80: {  	v50 =	vadd.s32 v2, v28;
	v51 =	vld.idx.msk [tilespmem:v44+s3+$0x0], $0xffff;
	[tilespmem:s16+$0xFFFFFF90] =	vst v24  }
0x81: {  	v55 =	vadd.s32 v6, v14;
	v53 =	vld.idx.msk [tilespmem:v45+s3+$0x0], $0xffff;
	[tilespmem:s16+$0xFFFFFF10] =	vst v49  }
0x82: {  	v54 =	vadd.s32 v7, v17;
	v19 =	vld.idx.msk [tilespmem:v48+s3+$0x0], $0xffff;
	[tilespmem:s17+$0xD0] =	vst v22  }
0x83: {  	v58 =	vadd.s32 v3, v18;
	v22 =	vld.idx.msk [tilespmem:v52+s3+$0x0], $0xffff;
	[tilespmem:s16+$0x90] =	vst v46  }
0x84: {  	v61 =	vadd.s32 v3, v15;
	v56 =	vld.idx.msk [tilespmem:v47+s3+$0x0], $0xffff;
	[tilespmem:s16+$0x10] =	vst v21  }
0x85: {  	v57 =	vadd.s32 v3, v32;
	[tilespmem:s17+$0xFFFFFF40] =	vst v51;
	v23 =	vld.idx.msk [tilespmem:v50+s3+$0x0], $0xffff  }
0x86: {  	v59 =	vadd.s32 v3, v28;
	v20 =	vld.idx.msk [tilespmem:v55+s3+$0x0], $0xffff;
	[tilespmem:s17+$0xFFFFFFD0] =	vst v53  }
0x87: {  	v62 =	vadd.s32 v6, v12;
	v60 =	vld.idx.msk [tilespmem:v54+s3+$0x0], $0xffff;
	[tilespmem:s16+$0xFFFFFFA0] =	vst v19  }
0x88: {  	v63 =	vadd.s32 v8, v17;
	v16 =	vld.idx.msk [tilespmem:v58+s3+$0x0], $0xffff;
	[tilespmem:s16+$0xFFFFFF20] =	vst v22  }
0x89: {  	v33 =	vadd.s32 v4, v18;
	v34 =	vld.idx.msk [tilespmem:v61+s3+$0x0], $0xffff;
	[tilespmem:s16+$0xA0] =	vst v56  }
0x8a: {  	v37 =	vadd.s32 v4, v15;
	v30 =	vld.idx.msk [tilespmem:v57+s3+$0x0], $0xffff;
	[tilespmem:s16+$0x20] =	vst v23  }
0x8b: {  	v31 =	vadd.s32 v4, v32;
	[tilespmem:s17+$0x50] =	vst v20;
	v23 =	vld.idx.msk [tilespmem:v59+s3+$0x0], $0xffff  }
0x8c: {  	v35 =	vadd.s32 v4, v28;
	v36 =	vld.idx.msk [tilespmem:v62+s3+$0x0], $0xffff;
	[tilespmem:s17+$0xE0] =	vst v60  }
0x8d: {  	v38 =	vadd.s32 v7, v13;
	v17 =	vld.idx.msk [tilespmem:v63+s3+$0x0], $0xffff;
	[tilespmem:s16+$0xFFFFFFB0] =	vst v16  }
0x8e: {  	v39 =	vadd.s32 v7, v14;
	v41 =	vld.idx.msk [tilespmem:v33+s3+$0x0], $0xffff;
	[tilespmem:s16+$0xFFFFFF30] =	vst v34  }
0x8f: {  	v43 =	vadd.s32 v6, v18;
	v20 =	vld.idx.msk [tilespmem:v37+s3+$0x0], $0xffff;
	[tilespmem:s16+$0xB0] =	vst v30  }
0x90: {  	v46 =	vadd.s32 v6, v15;
	v40 =	vld.idx.msk [tilespmem:v31+s3+$0x0], $0xffff;
	[tilespmem:s16+$0x30] =	vst v23  }
0x91: {  	v42 =	vadd.s32 v6, v32;
	[tilespmem:s17+$0xFFFFFF50] =	vst v36;
	v23 =	vld.idx.msk [tilespmem:v35+s3+$0x0], $0xffff  }
0x92: {  	v44 =	vadd.s32 v6, v28;
	v45 =	vld.idx.msk [tilespmem:v38+s3+$0x0], $0xffff;
	[tilespmem:s17+$0xF0] =	vst v17  }
0x93: {  	v48 =	vadd.s32 v8, v13;
	v19 =	vld.idx.msk [tilespmem:v39+s3+$0x0], $0xffff;
	[tilespmem:s16+$0xFFFFFFC0] =	vst v41  }
0x94: {  	v47 =	vadd.s32 v7, v12;
	v21 =	vld.idx.msk [tilespmem:v43+s3+$0x0], $0xffff;
	[tilespmem:s16+$0xFFFFFF40] =	vst v20  }
0x95: {  	v50 =	vadd.s32 v7, v18;
	v17 =	vld.idx.msk [tilespmem:v46+s3+$0x0], $0xffff;
	[tilespmem:s16+$0xC0] =	vst v40  }
0x96: {  	v53 =	vadd.s32 v7, v15;
	v16 =	vld.idx.msk [tilespmem:v42+s3+$0x0], $0xffff;
	[tilespmem:s16+$0x40] =	vst v23  }
0x97: {  	v49 =	vadd.s32 v7, v32;
	[tilespmem:s17+$0xFFFFFFE0] =	vst v45;
	v23 =	vld.idx.msk [tilespmem:v44+s3+$0x0], $0xffff  }
0x98: {  	v51 =	vadd.s32 v7, v28;
	[tilespmem:s17+$0x60] =	vst v19;
	v13 =	vld.idx.msk [tilespmem:v48+s3+$0x0], $0xffff  }
0x99: {  	v54 =	vadd.s32 v8, v14;
	v52 =	vld.idx.msk [tilespmem:v47+s3+$0x0], $0xffff;
	[tilespmem:s16+$0xFFFFFFD0] =	vst v21  }
0x9a: {  	v55 =	vadd.s32 v8, v12;
	v57 =	vld.idx.msk [tilespmem:v50+s3+$0x0], $0xffff;
	[tilespmem:s16+$0xFFFFFF50] =	vst v17  }
0x9b: {  	v59 =	vadd.s32 v8, v18;
	v19 =	vld.idx.msk [tilespmem:v53+s3+$0x0], $0xffff;
	[tilespmem:s16+$0xD0] =	vst v16  }
0x9c: {  	v61 =	vadd.s32 v8, v15;
	v16 =	vld.idx.msk [tilespmem:v49+s3+$0x0], $0xffff;
	[tilespmem:s16+$0x50] =	vst v23  }
0x9d: {  	v56 =	vadd.s32 v8, v32;
	[tilespmem:s17+$0xFFFFFFF0] =	vst v13;
	v58 =	vld.idx.msk [tilespmem:v51+s3+$0x0], $0xffff  }
0x9e: {  	v60 =	vadd.s32 v8, v28;
	v14 =	vld.idx.msk [tilespmem:v54+s3+$0x0], $0xffff;
	[tilespmem:s17+$0xFFFFFF60] =	vst v52  }
0x9f: {  	v12 =	vld.idx.msk [tilespmem:v55+s3+$0x0], $0xffff;
	[tilespmem:s16+$0xFFFFFFE0] =	vst v57  }
0xa0: {  	v63 =	vld.idx.msk [tilespmem:v59+s3+$0x0], $0xffff;
	[tilespmem:s16+$0xFFFFFF60] =	vst v19  }
0xa1: {  	v13 =	vld.idx.msk [tilespmem:v61+s3+$0x0], $0xffff;
	[tilespmem:s16+$0xE0] =	vst v16  }
0xa2: {  	v62 =	vld.idx.msk [tilespmem:v56+s3+$0x0], $0xffff;
	[tilespmem:s16+$0x60] =	vst v58  }
0xa3: {  	[tilespmem:s17+$0x70] =	vst v14;
	v17 =	vld.idx.msk [tilespmem:v60+s3+$0x0], $0xffff  }
0xa4: {  	[tilespmem:s17+$0xFFFFFF70] =	vst v12  }
0xa5: {  	[tilespmem:s16+$0xFFFFFFF0] =	vst v63  }
0xa6: {  	[tilespmem:s16+$0xFFFFFF70] =	vst v13  }
0xa7: {  	s6 =	simm.s32 $0x6400;
	[tilespmem:s16+$0xF0] =	vst v62  }
0xa8: {  	s21 =	simm.s32 $0xFA00;
	s22 =	simm.s32 $0x6480;
	s18 =	simm.s32 $0x80;
	[tilespmem:s16+$0x70] =	vst v17  }
0xa9: {  	[tilespmem:s21], [sflag:$0x1] =	stream.indirect.gather [hbm4b:s4+s18], $0x40, s6, s18, $0xb8;
	[tilespmem:$0x17E00] =	vst v63  }
0xaa: {  	s25 =	simm.s32 $0x11A00;
	s17 =	simm.s32 $0x0;
	s21 =	simm.s32 $0x0  }
0xab: {  	[tilespmem:s25], [sflag:$0x2] =	stream.indirect.gather [hbm4b:s4+s18], $0x40, s22, s18, $0xb8;
	[tilespmem:$0x17E00] =	vst v63  }
.LBB2_4:
0xac: {  	_ =	swait.ge [sflag:s23], $0x2000  }
0xad: {  	p1 =	seq.s32 s21, $0x0;
	[sflag:s23] =	ssyncset.done $0x0  }
0xae: {  	s5 =	simm.s32 @!p1 $0x3;
	[sflag:s23] =	ssyncadd.s32 $0xFFFFE000  }
0xaf: {  	_ =	swait.ge @!p1 [sflag:s5], $0x2000  }
0xb0: {  	s6 =	sshll.u32 s21, $0x7;
	[sflag:s5] =	ssyncset.done @!p1 $0x0  }
0xb1: {  	s18 =	sand.u32 $0x3FFFFF80, s6;
	[sflag:s5] =	ssyncadd.s32 @!p1 $0xFFFFE000  }
0xb2: {  	s15 =	simm.s32 $0xFA80;
	s22 =	simm.s32 $0x3;
	v17 =	vld [tilespmem:s18+$0xC800]  }
0xb3: {  	v12 =	vmov s22;
	v15 =	vld [tilespmem:s15+$0x40]  }
0xb4: {  	v21 =	vand.u32 $0x7F, v12  }
0xb5: {  	v16 =	vadd.s32 v5, v21;
	v14 =	vld [tilespmem:s18+$0xC810]  }
0xb6: {  	s25 =	simm.s32 $0x1;
	s16 =	simm.s32 $0x2;
	v12 =	vmov s17;
	v18 =	vld [tilespmem:s15+$0xFFFFFF80]  }
0xb7: {  	v22 =	vmov s16;
	v20 =	vand.u32 $0x7C, v12;
	v12 =	vmov s25;
	v19 =	vld [tilespmem:s15+$0xFFFFFFC0]  }
0xb8: {  	v23 =	vadd.s32 v5, v20;
	v27 =	vand.u32 $0x7D, v12;
	v24 =	vld [tilespmem:s15+$0x0];
	v15 =	vadd.f32 v15, v17  }
0xb9: {  	v28 =	vand.u32 $0x7E, v22;
	v25 =	vadd.s32 v5, v27;
	v13 =	vld [tilespmem:s18+$0xC820]  }
0xba: {  	v22 =	vadd.s32 v5, v28;
	v12 =	vld [tilespmem:s18+$0xC830];
	[tilespmem:v16+s24+$0x0] =	vst.idx.msk $0xffff, v15  }
0xbb: {  	v15 =	vadd.f32 v18, v17;
	v16 =	vld [tilespmem:s15+$0x50]  }
0xbc: {  	v18 =	vadd.f32 v19, v17  }
0xbd: {  	v19 =	vadd.s32 v9, v21;
	[tilespmem:v23+s24+$0x0] =	vst.idx.msk $0xffff, v15;
	v15 =	vadd.f32 v24, v17  }
0xbe: {  	[tilespmem:v25+s24+$0x0] =	vst.idx.msk $0xffff, v18;
	v23 =	vld [tilespmem:s15+$0xFFFFFF90]  }
0xbf: {  	v18 =	vld [tilespmem:s15+$0xFFFFFFD0];
	[tilespmem:v22+s24+$0x0] =	vst.idx.msk $0xffff, v15  }
0xc0: {  	v22 =	vld [tilespmem:s15+$0x10];
	v15 =	vadd.f32 v16, v14  }
0xc1: {  	s22 =	simm.s32 $0xFB80;
	s25 =	simm.s32 $0x7;
	v34 =	vadd.s32 v10, v21;
	v24 =	vadd.s32 v9, v27  }
0xc2: {  	v37 =	vadd.s32 v10, v28;
	s18 =	simm.s32 $0x4;
	v26 =	vld [tilespmem:s22+$0x40];
	v25 =	vadd.s32 v9, v28;
	[tilespmem:v19+s24+$0x0] =	vst.idx.msk $0xffff, v15;
	v15 =	vmov s25  }
0xc3: {  	v29 =	vadd.s32 v9, v20;
	v16 =	vmov s18;
	v15 =	vand.u32 $0x7F, v15;
	v30 =	vld [tilespmem:s15+$0x60]  }
0xc4: {  	s16 =	simm.s32 $0x5;
	v31 =	vld [tilespmem:s22+$0xFFFFFF80];
	v16 =	vand.u32 $0x7C, v16;
	v18 =	vadd.f32 v18, v14;
	v32 =	vadd.s32 v5, v15  }
0xc5: {  	v33 =	vld [tilespmem:s22+$0xFFFFFFC0];
	s18 =	simm.s32 $0x6;
	v23 =	vadd.f32 v23, v14;
	v19 =	vadd.f32 v22, v14;
	v22 =	vmov s16  }
0xc6: {  	v35 =	vadd.s32 v5, v16;
	[tilespmem:v24+s24+$0x0] =	vst.idx.msk $0xffff, v18;
	v24 =	vmov s18;
	v18 =	vand.u32 $0x7D, v22;
	v22 =	vld [tilespmem:s22+$0x0]  }
0xc7: {  	[tilespmem:v25+s24+$0x0] =	vst.idx.msk $0xffff, v19;
	v25 =	vadd.s32 v5, v18;
	v19 =	vand.u32 $0x7E, v24;
	v24 =	vadd.f32 v26, v17;
	v26 =	vld [tilespmem:s15+$0xFFFFFFE0]  }
0xc8: {  	[tilespmem:v29+s24+$0x0] =	vst.idx.msk $0xffff, v23;
	v23 =	vadd.s32 v5, v19;
	v29 =	vld [tilespmem:s15+$0x20];
	v30 =	vadd.f32 v30, v13  }
0xc9: {  	v60 =	vadd.s32 v10, v27;
	v31 =	vadd.f32 v31, v17;
	[tilespmem:v32+s24+$0x0] =	vst.idx.msk $0xffff, v24;
	v24 =	vld [tilespmem:s15+$0xFFFFFFA0]  }
0xca: {  	v39 =	vadd.s32 v11, v21;
	v33 =	vadd.f32 v33, v17;
	v36 =	vld [tilespmem:s22+$0x50];
	[tilespmem:v34+s24+$0x0] =	vst.idx.msk $0xffff, v30  }
0xcb: {  	[tilespmem:v35+s24+$0x0] =	vst.idx.msk $0xffff, v31;
	v31 =	vadd.s32 v10, v20;
	v22 =	vadd.f32 v22, v17;
	v34 =	vld [tilespmem:s15+$0x70]  }
0xcc: {  	v61 =	vadd.s32 v9, v15;
	v35 =	vld [tilespmem:s22+$0xFFFFFF90];
	[tilespmem:v25+s24+$0x0] =	vst.idx.msk $0xffff, v33;
	v26 =	vadd.f32 v26, v13  }
0xcd: {  	v27 =	vadd.s32 v11, v27;
	v38 =	vld [tilespmem:s22+$0xFFFFFFD0];
	[tilespmem:v23+s24+$0x0] =	vst.idx.msk $0xffff, v22;
	v22 =	vadd.f32 v29, v13  }
0xce: {  	v30 =	vadd.s32 v9, v16;
	v25 =	vld [tilespmem:s22+$0x10];
	[tilespmem:v60+s24+$0x0] =	vst.idx.msk $0xffff, v26;
	v21 =	vadd.f32 v24, v13  }
0xcf: {  	v29 =	vadd.s32 v9, v18;
	v24 =	vld [tilespmem:s15+$0xFFFFFFF0];
	[tilespmem:v37+s24+$0x0] =	vst.idx.msk $0xffff, v22;
	v26 =	vadd.f32 v36, v14  }
0xd0: {  	s6 =	simm.s32 $0x8;
	v22 =	vadd.s32 v9, v19;
	v23 =	vld [tilespmem:s15+$0x30];
	[tilespmem:v31+s24+$0x0] =	vst.idx.msk $0xffff, v21;
	v63 =	vadd.f32 v34, v12  }
0xd1: {  	v62 =	vmov s6;
	s5 =	simm.s32 $0xFC80;
	v28 =	vadd.s32 v11, v28;
	s25 =	simm.s32 $0xB;
	v32 =	vadd.f32 v35, v14;
	[tilespmem:v61+s24+$0x0] =	vst.idx.msk $0xffff, v26;
	v26 =	vld [tilespmem:s15+$0xFFFFFFB0]  }
0xd2: {  	s18 =	sshll.u32 s21, $0x1;
	v21 =	vand.u32 $0x7C, v62;
	v34 =	vmov s25;
	v31 =	vld [tilespmem:s5+$0x40];
	s15 =	simm.s32 $0xC;
	v33 =	vadd.f32 v38, v14;
	[tilespmem:v39+s24+$0x0] =	vst.idx.msk $0xffff, v63  }
.LBB2_5:
0xd3: {  	p0 =	slt.u32 s15, $0x7C;
	s16 =	sadd.s32 $0x1, s6;
	v34 =	vand.u32 $0x7F, v34;
	[tilespmem:v30+s24+$0x0] =	vst.idx.msk $0xffff, v32;
	v25 =	vadd.f32 v25, v14;
	v30 =	vld [tilespmem:s22+$0x60];
	v32 =	vadd.s32 v11, v20  }
0xd4: {  	v38 =	vmovc v19;
	v35 =	vld [tilespmem:s5+$0xFFFFFF80];
	v36 =	vmov s16;
	s16 =	sadd.s32 $0x2, s6;
	v37 =	vadd.s32 v5, v34;
	[tilespmem:v29+s24+$0x0] =	vst.idx.msk $0xffff, v33;
	v24 =	vadd.f32 v24, v12;
	s6 =	smov.u32 s15  }
0xd5: {  	v20 =	vmovc v16;
	v29 =	vld [tilespmem:s5+$0xFFFFFFC0];
	v19 =	vmov s16;
	[tilespmem:v22+s24+$0x0] =	vst.idx.msk $0xffff, v25;
	v22 =	vadd.s32 v10, v15;
	v23 =	vadd.f32 v23, v12  }
0xd6: {  	v25 =	vadd.s32 v5, v21;
	v36 =	vand.u32 $0x7D, v36;
	v33 =	vld [tilespmem:s5+$0x0];
	v39 =	vadd.f32 v26, v12;
	[tilespmem:v27+s24+$0x0] =	vst.idx.msk $0xffff, v24  }
0xd7: {  	v24 =	vadd.s32 v5, v36;
	v19 =	vand.u32 $0x7E, v19;
	v26 =	vadd.f32 v31, v17;
	v27 =	vld [tilespmem:s22+$0xFFFFFFE0];
	[tilespmem:v28+s24+$0x0] =	vst.idx.msk $0xffff, v23  }
0xd8: {  	v16 =	vmov v21;
	v23 =	vadd.s32 v5, v19;
	v28 =	vld [tilespmem:s22+$0x20];
	v30 =	vadd.f32 v30, v13;
	[tilespmem:v32+s24+$0x0] =	vst.idx.msk $0xffff, v39  }
0xd9: {  	v31 =	vadd.s32 v10, v18;
	v21 =	vadd.f32 v35, v17;
	[tilespmem:v37+s24+$0x0] =	vst.idx.msk $0xffff, v26;
	v26 =	vld [tilespmem:s22+$0xFFFFFFA0]  }
0xda: {  	v35 =	vadd.s32 v10, v38;
	v29 =	vadd.f32 v29, v17;
	v32 =	vld [tilespmem:s5+$0x50];
	[tilespmem:v22+s24+$0x0] =	vst.idx.msk $0xffff, v30  }
0xdb: {  	[tilespmem:v25+s24+$0x0] =	vst.idx.msk $0xffff, v21;
	v21 =	vadd.f32 v33, v17;
	v33 =	vadd.s32 v10, v20;
	v37 =	vld [tilespmem:s22+$0x70]  }
0xdc: {  	v40 =	vadd.s32 v9, v34;
	v39 =	vld [tilespmem:s5+$0xFFFFFF90];
	[tilespmem:v24+s24+$0x0] =	vst.idx.msk $0xffff, v29;
	v22 =	vadd.f32 v27, v13  }
0xdd: {  	v42 =	vadd.s32 v11, v15;
	v15 =	vmov v34;
	v41 =	vld [tilespmem:s5+$0xFFFFFFD0];
	[tilespmem:v23+s24+$0x0] =	vst.idx.msk $0xffff, v21;
	v21 =	vadd.f32 v28, v13  }
.Ltmp1:
0xde: {  	v30 =	vadd.s32 v9, v16;
	v25 =	vld [tilespmem:s5+$0x10];
	v23 =	vadd.f32 v26, v13;
	[tilespmem:v31+s24+$0x0] =	vst.idx.msk $0xffff, v22;
	(pc) =	sbr.rel @p0 .LBB2_5-.Ltmp1, $4  }
0xdf: {  	v29 =	vadd.s32 v9, v36;
	v26 =	vadd.f32 v32, v14;
	v24 =	vld [tilespmem:s22+$0xFFFFFFF0];
	[tilespmem:v35+s24+$0x0] =	vst.idx.msk $0xffff, v21  }
0xe0: {  	v22 =	vadd.s32 v9, v19;
	v21 =	vmov s15;
	[tilespmem:v33+s24+$0x0] =	vst.idx.msk $0xffff, v23;
	v23 =	vld [tilespmem:s22+$0x30];
	v35 =	vadd.f32 v37, v12  }
0xe1: {  	s16 =	sadd.s32 $0x3, s15;
	v27 =	vadd.s32 v11, v18;
	v21 =	vand.u32 $0x7C, v21;
	v32 =	vadd.f32 v39, v14;
	[tilespmem:v40+s24+$0x0] =	vst.idx.msk $0xffff, v26;
	v26 =	vld [tilespmem:s22+$0xFFFFFFB0];
	s22 =	smov.u32 s5;
	s5 =	sadd.s32 $0x100, s5  }
0xe2: {  	v34 =	vmov s16;
	v18 =	vmovc v36;
	v28 =	vadd.s32 v11, v38;
	s15 =	sadd.s32 $0x4, s15;
	v31 =	vld [tilespmem:s5+$0x40];
	v33 =	vadd.f32 v41, v14;
	[tilespmem:v42+s24+$0x0] =	vst.idx.msk $0xffff, v35  }
0xe3: {  	s15 =	sadd.s32 $0x1, s6  }
0xe4: {  	v34 =	vand.u32 $0x7F, v34;
	v36 =	vld [tilespmem:s5+$0xFFFFFFC0];
	v35 =	vmov s15;
	s15 =	sadd.s32 $0x2, s6  }
0xe5: {  	v39 =	vld [tilespmem:s5+$0x0];
	v37 =	vadd.s32 v5, v34;
	v38 =	vmov s15;
	v35 =	vand.u32 $0x7D, v35  }
0xe6: {  	v40 =	vld [tilespmem:s5+$0xFFFFFF80];
	v41 =	vadd.s32 v5, v35;
	v38 =	vand.u32 $0x7E, v38  }
0xe7: {  	v42 =	vadd.s32 v5, v38  }
0xe8: {  	[tilespmem:v30+s24+$0x0] =	vst.idx.msk $0xffff, v32;
	v30 =	vadd.s32 v5, v21;
	v31 =	vadd.f32 v31, v17  }
0xe9: {  	[tilespmem:v29+s24+$0x0] =	vst.idx.msk $0xffff, v33;
	v29 =	vadd.f32 v36, v17  }
0xea: {  	[tilespmem:v37+s24+$0x0] =	vst.idx.msk $0xffff, v31;
	v31 =	vadd.f32 v39, v17  }
0xeb: {  	v17 =	vadd.f32 v40, v17;
	v49 =	vld [tilespmem:s5+$0x50];
	[tilespmem:v41+s24+$0x0] =	vst.idx.msk $0xffff, v29  }
0xec: {  	v25 =	vadd.f32 v25, v14;
	v20 =	vadd.s32 v11, v20;
	v29 =	vld [tilespmem:s5+$0xFFFFFFD0];
	[tilespmem:v42+s24+$0x0] =	vst.idx.msk $0xffff, v31  }
0xed: {  	v24 =	vadd.f32 v24, v12;
	[tilespmem:v30+s24+$0x0] =	vst.idx.msk $0xffff, v17;
	v17 =	vadd.s32 v9, v34;
	v30 =	vld [tilespmem:s5+$0x10]  }
0xee: {  	[tilespmem:v22+s24+$0x0] =	vst.idx.msk $0xffff, v25;
	v22 =	vadd.f32 v23, v12;
	v25 =	vadd.s32 v9, v35;
	v23 =	vld [tilespmem:s5+$0xFFFFFF90]  }
0xef: {  	v26 =	vadd.f32 v26, v12;
	[tilespmem:v27+s24+$0x0] =	vst.idx.msk $0xffff, v24;
	v24 =	vadd.s32 v9, v38;
	v31 =	vld [tilespmem:s22+$0x60]  }
0xf0: {  	v27 =	vld [tilespmem:s22+$0xFFFFFFE0];
	[tilespmem:v28+s24+$0x0] =	vst.idx.msk $0xffff, v22;
	v22 =	vadd.s32 v9, v21;
	v28 =	vadd.f32 v49, v14  }
0xf1: {  	v50 =	vadd.s32 v10, v15;
	v51 =	vld [tilespmem:s22+$0x20];
	[tilespmem:v20+s24+$0x0] =	vst.idx.msk $0xffff, v26;
	v20 =	vadd.f32 v29, v14  }
0xf2: {  	v26 =	vld [tilespmem:s22+$0xFFFFFFA0];
	v29 =	vadd.s32 v10, v18;
	[tilespmem:v17+s24+$0x0] =	vst.idx.msk $0xffff, v28;
	v17 =	vadd.f32 v30, v14  }
0xf3: {  	v28 =	vadd.s32 v10, v19;
	v14 =	vadd.f32 v23, v14;
	v23 =	vld [tilespmem:s5+$0x60];
	[tilespmem:v25+s24+$0x0] =	vst.idx.msk $0xffff, v20  }
0xf4: {  	v20 =	vadd.f32 v31, v13;
	v25 =	vadd.s32 v10, v16;
	[tilespmem:v24+s24+$0x0] =	vst.idx.msk $0xffff, v17;
	v17 =	vld [tilespmem:s5+$0xFFFFFFE0]  }
0xf5: {  	v24 =	vadd.f32 v27, v13;
	[tilespmem:v22+s24+$0x0] =	vst.idx.msk $0xffff, v14;
	v14 =	vadd.s32 v10, v34;
	v22 =	vld [tilespmem:s5+$0x20]  }
0xf6: {  	v30 =	vadd.s32 v10, v35;
	[tilespmem:v50+s24+$0x0] =	vst.idx.msk $0xffff, v20;
	v20 =	vadd.f32 v51, v13;
	v27 =	vld [tilespmem:s5+$0xFFFFFFA0]  }
0xf7: {  	v26 =	vadd.f32 v26, v13;
	v31 =	vld [tilespmem:s22+$0x70];
	[tilespmem:v29+s24+$0x0] =	vst.idx.msk $0xffff, v24;
	v24 =	vadd.s32 v10, v38  }
0xf8: {  	v29 =	vld [tilespmem:s22+$0xFFFFFFF0];
	[tilespmem:v28+s24+$0x0] =	vst.idx.msk $0xffff, v20;
	v20 =	vadd.f32 v23, v13;
	v23 =	vadd.s32 v10, v21  }
0xf9: {  	v15 =	vadd.s32 v11, v15;
	[tilespmem:v25+s24+$0x0] =	vst.idx.msk $0xffff, v26;
	v25 =	vld [tilespmem:s22+$0x30];
	v17 =	vadd.f32 v17, v13  }
0xfa: {  	v18 =	vadd.s32 v11, v18;
	v26 =	vld [tilespmem:s22+$0xFFFFFFB0];
	[tilespmem:v14+s24+$0x0] =	vst.idx.msk $0xffff, v20;
	v14 =	vadd.f32 v22, v13  }
0xfb: {  	v19 =	vadd.s32 v11, v19;
	v20 =	vld [tilespmem:s5+$0x70];
	v13 =	vadd.f32 v27, v13;
	[tilespmem:v30+s24+$0x0] =	vst.idx.msk $0xffff, v17  }
0xfc: {  	v16 =	vadd.s32 v11, v16;
	v17 =	vadd.f32 v31, v12;
	v22 =	vld [tilespmem:s5+$0xFFFFFFF0];
	[tilespmem:v24+s24+$0x0] =	vst.idx.msk $0xffff, v14  }
0xfd: {  	v14 =	vadd.f32 v29, v12;
	v24 =	vadd.s32 v11, v34;
	[tilespmem:v23+s24+$0x0] =	vst.idx.msk $0xffff, v13;
	v13 =	vld [tilespmem:s5+$0x30]  }
0xfe: {  	v23 =	vadd.s32 v11, v35;
	[tilespmem:v15+s24+$0x0] =	vst.idx.msk $0xffff, v17;
	v15 =	vadd.f32 v25, v12;
	v17 =	vld [tilespmem:s5+$0xFFFFFFB0]  }
0xff: {  	v25 =	vadd.f32 v26, v12;
	[tilespmem:v18+s24+$0x0] =	vst.idx.msk $0xffff, v14;
	v14 =	vadd.s32 v11, v38  }
0x100: {  	v18 =	vadd.s32 v11, v21;
	[tilespmem:v19+s24+$0x0] =	vst.idx.msk $0xffff, v15;
	v15 =	vadd.f32 v20, v12  }
0x101: {  	[tilespmem:v16+s24+$0x0] =	vst.idx.msk $0xffff, v25;
	v16 =	vadd.f32 v22, v12  }
0x102: {  	p0 =	seq.s32 s21, $0x63;
	[tilespmem:v24+s24+$0x0] =	vst.idx.msk $0xffff, v15;
	v13 =	vadd.f32 v13, v12  }
0x103: {  	s5 =	sshll.u32 @!p0 s21, $0x8;
	v12 =	vadd.f32 v17, v12;
	[tilespmem:v23+s24+$0x0] =	vst.idx.msk $0xffff, v16  }
0x104: {  	s16 =	sshll.u32 s21, $0x10;
	s22 =	sand.u32 @!p0 $0x3FFFFF00, s5;
	[tilespmem:v14+s24+$0x0] =	vst.idx.msk $0xffff, v13  }
0x105: {  	s6 =	simm.s32 @!p0 $0x80;
	s15 =	simm.s32 @!p0 $0xFA00;
	s5 =	sadd.s32 @!p0 $0x6500, s22;
	[tilespmem:v18+s24+$0x0] =	vst.idx.msk $0xffff, v12  }
0x106: {  	[tilespmem:s15], [sflag:$0x1] =	stream.indirect.gather @!p0 [hbm4b:s4+s6], $0x40, s5, s6, $0xb8;
	[tilespmem:$0x17E00] =	vst v63  }
0x107: {  	s5 =	sor.u32 s7, s16  }
0x108: {  	s6 =	sadd.s32 s2, s5  }
0x109: {  	[hbm4b:s6+s3] =	stream.linear.scatter [tilespmem:s24], [sflag:$0x3], $0x80, $0x38;
	[tilespmem:$0x17E00] =	vst v63  }
0x10a: {  	s16 =	simm.s32 $0x13A88;
	s25 =	sadd.s32 $0x10, s6  }
0x10b: {  	[hbm4b:s25+s3] =	stream.linear.scatter [tilespmem:s16], [sflag:$0x3], $0x80, $0x38;
	[tilespmem:$0x17E00] =	vst v63  }
0x10c: {  	s16 =	sadd.s32 $0x20, s6;
	s25 =	simm.s32 $0x13B10  }
0x10d: {  	[hbm4b:s16+s3] =	stream.linear.scatter [tilespmem:s25], [sflag:$0x3], $0x80, $0x38;
	[tilespmem:$0x17E00] =	vst v63  }
0x10e: {  	s16 =	sadd.s32 $0x30, s6;
	s25 =	simm.s32 $0x13B98  }
0x10f: {  	[hbm4b:s16+s3] =	stream.linear.scatter [tilespmem:s25], [sflag:$0x3], $0x80, $0x38;
	[tilespmem:$0x17E00] =	vst v63  }
0x110: {  	s16 =	sadd.s32 $0x40, s6;
	s25 =	simm.s32 $0x13C20  }
0x111: {  	[hbm4b:s16+s3] =	stream.linear.scatter [tilespmem:s25], [sflag:$0x3], $0x80, $0x38;
	[tilespmem:$0x17E00] =	vst v63  }
0x112: {  	s16 =	sadd.s32 $0x50, s6;
	s25 =	simm.s32 $0x13CA8  }
0x113: {  	[hbm4b:s16+s3] =	stream.linear.scatter [tilespmem:s25], [sflag:$0x3], $0x80, $0x38;
	[tilespmem:$0x17E00] =	vst v63  }
0x114: {  	s16 =	sadd.s32 $0x60, s6;
	s25 =	simm.s32 $0x13D30  }
0x115: {  	[hbm4b:s16+s3] =	stream.linear.scatter [tilespmem:s25], [sflag:$0x3], $0x80, $0x38;
	[tilespmem:$0x17E00] =	vst v63  }
0x116: {  	s6 =	sadd.s32 $0x70, s6;
	s16 =	simm.s32 $0x13DB8  }
0x117: {  	[hbm4b:s6+s3] =	stream.linear.scatter [tilespmem:s16], [sflag:$0x3], $0x80, $0x38;
	[tilespmem:$0x17E00] =	vst v63  }
0x118: {  	s25 =	simm.s32 $0x13E40;
	s6 =	sadd.s32 s5, s8  }
0x119: {  	[hbm4b:s6+s3] =	stream.linear.scatter [tilespmem:s25], [sflag:$0x3], $0x80, $0x38;
	[tilespmem:$0x17E00] =	vst v63  }
0x11a: {  	s16 =	sadd.s32 $0x10, s6;
	s25 =	simm.s32 $0x13EC8  }
0x11b: {  	[hbm4b:s16+s3] =	stream.linear.scatter [tilespmem:s25], [sflag:$0x3], $0x80, $0x38;
	[tilespmem:$0x17E00] =	vst v63  }
0x11c: {  	s16 =	sadd.s32 $0x20, s6;
	s25 =	simm.s32 $0x13F50  }
0x11d: {  	[hbm4b:s16+s3] =	stream.linear.scatter [tilespmem:s25], [sflag:$0x3], $0x80, $0x38;
	[tilespmem:$0x17E00] =	vst v63  }
0x11e: {  	s16 =	sadd.s32 $0x30, s6;
	s25 =	simm.s32 $0x13FD8  }
0x11f: {  	[hbm4b:s16+s3] =	stream.linear.scatter [tilespmem:s25], [sflag:$0x3], $0x80, $0x38;
	[tilespmem:$0x17E00] =	vst v63  }
0x120: {  	s16 =	sadd.s32 $0x40, s6;
	s25 =	simm.s32 $0x14060  }
0x121: {  	[hbm4b:s16+s3] =	stream.linear.scatter [tilespmem:s25], [sflag:$0x3], $0x80, $0x38;
	[tilespmem:$0x17E00] =	vst v63  }
0x122: {  	s16 =	sadd.s32 $0x50, s6;
	s25 =	simm.s32 $0x140E8  }
0x123: {  	[hbm4b:s16+s3] =	stream.linear.scatter [tilespmem:s25], [sflag:$0x3], $0x80, $0x38;
	[tilespmem:$0x17E00] =	vst v63  }
0x124: {  	s16 =	sadd.s32 $0x60, s6;
	s25 =	simm.s32 $0x14170  }
0x125: {  	[hbm4b:s16+s3] =	stream.linear.scatter [tilespmem:s25], [sflag:$0x3], $0x80, $0x38;
	[tilespmem:$0x17E00] =	vst v63  }
0x126: {  	s6 =	sadd.s32 $0x70, s6;
	s16 =	simm.s32 $0x141F8  }
0x127: {  	[hbm4b:s6+s3] =	stream.linear.scatter [tilespmem:s16], [sflag:$0x3], $0x80, $0x38;
	[tilespmem:$0x17E00] =	vst v63  }
0x128: {  	s25 =	simm.s32 $0x14280;
	s6 =	sadd.s32 s5, s9  }
0x129: {  	[hbm4b:s6+s3] =	stream.linear.scatter [tilespmem:s25], [sflag:$0x3], $0x80, $0x38;
	[tilespmem:$0x17E00] =	vst v63  }
0x12a: {  	s16 =	sadd.s32 $0x10, s6;
	s25 =	simm.s32 $0x14308  }
0x12b: {  	[hbm4b:s16+s3] =	stream.linear.scatter [tilespmem:s25], [sflag:$0x3], $0x80, $0x38;
	[tilespmem:$0x17E00] =	vst v63  }
0x12c: {  	s16 =	sadd.s32 $0x20, s6;
	s25 =	simm.s32 $0x14390  }
0x12d: {  	[hbm4b:s16+s3] =	stream.linear.scatter [tilespmem:s25], [sflag:$0x3], $0x80, $0x38;
	[tilespmem:$0x17E00] =	vst v63  }
0x12e: {  	s16 =	sadd.s32 $0x30, s6;
	s25 =	simm.s32 $0x14418  }
0x12f: {  	[hbm4b:s16+s3] =	stream.linear.scatter [tilespmem:s25], [sflag:$0x3], $0x80, $0x38;
	[tilespmem:$0x17E00] =	vst v63  }
0x130: {  	s16 =	sadd.s32 $0x40, s6;
	s25 =	simm.s32 $0x144A0  }
0x131: {  	[hbm4b:s16+s3] =	stream.linear.scatter [tilespmem:s25], [sflag:$0x3], $0x80, $0x38;
	[tilespmem:$0x17E00] =	vst v63  }
0x132: {  	s16 =	sadd.s32 $0x50, s6;
	s25 =	simm.s32 $0x14528  }
0x133: {  	[hbm4b:s16+s3] =	stream.linear.scatter [tilespmem:s25], [sflag:$0x3], $0x80, $0x38;
	[tilespmem:$0x17E00] =	vst v63  }
0x134: {  	s16 =	sadd.s32 $0x60, s6;
	s25 =	simm.s32 $0x145B0  }
0x135: {  	[hbm4b:s16+s3] =	stream.linear.scatter [tilespmem:s25], [sflag:$0x3], $0x80, $0x38;
	[tilespmem:$0x17E00] =	vst v63  }
0x136: {  	s6 =	sadd.s32 $0x70, s6;
	s16 =	simm.s32 $0x14638  }
0x137: {  	[hbm4b:s6+s3] =	stream.linear.scatter [tilespmem:s16], [sflag:$0x3], $0x80, $0x38;
	[tilespmem:$0x17E00] =	vst v63  }
0x138: {  	s25 =	simm.s32 $0x146C0;
	s6 =	sadd.s32 s5, s10  }
0x139: {  	[hbm4b:s6+s3] =	stream.linear.scatter [tilespmem:s25], [sflag:$0x3], $0x80, $0x38;
	[tilespmem:$0x17E00] =	vst v63  }
0x13a: {  	s16 =	sadd.s32 $0x10, s6;
	s25 =	simm.s32 $0x14748  }
0x13b: {  	[hbm4b:s16+s3] =	stream.linear.scatter [tilespmem:s25], [sflag:$0x3], $0x80, $0x38;
	[tilespmem:$0x17E00] =	vst v63  }
0x13c: {  	s16 =	sadd.s32 $0x20, s6;
	s25 =	simm.s32 $0x147D0  }
0x13d: {  	[hbm4b:s16+s3] =	stream.linear.scatter [tilespmem:s25], [sflag:$0x3], $0x80, $0x38;
	[tilespmem:$0x17E00] =	vst v63  }
0x13e: {  	s16 =	sadd.s32 $0x30, s6;
	s25 =	simm.s32 $0x14858  }
0x13f: {  	[hbm4b:s16+s3] =	stream.linear.scatter [tilespmem:s25], [sflag:$0x3], $0x80, $0x38;
	[tilespmem:$0x17E00] =	vst v63  }
0x140: {  	s16 =	sadd.s32 $0x40, s6;
	s25 =	simm.s32 $0x148E0  }
0x141: {  	[hbm4b:s16+s3] =	stream.linear.scatter [tilespmem:s25], [sflag:$0x3], $0x80, $0x38;
	[tilespmem:$0x17E00] =	vst v63  }
0x142: {  	s16 =	sadd.s32 $0x50, s6;
	s25 =	simm.s32 $0x14968  }
0x143: {  	[hbm4b:s16+s3] =	stream.linear.scatter [tilespmem:s25], [sflag:$0x3], $0x80, $0x38;
	[tilespmem:$0x17E00] =	vst v63  }
0x144: {  	s16 =	sadd.s32 $0x60, s6;
	s25 =	simm.s32 $0x149F0  }
0x145: {  	[hbm4b:s16+s3] =	stream.linear.scatter [tilespmem:s25], [sflag:$0x3], $0x80, $0x38;
	[tilespmem:$0x17E00] =	vst v63  }
0x146: {  	s6 =	sadd.s32 $0x70, s6;
	s16 =	simm.s32 $0x14A78  }
0x147: {  	[hbm4b:s6+s3] =	stream.linear.scatter [tilespmem:s16], [sflag:$0x3], $0x80, $0x38;
	[tilespmem:$0x17E00] =	vst v63  }
0x148: {  	s25 =	simm.s32 $0x14B00;
	s6 =	sadd.s32 s5, s11  }
0x149: {  	[hbm4b:s6+s3] =	stream.linear.scatter [tilespmem:s25], [sflag:$0x3], $0x80, $0x38;
	[tilespmem:$0x17E00] =	vst v63  }
0x14a: {  	s16 =	sadd.s32 $0x10, s6;
	s25 =	simm.s32 $0x14B88  }
0x14b: {  	[hbm4b:s16+s3] =	stream.linear.scatter [tilespmem:s25], [sflag:$0x3], $0x80, $0x38;
	[tilespmem:$0x17E00] =	vst v63  }
0x14c: {  	s16 =	sadd.s32 $0x20, s6;
	s25 =	simm.s32 $0x14C10  }
0x14d: {  	[hbm4b:s16+s3] =	stream.linear.scatter [tilespmem:s25], [sflag:$0x3], $0x80, $0x38;
	[tilespmem:$0x17E00] =	vst v63  }
0x14e: {  	s16 =	sadd.s32 $0x30, s6;
	s25 =	simm.s32 $0x14C98  }
0x14f: {  	[hbm4b:s16+s3] =	stream.linear.scatter [tilespmem:s25], [sflag:$0x3], $0x80, $0x38;
	[tilespmem:$0x17E00] =	vst v63  }
0x150: {  	s16 =	sadd.s32 $0x40, s6;
	s25 =	simm.s32 $0x14D20  }
0x151: {  	[hbm4b:s16+s3] =	stream.linear.scatter [tilespmem:s25], [sflag:$0x3], $0x80, $0x38;
	[tilespmem:$0x17E00] =	vst v63  }
0x152: {  	s16 =	sadd.s32 $0x50, s6;
	s25 =	simm.s32 $0x14DA8  }
0x153: {  	[hbm4b:s16+s3] =	stream.linear.scatter [tilespmem:s25], [sflag:$0x3], $0x80, $0x38;
	[tilespmem:$0x17E00] =	vst v63  }
0x154: {  	s16 =	sadd.s32 $0x60, s6;
	s25 =	simm.s32 $0x14E30  }
0x155: {  	[hbm4b:s16+s3] =	stream.linear.scatter [tilespmem:s25], [sflag:$0x3], $0x80, $0x38;
	[tilespmem:$0x17E00] =	vst v63  }
0x156: {  	s6 =	sadd.s32 $0x70, s6;
	s16 =	simm.s32 $0x14EB8  }
0x157: {  	[hbm4b:s6+s3] =	stream.linear.scatter [tilespmem:s16], [sflag:$0x3], $0x80, $0x38;
	[tilespmem:$0x17E00] =	vst v63  }
0x158: {  	s25 =	simm.s32 $0x14F40;
	s6 =	sadd.s32 s5, s12  }
0x159: {  	[hbm4b:s6+s3] =	stream.linear.scatter [tilespmem:s25], [sflag:$0x3], $0x80, $0x38;
	[tilespmem:$0x17E00] =	vst v63  }
0x15a: {  	s16 =	sadd.s32 $0x10, s6;
	s25 =	simm.s32 $0x14FC8  }
0x15b: {  	[hbm4b:s16+s3] =	stream.linear.scatter [tilespmem:s25], [sflag:$0x3], $0x80, $0x38;
	[tilespmem:$0x17E00] =	vst v63  }
0x15c: {  	s16 =	sadd.s32 $0x20, s6;
	s25 =	simm.s32 $0x15050  }
0x15d: {  	[hbm4b:s16+s3] =	stream.linear.scatter [tilespmem:s25], [sflag:$0x3], $0x80, $0x38;
	[tilespmem:$0x17E00] =	vst v63  }
0x15e: {  	s16 =	sadd.s32 $0x30, s6;
	s25 =	simm.s32 $0x150D8  }
0x15f: {  	[hbm4b:s16+s3] =	stream.linear.scatter [tilespmem:s25], [sflag:$0x3], $0x80, $0x38;
	[tilespmem:$0x17E00] =	vst v63  }
0x160: {  	s16 =	sadd.s32 $0x40, s6;
	s25 =	simm.s32 $0x15160  }
0x161: {  	[hbm4b:s16+s3] =	stream.linear.scatter [tilespmem:s25], [sflag:$0x3], $0x80, $0x38;
	[tilespmem:$0x17E00] =	vst v63  }
0x162: {  	s16 =	sadd.s32 $0x50, s6;
	s25 =	simm.s32 $0x151E8  }
0x163: {  	[hbm4b:s16+s3] =	stream.linear.scatter [tilespmem:s25], [sflag:$0x3], $0x80, $0x38;
	[tilespmem:$0x17E00] =	vst v63  }
0x164: {  	s16 =	sadd.s32 $0x60, s6;
	s25 =	simm.s32 $0x15270  }
0x165: {  	[hbm4b:s16+s3] =	stream.linear.scatter [tilespmem:s25], [sflag:$0x3], $0x80, $0x38;
	[tilespmem:$0x17E00] =	vst v63  }
0x166: {  	s6 =	sadd.s32 $0x70, s6;
	s16 =	simm.s32 $0x152F8  }
0x167: {  	[hbm4b:s6+s3] =	stream.linear.scatter [tilespmem:s16], [sflag:$0x3], $0x80, $0x38;
	[tilespmem:$0x17E00] =	vst v63  }
0x168: {  	s25 =	simm.s32 $0x15380;
	s6 =	sadd.s32 s5, s13  }
0x169: {  	[hbm4b:s6+s3] =	stream.linear.scatter [tilespmem:s25], [sflag:$0x3], $0x80, $0x38;
	[tilespmem:$0x17E00] =	vst v63  }
0x16a: {  	s16 =	sadd.s32 $0x10, s6;
	s25 =	simm.s32 $0x15408  }
0x16b: {  	[hbm4b:s16+s3] =	stream.linear.scatter [tilespmem:s25], [sflag:$0x3], $0x80, $0x38;
	[tilespmem:$0x17E00] =	vst v63  }
0x16c: {  	s16 =	sadd.s32 $0x20, s6;
	s25 =	simm.s32 $0x15490  }
0x16d: {  	[hbm4b:s16+s3] =	stream.linear.scatter [tilespmem:s25], [sflag:$0x3], $0x80, $0x38;
	[tilespmem:$0x17E00] =	vst v63  }
0x16e: {  	s16 =	sadd.s32 $0x30, s6;
	s25 =	simm.s32 $0x15518  }
0x16f: {  	[hbm4b:s16+s3] =	stream.linear.scatter [tilespmem:s25], [sflag:$0x3], $0x80, $0x38;
	[tilespmem:$0x17E00] =	vst v63  }
0x170: {  	s16 =	sadd.s32 $0x40, s6;
	s25 =	simm.s32 $0x155A0  }
0x171: {  	[hbm4b:s16+s3] =	stream.linear.scatter [tilespmem:s25], [sflag:$0x3], $0x80, $0x38;
	[tilespmem:$0x17E00] =	vst v63  }
0x172: {  	s16 =	sadd.s32 $0x50, s6;
	s25 =	simm.s32 $0x15628  }
0x173: {  	[hbm4b:s16+s3] =	stream.linear.scatter [tilespmem:s25], [sflag:$0x3], $0x80, $0x38;
	[tilespmem:$0x17E00] =	vst v63  }
0x174: {  	s16 =	sadd.s32 $0x60, s6;
	s25 =	simm.s32 $0x156B0  }
0x175: {  	[hbm4b:s16+s3] =	stream.linear.scatter [tilespmem:s25], [sflag:$0x3], $0x80, $0x38;
	[tilespmem:$0x17E00] =	vst v63  }
0x176: {  	s6 =	sadd.s32 $0x70, s6;
	s25 =	simm.s32 $0x15738  }
0x177: {  	[hbm4b:s6+s3] =	stream.linear.scatter [tilespmem:s25], [sflag:$0x3], $0x80, $0x38;
	[tilespmem:$0x17E00] =	vst v63  }
0x178: {  	s15 =	simm.s32 $0x157C0;
	s5 =	sadd.s32 s5, s14  }
0x179: {  	[hbm4b:s5+s3] =	stream.linear.scatter [tilespmem:s15], [sflag:$0x3], $0x80, $0x38;
	[tilespmem:$0x17E00] =	vst v63  }
0x17a: {  	s16 =	sadd.s32 $0x10, s5;
	s25 =	simm.s32 $0x15848  }
0x17b: {  	[hbm4b:s16+s3] =	stream.linear.scatter [tilespmem:s25], [sflag:$0x3], $0x80, $0x38;
	[tilespmem:$0x17E00] =	vst v63  }
0x17c: {  	s16 =	sadd.s32 $0x20, s5;
	s25 =	simm.s32 $0x158D0  }
0x17d: {  	[hbm4b:s16+s3] =	stream.linear.scatter [tilespmem:s25], [sflag:$0x3], $0x80, $0x38;
	[tilespmem:$0x17E00] =	vst v63  }
0x17e: {  	s16 =	sadd.s32 $0x30, s5;
	s25 =	simm.s32 $0x15958  }
0x17f: {  	[hbm4b:s16+s3] =	stream.linear.scatter [tilespmem:s25], [sflag:$0x3], $0x80, $0x38;
	[tilespmem:$0x17E00] =	vst v63  }
0x180: {  	s16 =	sadd.s32 $0x40, s5;
	s25 =	simm.s32 $0x159E0  }
0x181: {  	[hbm4b:s16+s3] =	stream.linear.scatter [tilespmem:s25], [sflag:$0x3], $0x80, $0x38;
	[tilespmem:$0x17E00] =	vst v63  }
0x182: {  	s16 =	sadd.s32 $0x50, s5;
	s25 =	simm.s32 $0x15A68  }
0x183: {  	[hbm4b:s16+s3] =	stream.linear.scatter [tilespmem:s25], [sflag:$0x3], $0x80, $0x38;
	[tilespmem:$0x17E00] =	vst v63  }
0x184: {  	s15 =	sadd.s32 $0x60, s5;
	s16 =	simm.s32 $0x15AF0  }
0x185: {  	[hbm4b:s15+s3] =	stream.linear.scatter [tilespmem:s16], [sflag:$0x3], $0x80, $0x38;
	[tilespmem:$0x17E00] =	vst v63  }
0x186: {  	s5 =	sadd.s32 $0x70, s5;
	s25 =	simm.s32 $0x15B78  }
0x187: {  	[hbm4b:s5+s3] =	stream.linear.scatter [tilespmem:s25], [sflag:$0x3], $0x80, $0x38;
	[tilespmem:$0x17E00] =	vst v63  }
0x188: {  	_ =	swait.ge [sflag:s19], $0x2000  }
0x189: {  	[sflag:s19] =	ssyncset.done $0x0  }
0x18a: {  	s5 =	simm.s32 @!p1 $0x4;
	[sflag:s19] =	ssyncadd.s32 $0xFFFFE000  }
0x18b: {  	s18 =	sor.u32 $0x1, s18;
	_ =	swait.ge @!p1 [sflag:s5], $0x2000  }
0x18c: {  	s15 =	sshll.u32 s18, $0x6;
	[sflag:s5] =	ssyncset.done @!p1 $0x0  }
0x18d: {  	[sflag:s5] =	ssyncadd.s32 @!p1 $0xFFFFE000;
	s5 =	sand.u32 $0x3FFFFFC0, s15  }
0x18e: {  	s6 =	simm.s32 $0x11A80;
	s16 =	simm.s32 $0x3;
	v17 =	vld [tilespmem:s5+$0xC800]  }
0x18f: {  	v12 =	vmov s16;
	v15 =	vld [tilespmem:s6+$0x40]  }
0x190: {  	v21 =	vand.u32 $0x7F, v12  }
0x191: {  	s25 =	simm.s32 $0x0;
	v16 =	vadd.s32 v5, v21;
	v14 =	vld [tilespmem:s5+$0xC810]  }
0x192: {  	s16 =	simm.s32 $0x1;
	v12 =	vmov s25;
	s25 =	simm.s32 $0x2;
	v18 =	vld [tilespmem:s6+$0xFFFFFF80]  }
0x193: {  	v20 =	vand.u32 $0x7C, v12;
	v12 =	vmov s16;
	v22 =	vmov s25;
	v19 =	vld [tilespmem:s6+$0xFFFFFFC0]  }
0x194: {  	v23 =	vadd.s32 v5, v20;
	v27 =	vand.u32 $0x7D, v12;
	v24 =	vld [tilespmem:s6+$0x0];
	v15 =	vadd.f32 v15, v17  }
0x195: {  	v28 =	vand.u32 $0x7E, v22;
	v25 =	vadd.s32 v5, v27;
	v13 =	vld [tilespmem:s5+$0xC820]  }
0x196: {  	v22 =	vadd.s32 v5, v28;
	v12 =	vld [tilespmem:s5+$0xC830];
	[tilespmem:v16+s20+$0x0] =	vst.idx.msk $0xffff, v15  }
0x197: {  	v15 =	vadd.f32 v18, v17;
	v16 =	vld [tilespmem:s6+$0x50]  }
0x198: {  	v18 =	vadd.f32 v19, v17  }
0x199: {  	v19 =	vadd.s32 v9, v21;
	[tilespmem:v23+s20+$0x0] =	vst.idx.msk $0xffff, v15;
	v15 =	vadd.f32 v24, v17  }
0x19a: {  	[tilespmem:v25+s20+$0x0] =	vst.idx.msk $0xffff, v18;
	v23 =	vld [tilespmem:s6+$0xFFFFFF90]  }
0x19b: {  	v18 =	vld [tilespmem:s6+$0xFFFFFFD0];
	[tilespmem:v22+s20+$0x0] =	vst.idx.msk $0xffff, v15  }
0x19c: {  	v22 =	vld [tilespmem:s6+$0x10];
	v15 =	vadd.f32 v16, v14  }
0x19d: {  	v54 =	vadd.s32 v10, v21;
	s25 =	simm.s32 $0x7;
	s5 =	simm.s32 $0x11B80;
	v24 =	vadd.s32 v9, v27  }
0x19e: {  	v61 =	vadd.s32 v11, v21;
	s16 =	simm.s32 $0x4;
	v26 =	vld [tilespmem:s5+$0x40];
	v25 =	vadd.s32 v9, v28;
	[tilespmem:v19+s20+$0x0] =	vst.idx.msk $0xffff, v15;
	v15 =	vmov s25  }
0x19f: {  	v29 =	vadd.s32 v9, v20;
	v16 =	vmov s16;
	v15 =	vand.u32 $0x7F, v15;
	v30 =	vld [tilespmem:s6+$0x60]  }
0x1a0: {  	v31 =	vld [tilespmem:s5+$0xFFFFFF80];
	v16 =	vand.u32 $0x7C, v16;
	v18 =	vadd.f32 v18, v14;
	s25 =	simm.s32 $0x5;
	v52 =	vadd.s32 v5, v15  }
0x1a1: {  	v53 =	vld [tilespmem:s5+$0xFFFFFFC0];
	s16 =	simm.s32 $0x6;
	v23 =	vadd.f32 v23, v14;
	v19 =	vadd.f32 v22, v14;
	v22 =	vmov s25  }
0x1a2: {  	v55 =	vadd.s32 v5, v16;
	[tilespmem:v24+s20+$0x0] =	vst.idx.msk $0xffff, v18;
	v24 =	vmov s16;
	v18 =	vand.u32 $0x7D, v22;
	v22 =	vld [tilespmem:s5+$0x0]  }
0x1a3: {  	[tilespmem:v25+s20+$0x0] =	vst.idx.msk $0xffff, v19;
	v25 =	vadd.s32 v5, v18;
	v19 =	vand.u32 $0x7E, v24;
	v24 =	vadd.f32 v26, v17;
	v26 =	vld [tilespmem:s6+$0xFFFFFFE0]  }
0x1a4: {  	[tilespmem:v29+s20+$0x0] =	vst.idx.msk $0xffff, v23;
	v23 =	vadd.s32 v5, v19;
	v29 =	vld [tilespmem:s6+$0x20];
	v30 =	vadd.f32 v30, v13  }
0x1a5: {  	v56 =	vadd.s32 v10, v27;
	v31 =	vadd.f32 v31, v17;
	[tilespmem:v52+s20+$0x0] =	vst.idx.msk $0xffff, v24;
	v24 =	vld [tilespmem:s6+$0xFFFFFFA0]  }
0x1a6: {  	v58 =	vadd.s32 v10, v28;
	v33 =	vadd.f32 v53, v17;
	v57 =	vld [tilespmem:s5+$0x50];
	[tilespmem:v54+s20+$0x0] =	vst.idx.msk $0xffff, v30  }
0x1a7: {  	[tilespmem:v55+s20+$0x0] =	vst.idx.msk $0xffff, v31;
	v31 =	vadd.s32 v10, v20;
	v22 =	vadd.f32 v22, v17;
	v34 =	vld [tilespmem:s6+$0x70]  }
0x1a8: {  	v59 =	vadd.s32 v9, v15;
	v35 =	vld [tilespmem:s5+$0xFFFFFF90];
	[tilespmem:v25+s20+$0x0] =	vst.idx.msk $0xffff, v33;
	v26 =	vadd.f32 v26, v13  }
0x1a9: {  	v27 =	vadd.s32 v11, v27;
	v60 =	vld [tilespmem:s5+$0xFFFFFFD0];
	[tilespmem:v23+s20+$0x0] =	vst.idx.msk $0xffff, v22;
	v22 =	vadd.f32 v29, v13  }
0x1aa: {  	v30 =	vadd.s32 v9, v16;
	v25 =	vld [tilespmem:s5+$0x10];
	[tilespmem:v56+s20+$0x0] =	vst.idx.msk $0xffff, v26;
	v21 =	vadd.f32 v24, v13  }
0x1ab: {  	v29 =	vadd.s32 v9, v18;
	v24 =	vld [tilespmem:s6+$0xFFFFFFF0];
	[tilespmem:v58+s20+$0x0] =	vst.idx.msk $0xffff, v22;
	v26 =	vadd.f32 v57, v14  }
0x1ac: {  	s15 =	simm.s32 $0x8;
	v22 =	vadd.s32 v9, v19;
	v23 =	vld [tilespmem:s6+$0x30];
	[tilespmem:v31+s20+$0x0] =	vst.idx.msk $0xffff, v21;
	v63 =	vadd.f32 v34, v12  }
0x1ad: {  	v62 =	vmov s15;
	v28 =	vadd.s32 v11, v28;
	s25 =	simm.s32 $0xB;
	v32 =	vadd.f32 v35, v14;
	[tilespmem:v59+s20+$0x0] =	vst.idx.msk $0xffff, v26;
	v26 =	vld [tilespmem:s6+$0xFFFFFFB0];
	s6 =	simm.s32 $0x11C80  }
0x1ae: {  	s16 =	simm.s32 $0xC;
	v21 =	vand.u32 $0x7C, v62;
	v34 =	vmov s25;
	v33 =	vadd.f32 v60, v14;
	v31 =	vld [tilespmem:s6+$0x40];
	[tilespmem:v61+s20+$0x0] =	vst.idx.msk $0xffff, v63  }
.LBB2_7:
0x1af: {  	p1 =	slt.u32 s16, $0x7C;
	s25 =	sadd.s32 $0x1, s15;
	v34 =	vand.u32 $0x7F, v34;
	[tilespmem:v30+s20+$0x0] =	vst.idx.msk $0xffff, v32;
	v25 =	vadd.f32 v25, v14;
	v30 =	vld [tilespmem:s5+$0x60];
	v32 =	vadd.s32 v11, v20  }
0x1b0: {  	v38 =	vmovc v19;
	v35 =	vld [tilespmem:s6+$0xFFFFFF80];
	v36 =	vmov s25;
	s25 =	sadd.s32 $0x2, s15;
	v37 =	vadd.s32 v5, v34;
	[tilespmem:v29+s20+$0x0] =	vst.idx.msk $0xffff, v33;
	v24 =	vadd.f32 v24, v12;
	s15 =	smov.u32 s16  }
0x1b1: {  	v20 =	vmovc v16;
	v29 =	vld [tilespmem:s6+$0xFFFFFFC0];
	v19 =	vmov s25;
	[tilespmem:v22+s20+$0x0] =	vst.idx.msk $0xffff, v25;
	v22 =	vadd.s32 v10, v15;
	v23 =	vadd.f32 v23, v12  }
0x1b2: {  	v25 =	vadd.s32 v5, v21;
	v36 =	vand.u32 $0x7D, v36;
	v33 =	vld [tilespmem:s6+$0x0];
	v39 =	vadd.f32 v26, v12;
	[tilespmem:v27+s20+$0x0] =	vst.idx.msk $0xffff, v24  }
0x1b3: {  	v24 =	vadd.s32 v5, v36;
	v19 =	vand.u32 $0x7E, v19;
	v26 =	vadd.f32 v31, v17;
	v27 =	vld [tilespmem:s5+$0xFFFFFFE0];
	[tilespmem:v28+s20+$0x0] =	vst.idx.msk $0xffff, v23  }
0x1b4: {  	v16 =	vmov v21;
	v23 =	vadd.s32 v5, v19;
	v28 =	vld [tilespmem:s5+$0x20];
	v30 =	vadd.f32 v30, v13;
	[tilespmem:v32+s20+$0x0] =	vst.idx.msk $0xffff, v39  }
0x1b5: {  	v31 =	vadd.s32 v10, v18;
	v21 =	vadd.f32 v35, v17;
	[tilespmem:v37+s20+$0x0] =	vst.idx.msk $0xffff, v26;
	v26 =	vld [tilespmem:s5+$0xFFFFFFA0]  }
0x1b6: {  	v35 =	vadd.s32 v10, v38;
	v29 =	vadd.f32 v29, v17;
	v32 =	vld [tilespmem:s6+$0x50];
	[tilespmem:v22+s20+$0x0] =	vst.idx.msk $0xffff, v30  }
0x1b7: {  	[tilespmem:v25+s20+$0x0] =	vst.idx.msk $0xffff, v21;
	v21 =	vadd.f32 v33, v17;
	v33 =	vadd.s32 v10, v20;
	v37 =	vld [tilespmem:s5+$0x70]  }
0x1b8: {  	v40 =	vadd.s32 v9, v34;
	v39 =	vld [tilespmem:s6+$0xFFFFFF90];
	[tilespmem:v24+s20+$0x0] =	vst.idx.msk $0xffff, v29;
	v22 =	vadd.f32 v27, v13  }
0x1b9: {  	v42 =	vadd.s32 v11, v15;
	v15 =	vmov v34;
	v41 =	vld [tilespmem:s6+$0xFFFFFFD0];
	[tilespmem:v23+s20+$0x0] =	vst.idx.msk $0xffff, v21;
	v21 =	vadd.f32 v28, v13  }
.Ltmp2:
0x1ba: {  	v30 =	vadd.s32 v9, v16;
	v25 =	vld [tilespmem:s6+$0x10];
	v23 =	vadd.f32 v26, v13;
	[tilespmem:v31+s20+$0x0] =	vst.idx.msk $0xffff, v22;
	(pc) =	sbr.rel @p1 .LBB2_7-.Ltmp2, $4  }
0x1bb: {  	v29 =	vadd.s32 v9, v36;
	v26 =	vadd.f32 v32, v14;
	v24 =	vld [tilespmem:s5+$0xFFFFFFF0];
	[tilespmem:v35+s20+$0x0] =	vst.idx.msk $0xffff, v21  }
0x1bc: {  	v22 =	vadd.s32 v9, v19;
	v21 =	vmov s16;
	[tilespmem:v33+s20+$0x0] =	vst.idx.msk $0xffff, v23;
	v23 =	vld [tilespmem:s5+$0x30];
	v35 =	vadd.f32 v37, v12  }
0x1bd: {  	s25 =	sadd.s32 $0x3, s16;
	v27 =	vadd.s32 v11, v18;
	v21 =	vand.u32 $0x7C, v21;
	v32 =	vadd.f32 v39, v14;
	[tilespmem:v40+s20+$0x0] =	vst.idx.msk $0xffff, v26;
	v26 =	vld [tilespmem:s5+$0xFFFFFFB0];
	s5 =	smov.u32 s6;
	s6 =	sadd.s32 $0x100, s6  }
0x1be: {  	v34 =	vmov s25;
	v18 =	vmovc v36;
	v28 =	vadd.s32 v11, v38;
	s16 =	sadd.s32 $0x4, s16;
	v31 =	vld [tilespmem:s6+$0x40];
	v33 =	vadd.f32 v41, v14;
	[tilespmem:v42+s20+$0x0] =	vst.idx.msk $0xffff, v35  }
0x1bf: {  	v36 =	vld [tilespmem:s6+$0xFFFFFFC0]  }
0x1c0: {  	s16 =	sadd.s32 $0x1, s15;
	v34 =	vand.u32 $0x7F, v34;
	v40 =	vld [tilespmem:s6+$0xFFFFFF80]  }
0x1c1: {  	s25 =	sadd.s32 $0x2, s15;
	v35 =	vmov s16;
	v38 =	vadd.s32 v5, v34  }
0x1c2: {  	v39 =	vld [tilespmem:s6+$0x0];
	v61 =	vadd.s32 v5, v21;
	v37 =	vmov s25;
	v35 =	vand.u32 $0x7D, v35  }
0x1c3: {  	v37 =	vand.u32 $0x7E, v37;
	v41 =	vadd.s32 v5, v35  }
0x1c4: {  	v42 =	vadd.s32 v5, v37;
	v31 =	vadd.f32 v31, v17  }
0x1c5: {  	[tilespmem:v30+s20+$0x0] =	vst.idx.msk $0xffff, v32;
	v62 =	vadd.f32 v36, v17;
	v36 =	vadd.f32 v40, v17  }
0x1c6: {  	[tilespmem:v38+s20+$0x0] =	vst.idx.msk $0xffff, v31  }
0x1c7: {  	v44 =	vld [tilespmem:s5+$0x60];
	v63 =	vadd.f32 v39, v17;
	[tilespmem:v61+s20+$0x0] =	vst.idx.msk $0xffff, v36  }
0x1c8: {  	v20 =	vadd.s32 v11, v20;
	v38 =	vld [tilespmem:s6+$0x50];
	[tilespmem:v41+s20+$0x0] =	vst.idx.msk $0xffff, v62  }
0x1c9: {  	v25 =	vadd.f32 v25, v14;
	v49 =	vadd.s32 v10, v15;
	[tilespmem:v42+s20+$0x0] =	vst.idx.msk $0xffff, v63;
	v42 =	vld [tilespmem:s6+$0xFFFFFF90]  }
0x1ca: {  	[tilespmem:v29+s20+$0x0] =	vst.idx.msk $0xffff, v33;
	v24 =	vadd.f32 v24, v12;
	v39 =	vadd.s32 v9, v34;
	v29 =	vld [tilespmem:s6+$0xFFFFFFD0]  }
0x1cb: {  	v47 =	vadd.s32 v9, v21;
	[tilespmem:v22+s20+$0x0] =	vst.idx.msk $0xffff, v25;
	v26 =	vadd.f32 v26, v12;
	v40 =	vld [tilespmem:s6+$0x10]  }
0x1cc: {  	v52 =	vld [tilespmem:s5+$0xFFFFFFA0];
	v43 =	vadd.s32 v9, v35;
	[tilespmem:v27+s20+$0x0] =	vst.idx.msk $0xffff, v24;
	v58 =	vadd.f32 v44, v13  }
0x1cd: {  	v45 =	vadd.s32 v9, v37;
	v50 =	vld [tilespmem:s5+$0x20];
	[tilespmem:v20+s20+$0x0] =	vst.idx.msk $0xffff, v26;
	v48 =	vadd.f32 v38, v14  }
0x1ce: {  	v59 =	vadd.s32 v10, v16;
	[tilespmem:v49+s20+$0x0] =	vst.idx.msk $0xffff, v58;
	v56 =	vadd.f32 v42, v14  }
0x1cf: {  	v55 =	vadd.s32 v10, v19;
	v46 =	vld [tilespmem:s5+$0xFFFFFFE0];
	v51 =	vadd.f32 v29, v14;
	[tilespmem:v39+s20+$0x0] =	vst.idx.msk $0xffff, v48  }
0x1d0: {  	v54 =	vadd.f32 v40, v14;
	v57 =	vld [tilespmem:s6+$0x60];
	[tilespmem:v47+s20+$0x0] =	vst.idx.msk $0xffff, v56  }
0x1d1: {  	v53 =	vadd.s32 v10, v18;
	v26 =	vadd.f32 v52, v13;
	[tilespmem:v43+s20+$0x0] =	vst.idx.msk $0xffff, v51;
	v36 =	vld [tilespmem:s6+$0xFFFFFFA0]  }
0x1d2: {  	v62 =	vadd.s32 v10, v34;
	v33 =	vadd.f32 v50, v13;
	[tilespmem:v45+s20+$0x0] =	vst.idx.msk $0xffff, v54;
	v60 =	vld [tilespmem:s6+$0xFFFFFFE0]  }
0x1d3: {  	v41 =	vadd.f32 v23, v12;
	[tilespmem:v59+s20+$0x0] =	vst.idx.msk $0xffff, v26;
	v42 =	vadd.s32 v10, v21;
	v63 =	vld [tilespmem:s6+$0x20]  }
0x1d4: {  	v61 =	vadd.f32 v46, v13;
	v26 =	vld [tilespmem:s5+$0xFFFFFFB0];
	[tilespmem:v55+s20+$0x0] =	vst.idx.msk $0xffff, v33;
	v38 =	vadd.s32 v10, v35  }
0x1d5: {  	[tilespmem:v28+s20+$0x0] =	vst.idx.msk $0xffff, v41;
	v44 =	vld [tilespmem:s5+$0x30];
	v40 =	vadd.s32 v10, v37;
	v41 =	vadd.f32 v57, v13  }
0x1d6: {  	v50 =	vadd.s32 v11, v16;
	[tilespmem:v53+s20+$0x0] =	vst.idx.msk $0xffff, v61;
	v39 =	vld [tilespmem:s5+$0x70];
	v48 =	vadd.f32 v36, v13  }
0x1d7: {  	v29 =	vld [tilespmem:s5+$0xFFFFFFF0];
	v47 =	vadd.s32 v11, v19;
	v17 =	vadd.f32 v60, v13;
	[tilespmem:v62+s20+$0x0] =	vst.idx.msk $0xffff, v41  }
0x1d8: {  	v43 =	vadd.s32 v11, v15;
	v46 =	vadd.f32 v63, v13;
	v20 =	vld [tilespmem:s6+$0x70];
	[tilespmem:v42+s20+$0x0] =	vst.idx.msk $0xffff, v48  }
0x1d9: {  	v58 =	vadd.f32 v26, v12;
	v45 =	vadd.s32 v11, v18;
	[tilespmem:v38+s20+$0x0] =	vst.idx.msk $0xffff, v17;
	v56 =	vld [tilespmem:s6+$0xFFFFFFB0]  }
0x1da: {  	v53 =	vadd.s32 v11, v34;
	v55 =	vadd.f32 v44, v12;
	[tilespmem:v40+s20+$0x0] =	vst.idx.msk $0xffff, v46;
	v51 =	vld [tilespmem:s6+$0xFFFFFFF0]  }
0x1db: {  	v61 =	vadd.s32 v11, v21;
	[tilespmem:v50+s20+$0x0] =	vst.idx.msk $0xffff, v58;
	v49 =	vadd.f32 v39, v12;
	v54 =	vld [tilespmem:s6+$0x30]  }
0x1dc: {  	v52 =	vadd.f32 v29, v12;
	v57 =	vadd.s32 v11, v35;
	[tilespmem:v47+s20+$0x0] =	vst.idx.msk $0xffff, v55  }
0x1dd: {  	v59 =	vadd.s32 v11, v37;
	[tilespmem:v43+s20+$0x0] =	vst.idx.msk $0xffff, v49;
	v60 =	vadd.f32 v20, v12  }
0x1de: {  	[tilespmem:v45+s20+$0x0] =	vst.idx.msk $0xffff, v52;
	v63 =	vadd.f32 v56, v12  }
0x1df: {  	v62 =	vadd.f32 v51, v12;
	[tilespmem:v53+s20+$0x0] =	vst.idx.msk $0xffff, v60  }
0x1e0: {  	v13 =	vadd.f32 v54, v12;
	[tilespmem:v61+s20+$0x0] =	vst.idx.msk $0xffff, v63  }
0x1e1: {  	[tilespmem:v57+s20+$0x0] =	vst.idx.msk $0xffff, v62  }
0x1e2: {  	s15 =	simm.s32 @!p0 $0x11A00;
	s5 =	sadd.s32 @!p0 $0x6580, s22;
	s6 =	simm.s32 @!p0 $0x80;
	[tilespmem:v59+s20+$0x0] =	vst.idx.msk $0xffff, v13  }
0x1e3: {  	[tilespmem:s15], [sflag:$0x2] =	stream.indirect.gather @!p0 [hbm4b:s4+s6], $0x40, s5, s6, $0xb8;
	[tilespmem:$0x17E00] =	vst v63  }
0x1e4: {  	s15 =	sshll.u32 s18, $0xF  }
0x1e5: {  	s5 =	sor.u32 s7, s15  }
0x1e6: {  	s6 =	sadd.s32 s2, s5  }
0x1e7: {  	[hbm4b:s6+s3] =	stream.linear.scatter [tilespmem:s20], [sflag:$0x4], $0x80, $0x38;
	[tilespmem:$0x17E00] =	vst v63  }
0x1e8: {  	s18 =	simm.s32 $0x15C88;
	s16 =	sadd.s32 $0x10, s6  }
0x1e9: {  	[hbm4b:s16+s3] =	stream.linear.scatter [tilespmem:s18], [sflag:$0x4], $0x80, $0x38;
	[tilespmem:$0x17E00] =	vst v63  }
0x1ea: {  	s25 =	simm.s32 $0x15D10;
	s22 =	sadd.s32 $0x20, s6  }
0x1eb: {  	[hbm4b:s22+s3] =	stream.linear.scatter [tilespmem:s25], [sflag:$0x4], $0x80, $0x38;
	[tilespmem:$0x17E00] =	vst v63  }
0x1ec: {  	s16 =	sadd.s32 $0x30, s6;
	s18 =	simm.s32 $0x15D98  }
0x1ed: {  	[hbm4b:s16+s3] =	stream.linear.scatter [tilespmem:s18], [sflag:$0x4], $0x80, $0x38;
	[tilespmem:$0x17E00] =	vst v63  }
0x1ee: {  	s22 =	sadd.s32 $0x40, s6;
	s25 =	simm.s32 $0x15E20  }
0x1ef: {  	[hbm4b:s22+s3] =	stream.linear.scatter [tilespmem:s25], [sflag:$0x4], $0x80, $0x38;
	[tilespmem:$0x17E00] =	vst v63  }
0x1f0: {  	s16 =	sadd.s32 $0x50, s6;
	s18 =	simm.s32 $0x15EA8  }
0x1f1: {  	[hbm4b:s16+s3] =	stream.linear.scatter [tilespmem:s18], [sflag:$0x4], $0x80, $0x38;
	[tilespmem:$0x17E00] =	vst v63  }
0x1f2: {  	s22 =	sadd.s32 $0x60, s6;
	s25 =	simm.s32 $0x15F30  }
0x1f3: {  	[hbm4b:s22+s3] =	stream.linear.scatter [tilespmem:s25], [sflag:$0x4], $0x80, $0x38;
	[tilespmem:$0x17E00] =	vst v63  }
0x1f4: {  	s6 =	sadd.s32 $0x70, s6;
	s16 =	simm.s32 $0x15FB8  }
0x1f5: {  	[hbm4b:s6+s3] =	stream.linear.scatter [tilespmem:s16], [sflag:$0x4], $0x80, $0x38;
	[tilespmem:$0x17E00] =	vst v63  }
0x1f6: {  	s18 =	simm.s32 $0x16040;
	s6 =	sadd.s32 s5, s8  }
0x1f7: {  	[hbm4b:s6+s3] =	stream.linear.scatter [tilespmem:s18], [sflag:$0x4], $0x80, $0x38;
	[tilespmem:$0x17E00] =	vst v63  }
0x1f8: {  	s25 =	simm.s32 $0x160C8;
	s22 =	sadd.s32 $0x10, s6  }
0x1f9: {  	[hbm4b:s22+s3] =	stream.linear.scatter [tilespmem:s25], [sflag:$0x4], $0x80, $0x38;
	[tilespmem:$0x17E00] =	vst v63  }
0x1fa: {  	s16 =	sadd.s32 $0x20, s6;
	s18 =	simm.s32 $0x16150  }
0x1fb: {  	[hbm4b:s16+s3] =	stream.linear.scatter [tilespmem:s18], [sflag:$0x4], $0x80, $0x38;
	[tilespmem:$0x17E00] =	vst v63  }
0x1fc: {  	s22 =	sadd.s32 $0x30, s6;
	s25 =	simm.s32 $0x161D8  }
0x1fd: {  	[hbm4b:s22+s3] =	stream.linear.scatter [tilespmem:s25], [sflag:$0x4], $0x80, $0x38;
	[tilespmem:$0x17E00] =	vst v63  }
0x1fe: {  	s16 =	sadd.s32 $0x40, s6;
	s18 =	simm.s32 $0x16260  }
0x1ff: {  	[hbm4b:s16+s3] =	stream.linear.scatter [tilespmem:s18], [sflag:$0x4], $0x80, $0x38;
	[tilespmem:$0x17E00] =	vst v63  }
0x200: {  	s22 =	sadd.s32 $0x50, s6;
	s25 =	simm.s32 $0x162E8  }
0x201: {  	[hbm4b:s22+s3] =	stream.linear.scatter [tilespmem:s25], [sflag:$0x4], $0x80, $0x38;
	[tilespmem:$0x17E00] =	vst v63  }
0x202: {  	s16 =	sadd.s32 $0x60, s6;
	s18 =	simm.s32 $0x16370  }
0x203: {  	[hbm4b:s16+s3] =	stream.linear.scatter [tilespmem:s18], [sflag:$0x4], $0x80, $0x38;
	[tilespmem:$0x17E00] =	vst v63  }
0x204: {  	s6 =	sadd.s32 $0x70, s6;
	s22 =	simm.s32 $0x163F8  }
0x205: {  	[hbm4b:s6+s3] =	stream.linear.scatter [tilespmem:s22], [sflag:$0x4], $0x80, $0x38;
	[tilespmem:$0x17E00] =	vst v63  }
0x206: {  	s25 =	simm.s32 $0x16480;
	s6 =	sadd.s32 s5, s9  }
0x207: {  	[hbm4b:s6+s3] =	stream.linear.scatter [tilespmem:s25], [sflag:$0x4], $0x80, $0x38;
	[tilespmem:$0x17E00] =	vst v63  }
0x208: {  	s18 =	simm.s32 $0x16508;
	s16 =	sadd.s32 $0x10, s6  }
0x209: {  	[hbm4b:s16+s3] =	stream.linear.scatter [tilespmem:s18], [sflag:$0x4], $0x80, $0x38;
	[tilespmem:$0x17E00] =	vst v63  }
0x20a: {  	s22 =	sadd.s32 $0x20, s6;
	s25 =	simm.s32 $0x16590  }
0x20b: {  	[hbm4b:s22+s3] =	stream.linear.scatter [tilespmem:s25], [sflag:$0x4], $0x80, $0x38;
	[tilespmem:$0x17E00] =	vst v63  }
0x20c: {  	s16 =	sadd.s32 $0x30, s6;
	s18 =	simm.s32 $0x16618  }
0x20d: {  	[hbm4b:s16+s3] =	stream.linear.scatter [tilespmem:s18], [sflag:$0x4], $0x80, $0x38;
	[tilespmem:$0x17E00] =	vst v63  }
0x20e: {  	s22 =	sadd.s32 $0x40, s6;
	s25 =	simm.s32 $0x166A0  }
0x20f: {  	[hbm4b:s22+s3] =	stream.linear.scatter [tilespmem:s25], [sflag:$0x4], $0x80, $0x38;
	[tilespmem:$0x17E00] =	vst v63  }
0x210: {  	s16 =	sadd.s32 $0x50, s6;
	s18 =	simm.s32 $0x16728  }
0x211: {  	[hbm4b:s16+s3] =	stream.linear.scatter [tilespmem:s18], [sflag:$0x4], $0x80, $0x38;
	[tilespmem:$0x17E00] =	vst v63  }
0x212: {  	s22 =	sadd.s32 $0x60, s6;
	s25 =	simm.s32 $0x167B0  }
0x213: {  	[hbm4b:s22+s3] =	stream.linear.scatter [tilespmem:s25], [sflag:$0x4], $0x80, $0x38;
	[tilespmem:$0x17E00] =	vst v63  }
0x214: {  	s6 =	sadd.s32 $0x70, s6;
	s16 =	simm.s32 $0x16838  }
0x215: {  	[hbm4b:s6+s3] =	stream.linear.scatter [tilespmem:s16], [sflag:$0x4], $0x80, $0x38;
	[tilespmem:$0x17E00] =	vst v63  }
0x216: {  	s18 =	simm.s32 $0x168C0;
	s6 =	sadd.s32 s5, s10  }
0x217: {  	[hbm4b:s6+s3] =	stream.linear.scatter [tilespmem:s18], [sflag:$0x4], $0x80, $0x38;
	[tilespmem:$0x17E00] =	vst v63  }
0x218: {  	s25 =	simm.s32 $0x16948;
	s22 =	sadd.s32 $0x10, s6  }
0x219: {  	[hbm4b:s22+s3] =	stream.linear.scatter [tilespmem:s25], [sflag:$0x4], $0x80, $0x38;
	[tilespmem:$0x17E00] =	vst v63  }
0x21a: {  	s16 =	sadd.s32 $0x20, s6;
	s18 =	simm.s32 $0x169D0  }
0x21b: {  	[hbm4b:s16+s3] =	stream.linear.scatter [tilespmem:s18], [sflag:$0x4], $0x80, $0x38;
	[tilespmem:$0x17E00] =	vst v63  }
0x21c: {  	s22 =	sadd.s32 $0x30, s6;
	s25 =	simm.s32 $0x16A58  }
0x21d: {  	[hbm4b:s22+s3] =	stream.linear.scatter [tilespmem:s25], [sflag:$0x4], $0x80, $0x38;
	[tilespmem:$0x17E00] =	vst v63  }
0x21e: {  	s16 =	sadd.s32 $0x40, s6;
	s18 =	simm.s32 $0x16AE0  }
0x21f: {  	[hbm4b:s16+s3] =	stream.linear.scatter [tilespmem:s18], [sflag:$0x4], $0x80, $0x38;
	[tilespmem:$0x17E00] =	vst v63  }
0x220: {  	s22 =	sadd.s32 $0x50, s6;
	s25 =	simm.s32 $0x16B68  }
0x221: {  	[hbm4b:s22+s3] =	stream.linear.scatter [tilespmem:s25], [sflag:$0x4], $0x80, $0x38;
	[tilespmem:$0x17E00] =	vst v63  }
0x222: {  	s16 =	sadd.s32 $0x60, s6;
	s18 =	simm.s32 $0x16BF0  }
0x223: {  	[hbm4b:s16+s3] =	stream.linear.scatter [tilespmem:s18], [sflag:$0x4], $0x80, $0x38;
	[tilespmem:$0x17E00] =	vst v63  }
0x224: {  	s6 =	sadd.s32 $0x70, s6;
	s22 =	simm.s32 $0x16C78  }
0x225: {  	[hbm4b:s6+s3] =	stream.linear.scatter [tilespmem:s22], [sflag:$0x4], $0x80, $0x38;
	[tilespmem:$0x17E00] =	vst v63  }
0x226: {  	s25 =	simm.s32 $0x16D00;
	s6 =	sadd.s32 s5, s11  }
0x227: {  	[hbm4b:s6+s3] =	stream.linear.scatter [tilespmem:s25], [sflag:$0x4], $0x80, $0x38;
	[tilespmem:$0x17E00] =	vst v63  }
0x228: {  	s18 =	simm.s32 $0x16D88;
	s16 =	sadd.s32 $0x10, s6  }
0x229: {  	[hbm4b:s16+s3] =	stream.linear.scatter [tilespmem:s18], [sflag:$0x4], $0x80, $0x38;
	[tilespmem:$0x17E00] =	vst v63  }
0x22a: {  	s22 =	sadd.s32 $0x20, s6;
	s25 =	simm.s32 $0x16E10  }
0x22b: {  	[hbm4b:s22+s3] =	stream.linear.scatter [tilespmem:s25], [sflag:$0x4], $0x80, $0x38;
	[tilespmem:$0x17E00] =	vst v63  }
0x22c: {  	s16 =	sadd.s32 $0x30, s6;
	s18 =	simm.s32 $0x16E98  }
0x22d: {  	[hbm4b:s16+s3] =	stream.linear.scatter [tilespmem:s18], [sflag:$0x4], $0x80, $0x38;
	[tilespmem:$0x17E00] =	vst v63  }
0x22e: {  	s22 =	sadd.s32 $0x40, s6;
	s25 =	simm.s32 $0x16F20  }
0x22f: {  	[hbm4b:s22+s3] =	stream.linear.scatter [tilespmem:s25], [sflag:$0x4], $0x80, $0x38;
	[tilespmem:$0x17E00] =	vst v63  }
0x230: {  	s16 =	sadd.s32 $0x50, s6;
	s18 =	simm.s32 $0x16FA8  }
0x231: {  	[hbm4b:s16+s3] =	stream.linear.scatter [tilespmem:s18], [sflag:$0x4], $0x80, $0x38;
	[tilespmem:$0x17E00] =	vst v63  }
0x232: {  	s22 =	sadd.s32 $0x60, s6;
	s25 =	simm.s32 $0x17030  }
0x233: {  	[hbm4b:s22+s3] =	stream.linear.scatter [tilespmem:s25], [sflag:$0x4], $0x80, $0x38;
	[tilespmem:$0x17E00] =	vst v63  }
0x234: {  	s6 =	sadd.s32 $0x70, s6;
	s16 =	simm.s32 $0x170B8  }
0x235: {  	[hbm4b:s6+s3] =	stream.linear.scatter [tilespmem:s16], [sflag:$0x4], $0x80, $0x38;
	[tilespmem:$0x17E00] =	vst v63  }
0x236: {  	s18 =	simm.s32 $0x17140;
	s6 =	sadd.s32 s5, s12  }
0x237: {  	[hbm4b:s6+s3] =	stream.linear.scatter [tilespmem:s18], [sflag:$0x4], $0x80, $0x38;
	[tilespmem:$0x17E00] =	vst v63  }
0x238: {  	s25 =	simm.s32 $0x171C8;
	s22 =	sadd.s32 $0x10, s6  }
0x239: {  	[hbm4b:s22+s3] =	stream.linear.scatter [tilespmem:s25], [sflag:$0x4], $0x80, $0x38;
	[tilespmem:$0x17E00] =	vst v63  }
0x23a: {  	s16 =	sadd.s32 $0x20, s6;
	s18 =	simm.s32 $0x17250  }
0x23b: {  	[hbm4b:s16+s3] =	stream.linear.scatter [tilespmem:s18], [sflag:$0x4], $0x80, $0x38;
	[tilespmem:$0x17E00] =	vst v63  }
0x23c: {  	s22 =	sadd.s32 $0x30, s6;
	s25 =	simm.s32 $0x172D8  }
0x23d: {  	[hbm4b:s22+s3] =	stream.linear.scatter [tilespmem:s25], [sflag:$0x4], $0x80, $0x38;
	[tilespmem:$0x17E00] =	vst v63  }
0x23e: {  	s16 =	sadd.s32 $0x40, s6;
	s18 =	simm.s32 $0x17360  }
0x23f: {  	[hbm4b:s16+s3] =	stream.linear.scatter [tilespmem:s18], [sflag:$0x4], $0x80, $0x38;
	[tilespmem:$0x17E00] =	vst v63  }
0x240: {  	s22 =	sadd.s32 $0x50, s6;
	s25 =	simm.s32 $0x173E8  }
0x241: {  	[hbm4b:s22+s3] =	stream.linear.scatter [tilespmem:s25], [sflag:$0x4], $0x80, $0x38;
	[tilespmem:$0x17E00] =	vst v63  }
0x242: {  	s16 =	sadd.s32 $0x60, s6;
	s18 =	simm.s32 $0x17470  }
0x243: {  	[hbm4b:s16+s3] =	stream.linear.scatter [tilespmem:s18], [sflag:$0x4], $0x80, $0x38;
	[tilespmem:$0x17E00] =	vst v63  }
0x244: {  	s6 =	sadd.s32 $0x70, s6;
	s22 =	simm.s32 $0x174F8  }
0x245: {  	[hbm4b:s6+s3] =	stream.linear.scatter [tilespmem:s22], [sflag:$0x4], $0x80, $0x38;
	[tilespmem:$0x17E00] =	vst v63  }
0x246: {  	s25 =	simm.s32 $0x17580;
	s6 =	sadd.s32 s5, s13  }
0x247: {  	[hbm4b:s6+s3] =	stream.linear.scatter [tilespmem:s25], [sflag:$0x4], $0x80, $0x38;
	[tilespmem:$0x17E00] =	vst v63  }
0x248: {  	s18 =	simm.s32 $0x17608;
	s16 =	sadd.s32 $0x10, s6  }
0x249: {  	[hbm4b:s16+s3] =	stream.linear.scatter [tilespmem:s18], [sflag:$0x4], $0x80, $0x38;
	[tilespmem:$0x17E00] =	vst v63  }
0x24a: {  	s22 =	sadd.s32 $0x20, s6;
	s25 =	simm.s32 $0x17690  }
0x24b: {  	[hbm4b:s22+s3] =	stream.linear.scatter [tilespmem:s25], [sflag:$0x4], $0x80, $0x38;
	[tilespmem:$0x17E00] =	vst v63  }
0x24c: {  	s16 =	sadd.s32 $0x30, s6;
	s18 =	simm.s32 $0x17718  }
0x24d: {  	[hbm4b:s16+s3] =	stream.linear.scatter [tilespmem:s18], [sflag:$0x4], $0x80, $0x38;
	[tilespmem:$0x17E00] =	vst v63  }
0x24e: {  	s22 =	sadd.s32 $0x40, s6;
	s25 =	simm.s32 $0x177A0  }
0x24f: {  	[hbm4b:s22+s3] =	stream.linear.scatter [tilespmem:s25], [sflag:$0x4], $0x80, $0x38;
	[tilespmem:$0x17E00] =	vst v63  }
0x250: {  	s16 =	sadd.s32 $0x50, s6;
	s18 =	simm.s32 $0x17828  }
0x251: {  	[hbm4b:s16+s3] =	stream.linear.scatter [tilespmem:s18], [sflag:$0x4], $0x80, $0x38;
	[tilespmem:$0x17E00] =	vst v63  }
0x252: {  	s22 =	sadd.s32 $0x60, s6;
	s25 =	simm.s32 $0x178B0  }
0x253: {  	[hbm4b:s22+s3] =	stream.linear.scatter [tilespmem:s25], [sflag:$0x4], $0x80, $0x38;
	[tilespmem:$0x17E00] =	vst v63  }
0x254: {  	s6 =	sadd.s32 $0x70, s6;
	s18 =	simm.s32 $0x17938  }
0x255: {  	[hbm4b:s6+s3] =	stream.linear.scatter [tilespmem:s18], [sflag:$0x4], $0x80, $0x38;
	[tilespmem:$0x17E00] =	vst v63  }
0x256: {  	s5 =	sadd.s32 s5, s14;
	s22 =	simm.s32 $0x179C0  }
0x257: {  	[hbm4b:s5+s3] =	stream.linear.scatter [tilespmem:s22], [sflag:$0x4], $0x80, $0x38;
	[tilespmem:$0x17E00] =	vst v63  }
0x258: {  	s25 =	sadd.s32 $0x10, s5  }
0x259: {  	[hbm4b:s25+s3] =	stream.linear.scatter [tilespmem:s26], [sflag:$0x4], $0x80, $0x38;
	[tilespmem:$0x17E00] =	vst v63  }
0x25a: {  	s15 =	sadd.s32 $0x20, s5  }
0x25b: {  	[hbm4b:s15+s3] =	stream.linear.scatter [tilespmem:s28], [sflag:$0x4], $0x80, $0x38;
	[tilespmem:$0x17E00] =	vst v63  }
0x25c: {  	s16 =	sadd.s32 $0x30, s5  }
0x25d: {  	[hbm4b:s16+s3] =	stream.linear.scatter [tilespmem:s29], [sflag:$0x4], $0x80, $0x38;
	[tilespmem:$0x17E00] =	vst v63  }
0x25e: {  	s21 =	sadd.s32 $0x1, s21;
	s18 =	sadd.s32 $0x40, s5  }
0x25f: {  	[hbm4b:s18+s3] =	stream.linear.scatter [tilespmem:s30], [sflag:$0x4], $0x80, $0x38;
	[tilespmem:$0x17E00] =	vst v63  }
0x260: {  	p0 =	sne.s32 s21, $0x64;
	s22 =	sadd.s32 $0x50, s5  }
0x261: {  	[hbm4b:s22+s3] =	stream.linear.scatter [tilespmem:s31], [sflag:$0x4], $0x80, $0x38;
	[tilespmem:$0x17E00] =	vst v63  }
.Ltmp3:
0x262: {  	_ = 	snop;
	(pc) =	sbr.rel @p0 .LBB2_4-.Ltmp3, $4  }
0x263: {  	s25 =	sadd.s32 $0x60, s5  }
0x264: {  	[hbm4b:s25+s3] =	stream.linear.scatter [tilespmem:s1], [sflag:$0x4], $0x80, $0x38;
	[tilespmem:$0x17E00] =	vst v63  }
0x265: {  	s5 =	sadd.s32 $0x70, s5  }
0x266: {  	[hbm4b:s5+s3] =	stream.linear.scatter [tilespmem:s0], [sflag:$0x4], $0x80, $0x38;
	[tilespmem:$0x17E00] =	vst v63  }
0x267: {  	s5 =	simm.s32 $0x3  }
0x268: {  	_ =	swait.ge [sflag:s5], $0x2000  }
0x269: {  	[sflag:s5] =	ssyncset.done $0x0  }
0x26a: {  	s6 =	simm.s32 $0x4;
	[sflag:s5] =	ssyncadd.s32 $0xFFFFE000  }
0x26b: {  	_ =	swait.ge [sflag:s6], $0x2000  }
0x26c: {  	s15 =	rddreg [dreg:$0x6]  }
0x26d: {  	s25 =	rddreg [dreg:$0x5];
	s15 =	sadd.s32 $0x1, s15  }
0x26e: {  	p0 =	sne.s32 s15, s25  }
.Ltmp4:
0x26f: {  	_ = 	snop;
	(pc) =	sbr.rel @p0 .LBB2_1-.Ltmp4, $3  }
0x270: {  	_ =	sdelay $0x1  }
0x271: {  	[sflag:s6] =	ssyncset.done $0x0  }
0x272: {  	[sflag:s6] =	ssyncadd.s32 $0xFFFFE000  }
0x273: {  	_ =	sfence.sel $0x180000  }
0x274: {  	[bflag:$0x0] =	sbarrier.arrive $0xFFFF  }
0x275: {  	_ =	strace $0x9000004A  }
0x276: {  	s0 =	stileid.u32;
	[bflag:$0x2] =	sbarrier.arrive $0xFFFF  }
0x277: {  	p0 =	sne.s32 s0, $0x0;
	s0 =	rddreg [dreg:$0x2]  }
0x278: {  	s0 =	sadd.s32 @!p0 $0x100000, s0  }
0x279: {  	[sflag:s0] =	ssyncadd.tile.s32 @!p0 $0x1;
	_ =	shalt  }
.Lfunc_end2:
_tile_overlayer_lowered:
.L_overlay_start_2:
0x27a: {  	(tag) =	ssettag $0x2  }
0x27b: {  	s0 =	rddreg [dreg:$0x0];
	s2 =	stileid.u32  }
0x27c: {  	s1 =	rddreg [dreg:$0x1];
	p0 =	sne.s32 s2, $0x0  }
0x27d: {  	s3 =	rddreg [dreg:$0x2];
	[bflag:$0x3] =	sbarrier.arrive $0xFFFF;
	s2 =	simm.s32 @!p0 $0x1C05  }
0x27e: {  	[timem:s3], [sflag:s2] =	dma.local @!p0 [hbm:s0], s1  }
0x27f: {  	s0 =	simm.s32 @!p0 $0x5  }
0x280: {  	_ =	swait.ge @!p0 [sflag:s0], s1  }
0x281: {  	s1 =	ssub.s32 @!p0 $0x0, s1;
	[sflag:s0] =	ssyncset.done @!p0 $0x0  }
0x282: {  	[sflag:s0] =	ssyncadd.s32 @!p0 s1  }
0x283: {  	[bflag:$0x3] =	sbarrier.arrive $0xFFFF  }
0x284: {  	_ =	shalt  }

</sc_bundles>
